<compile_context>
chip_gen: v7x
topology: tpu7x:2x2x1
jax: 0.10.2.dev20260603
libtpu: 0.0.44.dev20260713+nightly
codegen_flags: <defaults>
</compile_context>

<pallas_src>
import functools

import jax
import jax.numpy as jnp
from jax import lax
from jax.experimental import pallas as pl
from jax.experimental.pallas import tpu as pltpu
from jax.experimental.pallas import tpu_sc as plsc

N = 10000
E = 320000
D = 128
H = 128
C = 40
EPS = 1e-5

NC = 2
NS = 16
NW = NC * NS
N_P = 10240
ROWS_PER_TILE = N_P // NS
CHUNK = 80
NCHUNK = 128
E_PAD = CHUNK * NCHUNK * NW

_MESH = plsc.VectorSubcoreMesh(core_axis_name="c", subcore_axis_name="s")


@functools.partial(
    pl.kernel,
    out_type=jax.ShapeDtypeStruct((NC, N_P), jnp.float32),
    mesh=_MESH,
    scratch_types=[
        pltpu.VMEM((NCHUNK, CHUNK), jnp.int32),
        pltpu.VMEM((CHUNK,), jnp.float32),
        pltpu.VMEM_SHARED((N_P,), jnp.float32),
    ],
)
def _sc_degree(dst3_hbm, zeros1_hbm, out_hbm, dst_idx, ones_v, deg_sh):
    c = lax.axis_index("c")
    s = lax.axis_index("s")
    w = c * NS + s
    pltpu.sync_copy(dst3_hbm.at[w], dst_idx)
    for i in range(CHUNK // 16):
        ones_v[pl.ds(i * 16, 16)] = jnp.ones((16,), jnp.float32)
    rbase = s * ROWS_PER_TILE
    pltpu.sync_copy(zeros1_hbm, deg_sh.at[pl.ds(rbase, ROWS_PER_TILE)])
    plsc.subcore_barrier()

    def body(j, carry):
        pltpu.sync_copy(ones_v, deg_sh.at[dst_idx.at[j]], add=True)
        return carry

    lax.fori_loop(0, NCHUNK, body, 0)
    plsc.subcore_barrier()
    pltpu.sync_copy(deg_sh.at[pl.ds(rbase, ROWS_PER_TILE)],
                    out_hbm.at[c, pl.ds(rbase, ROWS_PER_TILE)])


@functools.partial(
    pl.kernel,
    out_type=jax.ShapeDtypeStruct((NC, N_P, H), jnp.float32),
    mesh=_MESH,
    scratch_types=[
        pltpu.VMEM((CHUNK,), jnp.int32),
        pltpu.VMEM((CHUNK,), jnp.int32),
        pltpu.VMEM((CHUNK,), jnp.int32),
        pltpu.VMEM((CHUNK,), jnp.int32),
        pltpu.VMEM((CHUNK, H), jnp.float32),
        pltpu.VMEM((CHUNK, H), jnp.float32),
        pltpu.VMEM_SHARED((N_P, H), jnp.float32),
        pltpu.SemaphoreType.DMA,
        pltpu.SemaphoreType.DMA,
        pltpu.SemaphoreType.DMA,
        pltpu.SemaphoreType.DMA,
        pltpu.SemaphoreType.DMA,
        pltpu.SemaphoreType.DMA,
    ],
)
def _sc_aggregate(hs_hbm, src3_hbm, dst3_hbm, zeros_hbm, out_hbm,
                  sidx0, sidx1, didx0, didx1, rows0, rows1, acc,
                  sem_si0, sem_si1, sem_di0, sem_di1, sem_g0, sem_g1):
    c = lax.axis_index("c")
    s = lax.axis_index("s")
    w = c * NS + s
    rbase = s * ROWS_PER_TILE

    @pl.when(c == 0)
    def _():
        pltpu.sync_copy(hs_hbm.at[pl.ds(rbase, ROWS_PER_TILE)],
                        acc.at[pl.ds(rbase, ROWS_PER_TILE)])

    @pl.when(c != 0)
    def _():
        pltpu.sync_copy(zeros_hbm, acc.at[pl.ds(rbase, ROWS_PER_TILE)])

    pltpu.async_copy(src3_hbm.at[w, 0], sidx0, sem_si0)
    pltpu.async_copy(dst3_hbm.at[w, 0], didx0, sem_di0)
    pltpu.async_copy(src3_hbm.at[w, 1], sidx1, sem_si1)
    pltpu.async_copy(dst3_hbm.at[w, 1], didx1, sem_di1)

    plsc.subcore_barrier()

    pltpu.make_async_copy(src3_hbm.at[w, 0], sidx0, sem_si0).wait()
    pltpu.async_copy(hs_hbm.at[sidx0], rows0, sem_g0)
    pltpu.make_async_copy(src3_hbm.at[w, 1], sidx1, sem_si1).wait()
    pltpu.async_copy(hs_hbm.at[sidx1], rows1, sem_g1)

    def body(kk, carry):
        j0 = 2 * kk
        j1 = j0 + 1
        not_last = kk < NCHUNK // 2 - 1

        pltpu.make_async_copy(hs_hbm.at[pl.ds(0, CHUNK)], rows0, sem_g0).wait()
        pltpu.make_async_copy(dst3_hbm.at[w, j0], didx0, sem_di0).wait()
        pltpu.sync_copy(rows0, acc.at[didx0], add=True)

        @pl.when(not_last)
        def _():
            pltpu.async_copy(src3_hbm.at[w, j0 + 2], sidx0, sem_si0)
            pltpu.async_copy(dst3_hbm.at[w, j0 + 2], didx0, sem_di0)

        pltpu.make_async_copy(hs_hbm.at[pl.ds(0, CHUNK)], rows1, sem_g1).wait()
        pltpu.make_async_copy(dst3_hbm.at[w, j1], didx1, sem_di1).wait()
        pltpu.sync_copy(rows1, acc.at[didx1], add=True)

        @pl.when(not_last)
        def _():
            pltpu.async_copy(src3_hbm.at[w, j1 + 2], sidx1, sem_si1)
            pltpu.async_copy(dst3_hbm.at[w, j1 + 2], didx1, sem_di1)
            pltpu.make_async_copy(src3_hbm.at[w, 0], sidx0, sem_si0).wait()
            pltpu.async_copy(hs_hbm.at[sidx0], rows0, sem_g0)
            pltpu.make_async_copy(src3_hbm.at[w, 0], sidx1, sem_si1).wait()
            pltpu.async_copy(hs_hbm.at[sidx1], rows1, sem_g1)

        return carry

    lax.fori_loop(0, NCHUNK // 2, body, 0)
    plsc.subcore_barrier()
    pltpu.sync_copy(acc.at[pl.ds(rbase, ROWS_PER_TILE)],
                    out_hbm.at[c, pl.ds(rbase, ROWS_PER_TILE)])


def _tc_first(deg2_ref, x_ref, w1_ref, hs_ref, dinv_ref):
    deg = deg2_ref[0, :] + deg2_ref[1, :] + 1.0
    dinv = lax.rsqrt(deg)
    dinv2 = dinv[:, None]
    dinv_ref[...] = dinv2
    h = jnp.dot(x_ref[...], w1_ref[...], preferred_element_type=jnp.float32)
    hs_ref[0:N, :] = h * dinv2[0:N]
    hs_ref[N:N_P, :] = jnp.zeros((N_P - N, H), jnp.float32)


def _tc_mid(acc_ref, dinv_ref, b_ref, g_ref, be_ref, w_ref, hs_ref):
    a = acc_ref[0] + acc_ref[1]
    dinv2 = dinv_ref[0:N]
    pre = a[0:N] * dinv2 + b_ref[...]
    mu = jnp.mean(pre, axis=0)
    zc = pre - mu
    var = jnp.mean(zc * zc, axis=0)
    y = g_ref[...] * zc * lax.rsqrt(var + EPS) + be_ref[...]
    r = jnp.maximum(y, 0.0)
    h = jnp.dot(r, w_ref[...], preferred_element_type=jnp.float32)
    hs_ref[0:N, :] = h * dinv2
    hs_ref[N:N_P, :] = jnp.zeros((N_P - N, H), jnp.float32)


def _tc_final(acc_ref, dinv_ref, b3_ref, out_ref):
    a = acc_ref[0] + acc_ref[1]
    pre = a[0:N, 0:C] * dinv_ref[0:N] + b3_ref[...]
    m = jnp.max(pre, axis=1, keepdims=True)
    z = pre - m
    lse = jnp.log(jnp.sum(jnp.exp(z), axis=1, keepdims=True))
    out_ref[...] = z - lse


def kernel(x, adj_t, W1, b1, g1, be1, W2, b2, g2, be2, W3, b3):
    src = adj_t[0]
    dst = adj_t[1]
    pad = jnp.full((E_PAD - E,), N_P - 1, jnp.int32)
    src3 = jnp.concatenate([src, pad]).reshape(NW, NCHUNK, CHUNK)
    dst3 = jnp.concatenate([dst, pad]).reshape(NW, NCHUNK, CHUNK)
    zeros1 = jnp.zeros((ROWS_PER_TILE,), jnp.float32)
    zeros_h = jnp.zeros((ROWS_PER_TILE, H), jnp.float32)
    W3p = jnp.pad(W3, ((0, 0), (0, H - C)))

    deg2 = _sc_degree(dst3, zeros1)

    hs1, dinv = pl.pallas_call(
        _tc_first,
        out_shape=(jax.ShapeDtypeStruct((N_P, H), jnp.float32),
                   jax.ShapeDtypeStruct((N_P, 1), jnp.float32)),
    )(deg2, x, W1)

    acc1 = _sc_aggregate(hs1, src3, dst3, zeros_h)
    hs2 = pl.pallas_call(
        _tc_mid,
        out_shape=jax.ShapeDtypeStruct((N_P, H), jnp.float32),
    )(acc1, dinv, b1, g1, be1, W2)

    acc2 = _sc_aggregate(hs2, src3, dst3, zeros_h)
    hs3 = pl.pallas_call(
        _tc_mid,
        out_shape=jax.ShapeDtypeStruct((N_P, H), jnp.float32),
    )(acc2, dinv, b2, g2, be2, W3p)

    acc3 = _sc_aggregate(hs3, src3, dst3, zeros_h)
    out = pl.pallas_call(
        _tc_final,
        out_shape=jax.ShapeDtypeStruct((N, C), jnp.float32),
    )(acc3, dinv, b3)
    return out

# --- scband reference (transcript-rebuilt; emitter-appended) ---
"""Pipeline reference for scband-gcn-55628416418160 (READ-ONLY COPY).

The authoritative reference and input builder live on the scoring server;
editing this copy changes nothing except your own understanding.
"""

import jax, jax.numpy as jnp
import numpy as np

N = 10000
E = 320000
D = 128
H = 128
C = 40
EPS = 1e-5


def setup_inputs(seed: int = 0) -> dict:
    key = jax.random.key(seed)
    ks = jax.random.split(key, 12)
    x = jax.random.normal(ks[0], (N, D), dtype=jnp.float32)
    adj_t = jax.random.randint(ks[1], (2, E), 0, N, dtype=jnp.int32)
    W1 = jax.random.normal(ks[2], (D, H), dtype=jnp.float32) * (1.0 / np.sqrt(D))
    b1 = jnp.zeros((H,), dtype=jnp.float32)
    g1 = jnp.ones((H,), dtype=jnp.float32)
    be1 = jnp.zeros((H,), dtype=jnp.float32)
    W2 = jax.random.normal(ks[3], (H, H), dtype=jnp.float32) * (1.0 / np.sqrt(H))
    b2 = jnp.zeros((H,), dtype=jnp.float32)
    g2 = jnp.ones((H,), dtype=jnp.float32)
    be2 = jnp.zeros((H,), dtype=jnp.float32)
    W3 = jax.random.normal(ks[4], (H, C), dtype=jnp.float32) * (1.0 / np.sqrt(H))
    b3 = jnp.zeros((C,), dtype=jnp.float32)
    return {"x": x, "adj_t": adj_t, "W1": W1, "b1": b1, "g1": g1, "be1": be1,
            "W2": W2, "b2": b2, "g2": g2, "be2": be2, "W3": W3, "b3": b3}


def _gcn_conv(x, W, b, src_sl, dst_sl, norm):
    h = x @ W
    msg = h[src_sl] * norm[:, None]
    out = jax.ops.segment_sum(msg, dst_sl, num_segments=N)
    return out + b


def _batch_norm(x, g, be):
    mu = jnp.mean(x, axis=0)
    var = jnp.var(x, axis=0)
    return g * (x - mu) / jnp.sqrt(var + EPS) + be


def reference(x, adj_t, W1, b1, g1, be1, W2, b2, g2, be2, W3, b3):
    src, dst = adj_t[0], adj_t[1]
    loop = jnp.arange(N, dtype=src.dtype)
    src_sl = jnp.concatenate([src, loop])
    dst_sl = jnp.concatenate([dst, loop])
    deg = jax.ops.segment_sum(jnp.ones_like(dst_sl, dtype=jnp.float32), dst_sl, num_segments=N)
    dinv = jnp.where(deg > 0, 1.0 / jnp.sqrt(deg), 0.0)
    norm = dinv[src_sl] * dinv[dst_sl]
    h = _gcn_conv(x, W1, b1, src_sl, dst_sl, norm)
    h = _batch_norm(h, g1, be1)
    h = jax.nn.relu(h)
    h = _gcn_conv(h, W2, b2, src_sl, dst_sl, norm)
    h = _batch_norm(h, g2, be2)
    h = jax.nn.relu(h)
    h = _gcn_conv(h, W3, b3, src_sl, dst_sl, norm)
    return jax.nn.log_softmax(h, axis=1)

if __name__ == "__main__":
    import jax
    _d = setup_inputs()
    print(jax.jit(kernel)(*tuple(_d.values())))

</pallas_src>

<mosaic_0001>
#map = affine_map<(d0, d1) -> (0, 0)>
#map1 = affine_map<(d0, d1) -> (0, 0, 0)>
module attributes {stable_mosaic.version = 14 : i64} {
  func.func @_sc_aggregate(%arg0: i32, %arg1: i32, %arg2: memref<10240x128xf32, #tpu.memory_space<hbm>>, %arg3: memref<32x128x80xi32, #tpu.memory_space<hbm>>, %arg4: memref<32x128x80xi32, #tpu.memory_space<hbm>>, %arg5: memref<640x128xf32, #tpu.memory_space<hbm>>, %arg6: memref<2x10240x128xf32, #tpu.memory_space<hbm>>, %arg7: memref<80xi32, #tpu.memory_space<vmem>>, %arg8: memref<80xi32, #tpu.memory_space<vmem>>, %arg9: memref<80xi32, #tpu.memory_space<vmem>>, %arg10: memref<80xi32, #tpu.memory_space<vmem>>, %arg11: memref<80x128xf32, #tpu.memory_space<vmem>>, %arg12: memref<80x128xf32, #tpu.memory_space<vmem>>, %arg13: memref<10240x128xf32, #tpu.memory_space<vmem_shared>>, %arg14: memref<!tpu.dma_semaphore, #tpu.memory_space<semaphore_mem>>, %arg15: memref<!tpu.dma_semaphore, #tpu.memory_space<semaphore_mem>>, %arg16: memref<!tpu.dma_semaphore, #tpu.memory_space<semaphore_mem>>, %arg17: memref<!tpu.dma_semaphore, #tpu.memory_space<semaphore_mem>>, %arg18: memref<!tpu.dma_semaphore, #tpu.memory_space<semaphore_mem>>, %arg19: memref<!tpu.dma_semaphore, #tpu.memory_space<semaphore_mem>>) attributes {dimension_semantics = [#tpu.dimension_semantics<core_parallel>, #tpu.dimension_semantics<subcore_parallel>], iteration_bounds = array<i64: 2, 16>, scalar_prefetch = 0 : i64, scratch_operands = 13 : i64, tpu.core_type = #tpu.core_type<sc_vector_subcore>, window_params = [{transform_indices = #map}, {transform_indices = #map1}, {transform_indices = #map1}, {transform_indices = #map}, {transform_indices = #map1}]} {
    %mul3A = arith.constant 16 : i32
    %mul3A_0 = arith.muli %arg0, %mul3A : i32
    %add3A = arith.addi %mul3A_0, %arg1 : i32
    %mul3A_1 = arith.constant 640 : i32
    %mul3A_2 = arith.muli %arg1, %mul3A_1 : i32
    %eq3A = arith.constant 0 : i32
    %eq3A_3 = arith.cmpi eq, %arg0, %eq3A : i32
    %convert_element_type3A = arith.extui %eq3A_3 : i1 to i32
    %cond3A = arith.constant 0 : i32
    %cond3A_4 = arith.cmpi ne, %convert_element_type3A, %cond3A : i32
    scf.if %cond3A_4 {
      "tpu.region"() ({
        %run_scoped3A = tpu.sem_alloc : memref<!tpu.dma_semaphore, #tpu.memory_space<semaphore_mem>>
        %dma_start3A_61 = arith.constant 0 : i32
        %dma_start3A_62 = tpu.memref_slice %arg13[%mul3A_2, %dma_start3A_61] : memref<10240x128xf32, #tpu.memory_space<vmem_shared>> -> memref<640x128xf32, #tpu.memory_space<vmem_shared>>
        %dma_start3A_63 = arith.constant 0 : i32
        %dma_start3A_64 = tpu.memref_slice %arg2[%mul3A_2, %dma_start3A_63] : memref<10240x128xf32, #tpu.memory_space<hbm>> -> memref<640x128xf32, #tpu.memory_space<hbm>>
        tpu.enqueue_dma source(%dma_start3A_64 : memref<640x128xf32, #tpu.memory_space<hbm>>) target(%dma_start3A_62 : memref<640x128xf32, #tpu.memory_space<vmem_shared>>) target_semaphore(%run_scoped3A : memref<!tpu.dma_semaphore, #tpu.memory_space<semaphore_mem>>)
        %dma_wait3A_65 = arith.constant 0 : i32
        %dma_wait3A_66 = tpu.memref_slice %arg13[%mul3A_2, %dma_wait3A_65] : memref<10240x128xf32, #tpu.memory_space<vmem_shared>> -> memref<640x128xf32, #tpu.memory_space<vmem_shared>>
        %dma_wait3A_67 = arith.constant 0 : i32
        %dma_wait3A_68 = tpu.memref_slice %arg2[%mul3A_2, %dma_wait3A_67] : memref<10240x128xf32, #tpu.memory_space<hbm>> -> memref<640x128xf32, #tpu.memory_space<hbm>>
        tpu.wait_dma2 semaphore(%run_scoped3A : memref<!tpu.dma_semaphore, #tpu.memory_space<semaphore_mem>>) src(%dma_wait3A_68 : memref<640x128xf32, #tpu.memory_space<hbm>>) dst(%dma_wait3A_66 : memref<640x128xf32, #tpu.memory_space<vmem_shared>>)
        tpu.yield
      }) : () -> ()
    } else {
    }
    %ne3A = arith.constant 0 : i32
    %ne3A_5 = arith.cmpi ne, %arg0, %ne3A : i32
    %convert_element_type3A_6 = arith.extui %ne3A_5 : i1 to i32
    %cond3A_7 = arith.constant 0 : i32
    %cond3A_8 = arith.cmpi ne, %convert_element_type3A_6, %cond3A_7 : i32
    scf.if %cond3A_8 {
      "tpu.region"() ({
        %run_scoped3A = tpu.sem_alloc : memref<!tpu.dma_semaphore, #tpu.memory_space<semaphore_mem>>
        %dma_start3A_61 = arith.constant 0 : i32
        %dma_start3A_62 = tpu.memref_slice %arg13[%mul3A_2, %dma_start3A_61] : memref<10240x128xf32, #tpu.memory_space<vmem_shared>> -> memref<640x128xf32, #tpu.memory_space<vmem_shared>>
        tpu.enqueue_dma source(%arg5 : memref<640x128xf32, #tpu.memory_space<hbm>>) target(%dma_start3A_62 : memref<640x128xf32, #tpu.memory_space<vmem_shared>>) target_semaphore(%run_scoped3A : memref<!tpu.dma_semaphore, #tpu.memory_space<semaphore_mem>>)
        %dma_wait3A_63 = arith.constant 0 : i32
        %dma_wait3A_64 = tpu.memref_slice %arg13[%mul3A_2, %dma_wait3A_63] : memref<10240x128xf32, #tpu.memory_space<vmem_shared>> -> memref<640x128xf32, #tpu.memory_space<vmem_shared>>
        tpu.wait_dma2 semaphore(%run_scoped3A : memref<!tpu.dma_semaphore, #tpu.memory_space<semaphore_mem>>) src(%arg5 : memref<640x128xf32, #tpu.memory_space<hbm>>) dst(%dma_wait3A_64 : memref<640x128xf32, #tpu.memory_space<vmem_shared>>)
        tpu.yield
      }) : () -> ()
    } else {
    }
    %dma_start3A = arith.constant 0 : i32
    %dma_start3A_9 = arith.constant 0 : i32
    %dma_start3A_10 = tpu.memref_slice %arg3[%add3A, %dma_start3A, %dma_start3A_9] : memref<32x128x80xi32, #tpu.memory_space<hbm>> -> memref<1x1x80xi32, #tpu.memory_space<hbm>>
    %dma_start3A_11 = tpu.memref_squeeze %dma_start3A_10 : memref<1x1x80xi32, #tpu.memory_space<hbm>> -> memref<80xi32, #tpu.memory_space<hbm>>
    %dma_start3A_12 = arith.constant 0 : i32
    %dma_start3A_13 = tpu.memref_slice %arg3[%add3A, %dma_start3A, %dma_start3A_12] : memref<32x128x80xi32, #tpu.memory_space<hbm>> -> memref<1x1x80xi32, #tpu.memory_space<hbm>>
    %dma_start3A_14 = tpu.memref_squeeze %dma_start3A_13 : memref<1x1x80xi32, #tpu.memory_space<hbm>> -> memref<80xi32, #tpu.memory_space<hbm>>
    tpu.enqueue_dma source(%dma_start3A_14 : memref<80xi32, #tpu.memory_space<hbm>>) target(%arg7 : memref<80xi32, #tpu.memory_space<vmem>>) target_semaphore(%arg14 : memref<!tpu.dma_semaphore, #tpu.memory_space<semaphore_mem>>)
    %dma_start3A_15 = arith.constant 0 : i32
    %dma_start3A_16 = arith.constant 0 : i32
    %dma_start3A_17 = tpu.memref_slice %arg4[%add3A, %dma_start3A_15, %dma_start3A_16] : memref<32x128x80xi32, #tpu.memory_space<hbm>> -> memref<1x1x80xi32, #tpu.memory_space<hbm>>
    %dma_start3A_18 = tpu.memref_squeeze %dma_start3A_17 : memref<1x1x80xi32, #tpu.memory_space<hbm>> -> memref<80xi32, #tpu.memory_space<hbm>>
    %dma_start3A_19 = arith.constant 0 : i32
    %dma_start3A_20 = tpu.memref_slice %arg4[%add3A, %dma_start3A_15, %dma_start3A_19] : memref<32x128x80xi32, #tpu.memory_space<hbm>> -> memref<1x1x80xi32, #tpu.memory_space<hbm>>
    %dma_start3A_21 = tpu.memref_squeeze %dma_start3A_20 : memref<1x1x80xi32, #tpu.memory_space<hbm>> -> memref<80xi32, #tpu.memory_space<hbm>>
    tpu.enqueue_dma source(%dma_start3A_21 : memref<80xi32, #tpu.memory_space<hbm>>) target(%arg9 : memref<80xi32, #tpu.memory_space<vmem>>) target_semaphore(%arg16 : memref<!tpu.dma_semaphore, #tpu.memory_space<semaphore_mem>>)
    %dma_start3A_22 = arith.constant 1 : i32
    %dma_start3A_23 = arith.constant 0 : i32
    %dma_start3A_24 = tpu.memref_slice %arg3[%add3A, %dma_start3A_22, %dma_start3A_23] : memref<32x128x80xi32, #tpu.memory_space<hbm>> -> memref<1x1x80xi32, #tpu.memory_space<hbm>>
    %dma_start3A_25 = tpu.memref_squeeze %dma_start3A_24 : memref<1x1x80xi32, #tpu.memory_space<hbm>> -> memref<80xi32, #tpu.memory_space<hbm>>
    %dma_start3A_26 = arith.constant 0 : i32
    %dma_start3A_27 = tpu.memref_slice %arg3[%add3A, %dma_start3A_22, %dma_start3A_26] : memref<32x128x80xi32, #tpu.memory_space<hbm>> -> memref<1x1x80xi32, #tpu.memory_space<hbm>>
    %dma_start3A_28 = tpu.memref_squeeze %dma_start3A_27 : memref<1x1x80xi32, #tpu.memory_space<hbm>> -> memref<80xi32, #tpu.memory_space<hbm>>
    tpu.enqueue_dma source(%dma_start3A_28 : memref<80xi32, #tpu.memory_space<hbm>>) target(%arg8 : memref<80xi32, #tpu.memory_space<vmem>>) target_semaphore(%arg15 : memref<!tpu.dma_semaphore, #tpu.memory_space<semaphore_mem>>)
    %dma_start3A_29 = arith.constant 1 : i32
    %dma_start3A_30 = arith.constant 0 : i32
    %dma_start3A_31 = tpu.memref_slice %arg4[%add3A, %dma_start3A_29, %dma_start3A_30] : memref<32x128x80xi32, #tpu.memory_space<hbm>> -> memref<1x1x80xi32, #tpu.memory_space<hbm>>
    %dma_start3A_32 = tpu.memref_squeeze %dma_start3A_31 : memref<1x1x80xi32, #tpu.memory_space<hbm>> -> memref<80xi32, #tpu.memory_space<hbm>>
    %dma_start3A_33 = arith.constant 0 : i32
    %dma_start3A_34 = tpu.memref_slice %arg4[%add3A, %dma_start3A_29, %dma_start3A_33] : memref<32x128x80xi32, #tpu.memory_space<hbm>> -> memref<1x1x80xi32, #tpu.memory_space<hbm>>
    %dma_start3A_35 = tpu.memref_squeeze %dma_start3A_34 : memref<1x1x80xi32, #tpu.memory_space<hbm>> -> memref<80xi32, #tpu.memory_space<hbm>>
    tpu.enqueue_dma source(%dma_start3A_35 : memref<80xi32, #tpu.memory_space<hbm>>) target(%arg10 : memref<80xi32, #tpu.memory_space<vmem>>) target_semaphore(%arg17 : memref<!tpu.dma_semaphore, #tpu.memory_space<semaphore_mem>>)
    %barrier3A = arith.constant 0 : index
    tpu.barrier barrier_id(%barrier3A)
    %dma_wait3A = arith.constant 0 : i32
    %dma_wait3A_36 = arith.constant 0 : i32
    %dma_wait3A_37 = tpu.memref_slice %arg3[%add3A, %dma_wait3A, %dma_wait3A_36] : memref<32x128x80xi32, #tpu.memory_space<hbm>> -> memref<1x1x80xi32, #tpu.memory_space<hbm>>
    %dma_wait3A_38 = tpu.memref_squeeze %dma_wait3A_37 : memref<1x1x80xi32, #tpu.memory_space<hbm>> -> memref<80xi32, #tpu.memory_space<hbm>>
    %dma_wait3A_39 = arith.constant 0 : i32
    %dma_wait3A_40 = tpu.memref_slice %arg3[%add3A, %dma_wait3A, %dma_wait3A_39] : memref<32x128x80xi32, #tpu.memory_space<hbm>> -> memref<1x1x80xi32, #tpu.memory_space<hbm>>
    %dma_wait3A_41 = tpu.memref_squeeze %dma_wait3A_40 : memref<1x1x80xi32, #tpu.memory_space<hbm>> -> memref<80xi32, #tpu.memory_space<hbm>>
    tpu.wait_dma2 semaphore(%arg14 : memref<!tpu.dma_semaphore, #tpu.memory_space<semaphore_mem>>) src(%dma_wait3A_41 : memref<80xi32, #tpu.memory_space<hbm>>) dst(%arg7 : memref<80xi32, #tpu.memory_space<vmem>>)
    %dma_start3A_42 = arith.constant 0 : i32
    %dma_start3A_43 = arith.constant 0 : i32
    %dma_start3A_44 = tpu.memref_slice %arg2[%dma_start3A_42, %dma_start3A_43] : memref<10240x128xf32, #tpu.memory_space<hbm>> -> memref<10240x128xf32, #tpu.memory_space<hbm>>
    tpu.enqueue_indirect_dma source(%dma_start3A_44 : memref<10240x128xf32, #tpu.memory_space<hbm>>) target(%arg11 : memref<80x128xf32, #tpu.memory_space<vmem>>) offsets(%arg7 : memref<80xi32, #tpu.memory_space<vmem>>) semaphore(%arg18 : memref<!tpu.dma_semaphore, #tpu.memory_space<semaphore_mem>>)
    %dma_wait3A_45 = arith.constant 1 : i32
    %dma_wait3A_46 = arith.constant 0 : i32
    %dma_wait3A_47 = tpu.memref_slice %arg3[%add3A, %dma_wait3A_45, %dma_wait3A_46] : memref<32x128x80xi32, #tpu.memory_space<hbm>> -> memref<1x1x80xi32, #tpu.memory_space<hbm>>
    %dma_wait3A_48 = tpu.memref_squeeze %dma_wait3A_47 : memref<1x1x80xi32, #tpu.memory_space<hbm>> -> memref<80xi32, #tpu.memory_space<hbm>>
    %dma_wait3A_49 = arith.constant 0 : i32
    %dma_wait3A_50 = tpu.memref_slice %arg3[%add3A, %dma_wait3A_45, %dma_wait3A_49] : memref<32x128x80xi32, #tpu.memory_space<hbm>> -> memref<1x1x80xi32, #tpu.memory_space<hbm>>
    %dma_wait3A_51 = tpu.memref_squeeze %dma_wait3A_50 : memref<1x1x80xi32, #tpu.memory_space<hbm>> -> memref<80xi32, #tpu.memory_space<hbm>>
    tpu.wait_dma2 semaphore(%arg15 : memref<!tpu.dma_semaphore, #tpu.memory_space<semaphore_mem>>) src(%dma_wait3A_51 : memref<80xi32, #tpu.memory_space<hbm>>) dst(%arg8 : memref<80xi32, #tpu.memory_space<vmem>>)
    %dma_start3A_52 = arith.constant 0 : i32
    %dma_start3A_53 = arith.constant 0 : i32
    %dma_start3A_54 = tpu.memref_slice %arg2[%dma_start3A_52, %dma_start3A_53] : memref<10240x128xf32, #tpu.memory_space<hbm>> -> memref<10240x128xf32, #tpu.memory_space<hbm>>
    tpu.enqueue_indirect_dma source(%dma_start3A_54 : memref<10240x128xf32, #tpu.memory_space<hbm>>) target(%arg12 : memref<80x128xf32, #tpu.memory_space<vmem>>) offsets(%arg8 : memref<80xi32, #tpu.memory_space<vmem>>) semaphore(%arg19 : memref<!tpu.dma_semaphore, #tpu.memory_space<semaphore_mem>>)
    %scan3A = arith.constant 0 : i32
    %scan3A_55 = arith.constant 0 : i32
    %scan3A_56 = arith.constant 64 : i32
    %scan3A_57 = arith.addi %scan3A_55, %scan3A_56 : i32
    %scan3A_58 = arith.constant 1 : i32
    scf.for %scan3A_61 = %scan3A_55 to %scan3A_57 step %scan3A_58  : i32 {
      %mul3A_62 = arith.constant 2 : i32
      %mul3A_63 = arith.muli %mul3A_62, %scan3A_61 : i32
      %add3A_64 = arith.constant 1 : i32
      %add3A_65 = arith.addi %mul3A_63, %add3A_64 : i32
      %lt3A = arith.constant 63 : i32
      %lt3A_66 = arith.cmpi slt, %scan3A_61, %lt3A : i32
      %dma_wait3A_67 = arith.constant 0 : i32
      %dma_wait3A_68 = arith.constant 0 : i32
      %dma_wait3A_69 = tpu.memref_slice %arg2[%dma_wait3A_67, %dma_wait3A_68] : memref<10240x128xf32, #tpu.memory_space<hbm>> -> memref<80x128xf32, #tpu.memory_space<hbm>>
      %dma_wait3A_70 = arith.constant 0 : i32
      %dma_wait3A_71 = arith.constant 0 : i32
      %dma_wait3A_72 = tpu.memref_slice %arg2[%dma_wait3A_70, %dma_wait3A_71] : memref<10240x128xf32, #tpu.memory_space<hbm>> -> memref<80x128xf32, #tpu.memory_space<hbm>>
      tpu.wait_dma2 semaphore(%arg18 : memref<!tpu.dma_semaphore, #tpu.memory_space<semaphore_mem>>) src(%dma_wait3A_72 : memref<80x128xf32, #tpu.memory_space<hbm>>) dst(%arg11 : memref<80x128xf32, #tpu.memory_space<vmem>>)
      %dma_wait3A_73 = arith.constant 0 : i32
      %dma_wait3A_74 = tpu.memref_slice %arg4[%add3A, %mul3A_63, %dma_wait3A_73] : memref<32x128x80xi32, #tpu.memory_space<hbm>> -> memref<1x1x80xi32, #tpu.memory_space<hbm>>
      %dma_wait3A_75 = tpu.memref_squeeze %dma_wait3A_74 : memref<1x1x80xi32, #tpu.memory_space<hbm>> -> memref<80xi32, #tpu.memory_space<hbm>>
      %dma_wait3A_76 = arith.constant 0 : i32
      %dma_wait3A_77 = tpu.memref_slice %arg4[%add3A, %mul3A_63, %dma_wait3A_76] : memref<32x128x80xi32, #tpu.memory_space<hbm>> -> memref<1x1x80xi32, #tpu.memory_space<hbm>>
      %dma_wait3A_78 = tpu.memref_squeeze %dma_wait3A_77 : memref<1x1x80xi32, #tpu.memory_space<hbm>> -> memref<80xi32, #tpu.memory_space<hbm>>
      tpu.wait_dma2 semaphore(%arg16 : memref<!tpu.dma_semaphore, #tpu.memory_space<semaphore_mem>>) src(%dma_wait3A_78 : memref<80xi32, #tpu.memory_space<hbm>>) dst(%arg9 : memref<80xi32, #tpu.memory_space<vmem>>)
      "tpu.region"() ({
        %run_scoped3A = tpu.sem_alloc : memref<!tpu.dma_semaphore, #tpu.memory_space<semaphore_mem>>
        %dma_start3A_97 = arith.constant 0 : i32
        %dma_start3A_98 = arith.constant 0 : i32
        %dma_start3A_99 = tpu.memref_slice %arg13[%dma_start3A_97, %dma_start3A_98] : memref<10240x128xf32, #tpu.memory_space<vmem_shared>> -> memref<10240x128xf32, #tpu.memory_space<vmem_shared>>
        tpu.enqueue_indirect_dma source(%arg11 : memref<80x128xf32, #tpu.memory_space<vmem>>) target(%dma_start3A_99 : memref<10240x128xf32, #tpu.memory_space<vmem_shared>>) offsets(%arg9 : memref<80xi32, #tpu.memory_space<vmem>>) semaphore(%run_scoped3A : memref<!tpu.dma_semaphore, #tpu.memory_space<semaphore_mem>>) {add = true}
        %dma_wait3A_100 = arith.constant 0 : i32
        %dma_wait3A_101 = arith.constant 0 : i32
        %dma_wait3A_102 = tpu.memref_slice %arg13[%dma_wait3A_100, %dma_wait3A_101] : memref<10240x128xf32, #tpu.memory_space<vmem_shared>> -> memref<10240x128xf32, #tpu.memory_space<vmem_shared>>
        tpu.wait_indirect_dma semaphore(%run_scoped3A : memref<!tpu.dma_semaphore, #tpu.memory_space<semaphore_mem>>) src(%arg11 : memref<80x128xf32, #tpu.memory_space<vmem>>) dst(%dma_wait3A_102 : memref<10240x128xf32, #tpu.memory_space<vmem_shared>>)
        tpu.yield
      }) : () -> ()
      %convert_element_type3A_79 = arith.extui %lt3A_66 : i1 to i32
      %cond3A_80 = arith.constant 0 : i32
      %cond3A_81 = arith.cmpi ne, %convert_element_type3A_79, %cond3A_80 : i32
      scf.if %cond3A_81 {
        %add3A_97 = arith.constant 2 : i32
        %add3A_98 = arith.addi %mul3A_63, %add3A_97 : i32
        %dma_start3A_99 = arith.constant 0 : i32
        %dma_start3A_100 = tpu.memref_slice %arg3[%add3A, %add3A_98, %dma_start3A_99] : memref<32x128x80xi32, #tpu.memory_space<hbm>> -> memref<1x1x80xi32, #tpu.memory_space<hbm>>
        %dma_start3A_101 = tpu.memref_squeeze %dma_start3A_100 : memref<1x1x80xi32, #tpu.memory_space<hbm>> -> memref<80xi32, #tpu.memory_space<hbm>>
        %dma_start3A_102 = arith.constant 0 : i32
        %dma_start3A_103 = tpu.memref_slice %arg3[%add3A, %add3A_98, %dma_start3A_102] : memref<32x128x80xi32, #tpu.memory_space<hbm>> -> memref<1x1x80xi32, #tpu.memory_space<hbm>>
        %dma_start3A_104 = tpu.memref_squeeze %dma_start3A_103 : memref<1x1x80xi32, #tpu.memory_space<hbm>> -> memref<80xi32, #tpu.memory_space<hbm>>
        tpu.enqueue_dma source(%dma_start3A_104 : memref<80xi32, #tpu.memory_space<hbm>>) target(%arg7 : memref<80xi32, #tpu.memory_space<vmem>>) target_semaphore(%arg14 : memref<!tpu.dma_semaphore, #tpu.memory_space<semaphore_mem>>)
        %add3A_105 = arith.constant 2 : i32
        %add3A_106 = arith.addi %mul3A_63, %add3A_105 : i32
        %dma_start3A_107 = arith.constant 0 : i32
        %dma_start3A_108 = tpu.memref_slice %arg4[%add3A, %add3A_106, %dma_start3A_107] : memref<32x128x80xi32, #tpu.memory_space<hbm>> -> memref<1x1x80xi32, #tpu.memory_space<hbm>>
        %dma_start3A_109 = tpu.memref_squeeze %dma_start3A_108 : memref<1x1x80xi32, #tpu.memory_space<hbm>> -> memref<80xi32, #tpu.memory_space<hbm>>
        %dma_start3A_110 = arith.constant 0 : i32
        %dma_start3A_111 = tpu.memref_slice %arg4[%add3A, %add3A_106, %dma_start3A_110] : memref<32x128x80xi32, #tpu.memory_space<hbm>> -> memref<1x1x80xi32, #tpu.memory_space<hbm>>
        %dma_start3A_112 = tpu.memref_squeeze %dma_start3A_111 : memref<1x1x80xi32, #tpu.memory_space<hbm>> -> memref<80xi32, #tpu.memory_space<hbm>>
        tpu.enqueue_dma source(%dma_start3A_112 : memref<80xi32, #tpu.memory_space<hbm>>) target(%arg9 : memref<80xi32, #tpu.memory_space<vmem>>) target_semaphore(%arg16 : memref<!tpu.dma_semaphore, #tpu.memory_space<semaphore_mem>>)
      } else {
      }
      %dma_wait3A_82 = arith.constant 0 : i32
      %dma_wait3A_83 = arith.constant 0 : i32
      %dma_wait3A_84 = tpu.memref_slice %arg2[%dma_wait3A_82, %dma_wait3A_83] : memref<10240x128xf32, #tpu.memory_space<hbm>> -> memref<80x128xf32, #tpu.memory_space<hbm>>
      %dma_wait3A_85 = arith.constant 0 : i32
      %dma_wait3A_86 = arith.constant 0 : i32
      %dma_wait3A_87 = tpu.memref_slice %arg2[%dma_wait3A_85, %dma_wait3A_86] : memref<10240x128xf32, #tpu.memory_space<hbm>> -> memref<80x128xf32, #tpu.memory_space<hbm>>
      tpu.wait_dma2 semaphore(%arg19 : memref<!tpu.dma_semaphore, #tpu.memory_space<semaphore_mem>>) src(%dma_wait3A_87 : memref<80x128xf32, #tpu.memory_space<hbm>>) dst(%arg12 : memref<80x128xf32, #tpu.memory_space<vmem>>)
      %dma_wait3A_88 = arith.constant 0 : i32
      %dma_wait3A_89 = tpu.memref_slice %arg4[%add3A, %add3A_65, %dma_wait3A_88] : memref<32x128x80xi32, #tpu.memory_space<hbm>> -> memref<1x1x80xi32, #tpu.memory_space<hbm>>
      %dma_wait3A_90 = tpu.memref_squeeze %dma_wait3A_89 : memref<1x1x80xi32, #tpu.memory_space<hbm>> -> memref<80xi32, #tpu.memory_space<hbm>>
      %dma_wait3A_91 = arith.constant 0 : i32
      %dma_wait3A_92 = tpu.memref_slice %arg4[%add3A, %add3A_65, %dma_wait3A_91] : memref<32x128x80xi32, #tpu.memory_space<hbm>> -> memref<1x1x80xi32, #tpu.memory_space<hbm>>
      %dma_wait3A_93 = tpu.memref_squeeze %dma_wait3A_92 : memref<1x1x80xi32, #tpu.memory_space<hbm>> -> memref<80xi32, #tpu.memory_space<hbm>>
      tpu.wait_dma2 semaphore(%arg17 : memref<!tpu.dma_semaphore, #tpu.memory_space<semaphore_mem>>) src(%dma_wait3A_93 : memref<80xi32, #tpu.memory_space<hbm>>) dst(%arg10 : memref<80xi32, #tpu.memory_space<vmem>>)
      "tpu.region"() ({
        %run_scoped3A = tpu.sem_alloc : memref<!tpu.dma_semaphore, #tpu.memory_space<semaphore_mem>>
        %dma_start3A_97 = arith.constant 0 : i32
        %dma_start3A_98 = arith.constant 0 : i32
        %dma_start3A_99 = tpu.memref_slice %arg13[%dma_start3A_97, %dma_start3A_98] : memref<10240x128xf32, #tpu.memory_space<vmem_shared>> -> memref<10240x128xf32, #tpu.memory_space<vmem_shared>>
        tpu.enqueue_indirect_dma source(%arg12 : memref<80x128xf32, #tpu.memory_space<vmem>>) target(%dma_start3A_99 : memref<10240x128xf32, #tpu.memory_space<vmem_shared>>) offsets(%arg10 : memref<80xi32, #tpu.memory_space<vmem>>) semaphore(%run_scoped3A : memref<!tpu.dma_semaphore, #tpu.memory_space<semaphore_mem>>) {add = true}
        %dma_wait3A_100 = arith.constant 0 : i32
        %dma_wait3A_101 = arith.constant 0 : i32
        %dma_wait3A_102 = tpu.memref_slice %arg13[%dma_wait3A_100, %dma_wait3A_101] : memref<10240x128xf32, #tpu.memory_space<vmem_shared>> -> memref<10240x128xf32, #tpu.memory_space<vmem_shared>>
        tpu.wait_indirect_dma semaphore(%run_scoped3A : memref<!tpu.dma_semaphore, #tpu.memory_space<semaphore_mem>>) src(%arg12 : memref<80x128xf32, #tpu.memory_space<vmem>>) dst(%dma_wait3A_102 : memref<10240x128xf32, #tpu.memory_space<vmem_shared>>)
        tpu.yield
      }) : () -> ()
      %convert_element_type3A_94 = arith.extui %lt3A_66 : i1 to i32
      %cond3A_95 = arith.constant 0 : i32
      %cond3A_96 = arith.cmpi ne, %convert_element_type3A_94, %cond3A_95 : i32
      scf.if %cond3A_96 {
        %add3A_97 = arith.constant 2 : i32
        %add3A_98 = arith.addi %add3A_65, %add3A_97 : i32
        %dma_start3A_99 = arith.constant 0 : i32
        %dma_start3A_100 = tpu.memref_slice %arg3[%add3A, %add3A_98, %dma_start3A_99] : memref<32x128x80xi32, #tpu.memory_space<hbm>> -> memref<1x1x80xi32, #tpu.memory_space<hbm>>
        %dma_start3A_101 = tpu.memref_squeeze %dma_start3A_100 : memref<1x1x80xi32, #tpu.memory_space<hbm>> -> memref<80xi32, #tpu.memory_space<hbm>>
        %dma_start3A_102 = arith.constant 0 : i32
        %dma_start3A_103 = tpu.memref_slice %arg3[%add3A, %add3A_98, %dma_start3A_102] : memref<32x128x80xi32, #tpu.memory_space<hbm>> -> memref<1x1x80xi32, #tpu.memory_space<hbm>>
        %dma_start3A_104 = tpu.memref_squeeze %dma_start3A_103 : memref<1x1x80xi32, #tpu.memory_space<hbm>> -> memref<80xi32, #tpu.memory_space<hbm>>
        tpu.enqueue_dma source(%dma_start3A_104 : memref<80xi32, #tpu.memory_space<hbm>>) target(%arg8 : memref<80xi32, #tpu.memory_space<vmem>>) target_semaphore(%arg15 : memref<!tpu.dma_semaphore, #tpu.memory_space<semaphore_mem>>)
        %add3A_105 = arith.constant 2 : i32
        %add3A_106 = arith.addi %add3A_65, %add3A_105 : i32
        %dma_start3A_107 = arith.constant 0 : i32
        %dma_start3A_108 = tpu.memref_slice %arg4[%add3A, %add3A_106, %dma_start3A_107] : memref<32x128x80xi32, #tpu.memory_space<hbm>> -> memref<1x1x80xi32, #tpu.memory_space<hbm>>
        %dma_start3A_109 = tpu.memref_squeeze %dma_start3A_108 : memref<1x1x80xi32, #tpu.memory_space<hbm>> -> memref<80xi32, #tpu.memory_space<hbm>>
        %dma_start3A_110 = arith.constant 0 : i32
        %dma_start3A_111 = tpu.memref_slice %arg4[%add3A, %add3A_106, %dma_start3A_110] : memref<32x128x80xi32, #tpu.memory_space<hbm>> -> memref<1x1x80xi32, #tpu.memory_space<hbm>>
        %dma_start3A_112 = tpu.memref_squeeze %dma_start3A_111 : memref<1x1x80xi32, #tpu.memory_space<hbm>> -> memref<80xi32, #tpu.memory_space<hbm>>
        tpu.enqueue_dma source(%dma_start3A_112 : memref<80xi32, #tpu.memory_space<hbm>>) target(%arg10 : memref<80xi32, #tpu.memory_space<vmem>>) target_semaphore(%arg17 : memref<!tpu.dma_semaphore, #tpu.memory_space<semaphore_mem>>)
        %dma_wait3A_113 = arith.constant 0 : i32
        %dma_wait3A_114 = arith.constant 0 : i32
        %dma_wait3A_115 = tpu.memref_slice %arg3[%add3A, %dma_wait3A_113, %dma_wait3A_114] : memref<32x128x80xi32, #tpu.memory_space<hbm>> -> memref<1x1x80xi32, #tpu.memory_space<hbm>>
        %dma_wait3A_116 = tpu.memref_squeeze %dma_wait3A_115 : memref<1x1x80xi32, #tpu.memory_space<hbm>> -> memref<80xi32, #tpu.memory_space<hbm>>
        %dma_wait3A_117 = arith.constant 0 : i32
        %dma_wait3A_118 = tpu.memref_slice %arg3[%add3A, %dma_wait3A_113, %dma_wait3A_117] : memref<32x128x80xi32, #tpu.memory_space<hbm>> -> memref<1x1x80xi32, #tpu.memory_space<hbm>>
        %dma_wait3A_119 = tpu.memref_squeeze %dma_wait3A_118 : memref<1x1x80xi32, #tpu.memory_space<hbm>> -> memref<80xi32, #tpu.memory_space<hbm>>
        tpu.wait_dma2 semaphore(%arg14 : memref<!tpu.dma_semaphore, #tpu.memory_space<semaphore_mem>>) src(%dma_wait3A_119 : memref<80xi32, #tpu.memory_space<hbm>>) dst(%arg7 : memref<80xi32, #tpu.memory_space<vmem>>)
        %dma_start3A_120 = arith.constant 0 : i32
        %dma_start3A_121 = arith.constant 0 : i32
        %dma_start3A_122 = tpu.memref_slice %arg2[%dma_start3A_120, %dma_start3A_121] : memref<10240x128xf32, #tpu.memory_space<hbm>> -> memref<10240x128xf32, #tpu.memory_space<hbm>>
        tpu.enqueue_indirect_dma source(%dma_start3A_122 : memref<10240x128xf32, #tpu.memory_space<hbm>>) target(%arg11 : memref<80x128xf32, #tpu.memory_space<vmem>>) offsets(%arg7 : memref<80xi32, #tpu.memory_space<vmem>>) semaphore(%arg18 : memref<!tpu.dma_semaphore, #tpu.memory_space<semaphore_mem>>)
        %dma_wait3A_123 = arith.constant 0 : i32
        %dma_wait3A_124 = arith.constant 0 : i32
        %dma_wait3A_125 = tpu.memref_slice %arg3[%add3A, %dma_wait3A_123, %dma_wait3A_124] : memref<32x128x80xi32, #tpu.memory_space<hbm>> -> memref<1x1x80xi32, #tpu.memory_space<hbm>>
        %dma_wait3A_126 = tpu.memref_squeeze %dma_wait3A_125 : memref<1x1x80xi32, #tpu.memory_space<hbm>> -> memref<80xi32, #tpu.memory_space<hbm>>
        %dma_wait3A_127 = arith.constant 0 : i32
        %dma_wait3A_128 = tpu.memref_slice %arg3[%add3A, %dma_wait3A_123, %dma_wait3A_127] : memref<32x128x80xi32, #tpu.memory_space<hbm>> -> memref<1x1x80xi32, #tpu.memory_space<hbm>>
        %dma_wait3A_129 = tpu.memref_squeeze %dma_wait3A_128 : memref<1x1x80xi32, #tpu.memory_space<hbm>> -> memref<80xi32, #tpu.memory_space<hbm>>
        tpu.wait_dma2 semaphore(%arg15 : memref<!tpu.dma_semaphore, #tpu.memory_space<semaphore_mem>>) src(%dma_wait3A_129 : memref<80xi32, #tpu.memory_space<hbm>>) dst(%arg8 : memref<80xi32, #tpu.memory_space<vmem>>)
        %dma_start3A_130 = arith.constant 0 : i32
        %dma_start3A_131 = arith.constant 0 : i32
        %dma_start3A_132 = tpu.memref_slice %arg2[%dma_start3A_130, %dma_start3A_131] : memref<10240x128xf32, #tpu.memory_space<hbm>> -> memref<10240x128xf32, #tpu.memory_space<hbm>>
        tpu.enqueue_indirect_dma source(%dma_start3A_132 : memref<10240x128xf32, #tpu.memory_space<hbm>>) target(%arg12 : memref<80x128xf32, #tpu.memory_space<vmem>>) offsets(%arg8 : memref<80xi32, #tpu.memory_space<vmem>>) semaphore(%arg19 : memref<!tpu.dma_semaphore, #tpu.memory_space<semaphore_mem>>)
      } else {
      }
    }
    %scan3A_59 = arith.constant 64 : i32
    %barrier3A_60 = arith.constant 0 : index
    tpu.barrier barrier_id(%barrier3A_60)
    "tpu.region"() ({
      %run_scoped3A = tpu.sem_alloc : memref<!tpu.dma_semaphore, #tpu.memory_space<semaphore_mem>>
      %dma_start3A_61 = arith.constant 0 : i32
      %dma_start3A_62 = tpu.memref_slice %arg6[%arg0, %mul3A_2, %dma_start3A_61] : memref<2x10240x128xf32, #tpu.memory_space<hbm>> -> memref<1x640x128xf32, #tpu.memory_space<hbm>>
      %dma_start3A_63 = tpu.memref_squeeze %dma_start3A_62 : memref<1x640x128xf32, #tpu.memory_space<hbm>> -> memref<640x128xf32, #tpu.memory_space<hbm>>
      %dma_start3A_64 = arith.constant 0 : i32
      %dma_start3A_65 = tpu.memref_slice %arg13[%mul3A_2, %dma_start3A_64] : memref<10240x128xf32, #tpu.memory_space<vmem_shared>> -> memref<640x128xf32, #tpu.memory_space<vmem_shared>>
      tpu.enqueue_dma source(%dma_start3A_65 : memref<640x128xf32, #tpu.memory_space<vmem_shared>>) target(%dma_start3A_63 : memref<640x128xf32, #tpu.memory_space<hbm>>) target_semaphore(%run_scoped3A : memref<!tpu.dma_semaphore, #tpu.memory_space<semaphore_mem>>)
      %dma_wait3A_66 = arith.constant 0 : i32
      %dma_wait3A_67 = tpu.memref_slice %arg6[%arg0, %mul3A_2, %dma_wait3A_66] : memref<2x10240x128xf32, #tpu.memory_space<hbm>> -> memref<1x640x128xf32, #tpu.memory_space<hbm>>
      %dma_wait3A_68 = tpu.memref_squeeze %dma_wait3A_67 : memref<1x640x128xf32, #tpu.memory_space<hbm>> -> memref<640x128xf32, #tpu.memory_space<hbm>>
      %dma_wait3A_69 = arith.constant 0 : i32
      %dma_wait3A_70 = tpu.memref_slice %arg13[%mul3A_2, %dma_wait3A_69] : memref<10240x128xf32, #tpu.memory_space<vmem_shared>> -> memref<640x128xf32, #tpu.memory_space<vmem_shared>>
      tpu.wait_dma2 semaphore(%run_scoped3A : memref<!tpu.dma_semaphore, #tpu.memory_space<semaphore_mem>>) src(%dma_wait3A_70 : memref<640x128xf32, #tpu.memory_space<vmem_shared>>) dst(%dma_wait3A_68 : memref<640x128xf32, #tpu.memory_space<hbm>>)
      tpu.yield
    }) : () -> ()
    return
  }
}

#map = affine_map<(d0, d1) -> (0, 0)>
#map1 = affine_map<(d0, d1) -> (0, 0, 0)>
module attributes {stable_mosaic.version = 14 : i64} {
  func.func @_sc_aggregate(%arg0: i32, %arg1: i32, %arg2: memref<10240x128xf32, #tpu.memory_space<hbm>>, %arg3: memref<32x128x80xi32, #tpu.memory_space<hbm>>, %arg4: memref<32x128x80xi32, #tpu.memory_space<hbm>>, %arg5: memref<640x128xf32, #tpu.memory_space<hbm>>, %arg6: memref<2x10240x128xf32, #tpu.memory_space<hbm>>, %arg7: memref<80xi32, #tpu.memory_space<vmem>>, %arg8: memref<80xi32, #tpu.memory_space<vmem>>, %arg9: memref<80xi32, #tpu.memory_space<vmem>>, %arg10: memref<80xi32, #tpu.memory_space<vmem>>, %arg11: memref<80x128xf32, #tpu.memory_space<vmem>>, %arg12: memref<80x128xf32, #tpu.memory_space<vmem>>, %arg13: memref<10240x128xf32, #tpu.memory_space<vmem_shared>>, %arg14: memref<!tpu.dma_semaphore, #tpu.memory_space<semaphore_mem>>, %arg15: memref<!tpu.dma_semaphore, #tpu.memory_space<semaphore_mem>>, %arg16: memref<!tpu.dma_semaphore, #tpu.memory_space<semaphore_mem>>, %arg17: memref<!tpu.dma_semaphore, #tpu.memory_space<semaphore_mem>>, %arg18: memref<!tpu.dma_semaphore, #tpu.memory_space<semaphore_mem>>, %arg19: memref<!tpu.dma_semaphore, #tpu.memory_space<semaphore_mem>>) attributes {dimension_semantics = [#tpu.dimension_semantics<core_parallel>, #tpu.dimension_semantics<subcore_parallel>], iteration_bounds = array<i64: 2, 16>, scalar_prefetch = 0 : i64, scratch_operands = 13 : i64, tpu.core_type = #tpu.core_type<sc_vector_subcore>, window_params = [{transform_indices = #map}, {transform_indices = #map1}, {transform_indices = #map1}, {transform_indices = #map}, {transform_indices = #map1}]} {
    %mul3A = arith.constant 16 : i32
    %mul3A_0 = arith.muli %arg0, %mul3A : i32
    %add3A = arith.addi %mul3A_0, %arg1 : i32
    %mul3A_1 = arith.constant 640 : i32
    %mul3A_2 = arith.muli %arg1, %mul3A_1 : i32
    %eq3A = arith.constant 0 : i32
    %eq3A_3 = arith.cmpi eq, %arg0, %eq3A : i32
    %convert_element_type3A = arith.extui %eq3A_3 : i1 to i32
    %cond3A = arith.constant 0 : i32
    %cond3A_4 = arith.cmpi ne, %convert_element_type3A, %cond3A : i32
    scf.if %cond3A_4 {
      "tpu.region"() ({
        %run_scoped3A = tpu.sem_alloc : memref<!tpu.dma_semaphore, #tpu.memory_space<semaphore_mem>>
        %dma_start3A_61 = arith.constant 0 : i32
        %dma_start3A_62 = tpu.memref_slice %arg13[%mul3A_2, %dma_start3A_61] : memref<10240x128xf32, #tpu.memory_space<vmem_shared>> -> memref<640x128xf32, #tpu.memory_space<vmem_shared>>
        %dma_start3A_63 = arith.constant 0 : i32
        %dma_start3A_64 = tpu.memref_slice %arg2[%mul3A_2, %dma_start3A_63] : memref<10240x128xf32, #tpu.memory_space<hbm>> -> memref<640x128xf32, #tpu.memory_space<hbm>>
        tpu.enqueue_dma source(%dma_start3A_64 : memref<640x128xf32, #tpu.memory_space<hbm>>) target(%dma_start3A_62 : memref<640x128xf32, #tpu.memory_space<vmem_shared>>) target_semaphore(%run_scoped3A : memref<!tpu.dma_semaphore, #tpu.memory_space<semaphore_mem>>)
        %dma_wait3A_65 = arith.constant 0 : i32
        %dma_wait3A_66 = tpu.memref_slice %arg13[%mul3A_2, %dma_wait3A_65] : memref<10240x128xf32, #tpu.memory_space<vmem_shared>> -> memref<640x128xf32, #tpu.memory_space<vmem_shared>>
        %dma_wait3A_67 = arith.constant 0 : i32
        %dma_wait3A_68 = tpu.memref_slice %arg2[%mul3A_2, %dma_wait3A_67] : memref<10240x128xf32, #tpu.memory_space<hbm>> -> memref<640x128xf32, #tpu.memory_space<hbm>>
        tpu.wait_dma2 semaphore(%run_scoped3A : memref<!tpu.dma_semaphore, #tpu.memory_space<semaphore_mem>>) src(%dma_wait3A_68 : memref<640x128xf32, #tpu.memory_space<hbm>>) dst(%dma_wait3A_66 : memref<640x128xf32, #tpu.memory_space<vmem_shared>>)
        tpu.yield
      }) : () -> ()
    } else {
    }
    %ne3A = arith.constant 0 : i32
    %ne3A_5 = arith.cmpi ne, %arg0, %ne3A : i32
    %convert_element_type3A_6 = arith.extui %ne3A_5 : i1 to i32
    %cond3A_7 = arith.constant 0 : i32
    %cond3A_8 = arith.cmpi ne, %convert_element_type3A_6, %cond3A_7 : i32
    scf.if %cond3A_8 {
      "tpu.region"() ({
        %run_scoped3A = tpu.sem_alloc : memref<!tpu.dma_semaphore, #tpu.memory_space<semaphore_mem>>
        %dma_start3A_61 = arith.constant 0 : i32
        %dma_start3A_62 = tpu.memref_slice %arg13[%mul3A_2, %dma_start3A_61] : memref<10240x128xf32, #tpu.memory_space<vmem_shared>> -> memref<640x128xf32, #tpu.memory_space<vmem_shared>>
        tpu.enqueue_dma source(%arg5 : memref<640x128xf32, #tpu.memory_space<hbm>>) target(%dma_start3A_62 : memref<640x128xf32, #tpu.memory_space<vmem_shared>>) target_semaphore(%run_scoped3A : memref<!tpu.dma_semaphore, #tpu.memory_space<semaphore_mem>>)
        %dma_wait3A_63 = arith.constant 0 : i32
        %dma_wait3A_64 = tpu.memref_slice %arg13[%mul3A_2, %dma_wait3A_63] : memref<10240x128xf32, #tpu.memory_space<vmem_shared>> -> memref<640x128xf32, #tpu.memory_space<vmem_shared>>
        tpu.wait_dma2 semaphore(%run_scoped3A : memref<!tpu.dma_semaphore, #tpu.memory_space<semaphore_mem>>) src(%arg5 : memref<640x128xf32, #tpu.memory_space<hbm>>) dst(%dma_wait3A_64 : memref<640x128xf32, #tpu.memory_space<vmem_shared>>)
        tpu.yield
      }) : () -> ()
    } else {
    }
    %dma_start3A = arith.constant 0 : i32
    %dma_start3A_9 = arith.constant 0 : i32
    %dma_start3A_10 = tpu.memref_slice %arg3[%add3A, %dma_start3A, %dma_start3A_9] : memref<32x128x80xi32, #tpu.memory_space<hbm>> -> memref<1x1x80xi32, #tpu.memory_space<hbm>>
    %dma_start3A_11 = tpu.memref_squeeze %dma_start3A_10 : memref<1x1x80xi32, #tpu.memory_space<hbm>> -> memref<80xi32, #tpu.memory_space<hbm>>
    %dma_start3A_12 = arith.constant 0 : i32
    %dma_start3A_13 = tpu.memref_slice %arg3[%add3A, %dma_start3A, %dma_start3A_12] : memref<32x128x80xi32, #tpu.memory_space<hbm>> -> memref<1x1x80xi32, #tpu.memory_space<hbm>>
    %dma_start3A_14 = tpu.memref_squeeze %dma_start3A_13 : memref<1x1x80xi32, #tpu.memory_space<hbm>> -> memref<80xi32, #tpu.memory_space<hbm>>
    tpu.enqueue_dma source(%dma_start3A_14 : memref<80xi32, #tpu.memory_space<hbm>>) target(%arg7 : memref<80xi32, #tpu.memory_space<vmem>>) target_semaphore(%arg14 : memref<!tpu.dma_semaphore, #tpu.memory_space<semaphore_mem>>)
    %dma_start3A_15 = arith.constant 0 : i32
    %dma_start3A_16 = arith.constant 0 : i32
    %dma_start3A_17 = tpu.memref_slice %arg4[%add3A, %dma_start3A_15, %dma_start3A_16] : memref<32x128x80xi32, #tpu.memory_space<hbm>> -> memref<1x1x80xi32, #tpu.memory_space<hbm>>
    %dma_start3A_18 = tpu.memref_squeeze %dma_start3A_17 : memref<1x1x80xi32, #tpu.memory_space<hbm>> -> memref<80xi32, #tpu.memory_space<hbm>>
    %dma_start3A_19 = arith.constant 0 : i32
    %dma_start3A_20 = tpu.memref_slice %arg4[%add3A, %dma_start3A_15, %dma_start3A_19] : memref<32x128x80xi32, #tpu.memory_space<hbm>> -> memref<1x1x80xi32, #tpu.memory_space<hbm>>
    %dma_start3A_21 = tpu.memref_squeeze %dma_start3A_20 : memref<1x1x80xi32, #tpu.memory_space<hbm>> -> memref<80xi32, #tpu.memory_space<hbm>>
    tpu.enqueue_dma source(%dma_start3A_21 : memref<80xi32, #tpu.memory_space<hbm>>) target(%arg9 : memref<80xi32, #tpu.memory_space<vmem>>) target_semaphore(%arg16 : memref<!tpu.dma_semaphore, #tpu.memory_space<semaphore_mem>>)
    %dma_start3A_22 = arith.constant 1 : i32
    %dma_start3A_23 = arith.constant 0 : i32
    %dma_start3A_24 = tpu.memref_slice %arg3[%add3A, %dma_start3A_22, %dma_start3A_23] : memref<32x128x80xi32, #tpu.memory_space<hbm>> -> memref<1x1x80xi32, #tpu.memory_space<hbm>>
    %dma_start3A_25 = tpu.memref_squeeze %dma_start3A_24 : memref<1x1x80xi32, #tpu.memory_space<hbm>> -> memref<80xi32, #tpu.memory_space<hbm>>
    %dma_start3A_26 = arith.constant 0 : i32
    %dma_start3A_27 = tpu.memref_slice %arg3[%add3A, %dma_start3A_22, %dma_start3A_26] : memref<32x128x80xi32, #tpu.memory_space<hbm>> -> memref<1x1x80xi32, #tpu.memory_space<hbm>>
    %dma_start3A_28 = tpu.memref_squeeze %dma_start3A_27 : memref<1x1x80xi32, #tpu.memory_space<hbm>> -> memref<80xi32, #tpu.memory_space<hbm>>
    tpu.enqueue_dma source(%dma_start3A_28 : memref<80xi32, #tpu.memory_space<hbm>>) target(%arg8 : memref<80xi32, #tpu.memory_space<vmem>>) target_semaphore(%arg15 : memref<!tpu.dma_semaphore, #tpu.memory_space<semaphore_mem>>)
    %dma_start3A_29 = arith.constant 1 : i32
    %dma_start3A_30 = arith.constant 0 : i32
    %dma_start3A_31 = tpu.memref_slice %arg4[%add3A, %dma_start3A_29, %dma_start3A_30] : memref<32x128x80xi32, #tpu.memory_space<hbm>> -> memref<1x1x80xi32, #tpu.memory_space<hbm>>
    %dma_start3A_32 = tpu.memref_squeeze %dma_start3A_31 : memref<1x1x80xi32, #tpu.memory_space<hbm>> -> memref<80xi32, #tpu.memory_space<hbm>>
    %dma_start3A_33 = arith.constant 0 : i32
    %dma_start3A_34 = tpu.memref_slice %arg4[%add3A, %dma_start3A_29, %dma_start3A_33] : memref<32x128x80xi32, #tpu.memory_space<hbm>> -> memref<1x1x80xi32, #tpu.memory_space<hbm>>
    %dma_start3A_35 = tpu.memref_squeeze %dma_start3A_34 : memref<1x1x80xi32, #tpu.memory_space<hbm>> -> memref<80xi32, #tpu.memory_space<hbm>>
    tpu.enqueue_dma source(%dma_start3A_35 : memref<80xi32, #tpu.memory_space<hbm>>) target(%arg10 : memref<80xi32, #tpu.memory_space<vmem>>) target_semaphore(%arg17 : memref<!tpu.dma_semaphore, #tpu.memory_space<semaphore_mem>>)
    %barrier3A = arith.constant 0 : index
    tpu.barrier barrier_id(%barrier3A)
    %dma_wait3A = arith.constant 0 : i32
    %dma_wait3A_36 = arith.constant 0 : i32
    %dma_wait3A_37 = tpu.memref_slice %arg3[%add3A, %dma_wait3A, %dma_wait3A_36] : memref<32x128x80xi32, #tpu.memory_space<hbm>> -> memref<1x1x80xi32, #tpu.memory_space<hbm>>
    %dma_wait3A_38 = tpu.memref_squeeze %dma_wait3A_37 : memref<1x1x80xi32, #tpu.memory_space<hbm>> -> memref<80xi32, #tpu.memory_space<hbm>>
    %dma_wait3A_39 = arith.constant 0 : i32
    %dma_wait3A_40 = tpu.memref_slice %arg3[%add3A, %dma_wait3A, %dma_wait3A_39] : memref<32x128x80xi32, #tpu.memory_space<hbm>> -> memref<1x1x80xi32, #tpu.memory_space<hbm>>
    %dma_wait3A_41 = tpu.memref_squeeze %dma_wait3A_40 : memref<1x1x80xi32, #tpu.memory_space<hbm>> -> memref<80xi32, #tpu.memory_space<hbm>>
    tpu.wait_dma2 semaphore(%arg14 : memref<!tpu.dma_semaphore, #tpu.memory_space<semaphore_mem>>) src(%dma_wait3A_41 : memref<80xi32, #tpu.memory_space<hbm>>) dst(%arg7 : memref<80xi32, #tpu.memory_space<vmem>>)
    %dma_start3A_42 = arith.constant 0 : i32
    %dma_start3A_43 = arith.constant 0 : i32
    %dma_start3A_44 = tpu.memref_slice %arg2[%dma_start3A_42, %dma_start3A_43] : memref<10240x128xf32, #tpu.memory_space<hbm>> -> memref<10240x128xf32, #tpu.memory_space<hbm>>
    tpu.enqueue_indirect_dma source(%dma_start3A_44 : memref<10240x128xf32, #tpu.memory_space<hbm>>) target(%arg11 : memref<80x128xf32, #tpu.memory_space<vmem>>) offsets(%arg7 : memref<80xi32, #tpu.memory_space<vmem>>) semaphore(%arg18 : memref<!tpu.dma_semaphore, #tpu.memory_space<semaphore_mem>>)
    %dma_wait3A_45 = arith.constant 1 : i32
    %dma_wait3A_46 = arith.constant 0 : i32
    %dma_wait3A_47 = tpu.memref_slice %arg3[%add3A, %dma_wait3A_45, %dma_wait3A_46] : memref<32x128x80xi32, #tpu.memory_space<hbm>> -> memref<1x1x80xi32, #tpu.memory_space<hbm>>
    %dma_wait3A_48 = tpu.memref_squeeze %dma_wait3A_47 : memref<1x1x80xi32, #tpu.memory_space<hbm>> -> memref<80xi32, #tpu.memory_space<hbm>>
    %dma_wait3A_49 = arith.constant 0 : i32
    %dma_wait3A_50 = tpu.memref_slice %arg3[%add3A, %dma_wait3A_45, %dma_wait3A_49] : memref<32x128x80xi32, #tpu.memory_space<hbm>> -> memref<1x1x80xi32, #tpu.memory_space<hbm>>
    %dma_wait3A_51 = tpu.memref_squeeze %dma_wait3A_50 : memref<1x1x80xi32, #tpu.memory_space<hbm>> -> memref<80xi32, #tpu.memory_space<hbm>>
    tpu.wait_dma2 semaphore(%arg15 : memref<!tpu.dma_semaphore, #tpu.memory_space<semaphore_mem>>) src(%dma_wait3A_51 : memref<80xi32, #tpu.memory_space<hbm>>) dst(%arg8 : memref<80xi32, #tpu.memory_space<vmem>>)
    %dma_start3A_52 = arith.constant 0 : i32
    %dma_start3A_53 = arith.constant 0 : i32
    %dma_start3A_54 = tpu.memref_slice %arg2[%dma_start3A_52, %dma_start3A_53] : memref<10240x128xf32, #tpu.memory_space<hbm>> -> memref<10240x128xf32, #tpu.memory_space<hbm>>
    tpu.enqueue_indirect_dma source(%dma_start3A_54 : memref<10240x128xf32, #tpu.memory_space<hbm>>) target(%arg12 : memref<80x128xf32, #tpu.memory_space<vmem>>) offsets(%arg8 : memref<80xi32, #tpu.memory_space<vmem>>) semaphore(%arg19 : memref<!tpu.dma_semaphore, #tpu.memory_space<semaphore_mem>>)
    %scan3A = arith.constant 0 : i32
    %scan3A_55 = arith.constant 0 : i32
    %scan3A_56 = arith.constant 64 : i32
    %scan3A_57 = arith.addi %scan3A_55, %scan3A_56 : i32
    %scan3A_58 = arith.constant 1 : i32
    scf.for %scan3A_61 = %scan3A_55 to %scan3A_57 step %scan3A_58  : i32 {
      %mul3A_62 = arith.constant 2 : i32
      %mul3A_63 = arith.muli %mul3A_62, %scan3A_61 : i32
      %add3A_64 = arith.constant 1 : i32
      %add3A_65 = arith.addi %mul3A_63, %add3A_64 : i32
      %lt3A = arith.constant 63 : i32
      %lt3A_66 = arith.cmpi slt, %scan3A_61, %lt3A : i32
      %dma_wait3A_67 = arith.constant 0 : i32
      %dma_wait3A_68 = arith.constant 0 : i32
      %dma_wait3A_69 = tpu.memref_slice %arg2[%dma_wait3A_67, %dma_wait3A_68] : memref<10240x128xf32, #tpu.memory_space<hbm>> -> memref<80x128xf32, #tpu.memory_space<hbm>>
      %dma_wait3A_70 = arith.constant 0 : i32
      %dma_wait3A_71 = arith.constant 0 : i32
      %dma_wait3A_72 = tpu.memref_slice %arg2[%dma_wait3A_70, %dma_wait3A_71] : memref<10240x128xf32, #tpu.memory_space<hbm>> -> memref<80x128xf32, #tpu.memory_space<hbm>>
      tpu.wait_dma2 semaphore(%arg18 : memref<!tpu.dma_semaphore, #tpu.memory_space<semaphore_mem>>) src(%dma_wait3A_72 : memref<80x128xf32, #tpu.memory_space<hbm>>) dst(%arg11 : memref<80x128xf32, #tpu.memory_space<vmem>>)
      %dma_wait3A_73 = arith.constant 0 : i32
      %dma_wait3A_74 = tpu.memref_slice %arg4[%add3A, %mul3A_63, %dma_wait3A_73] : memref<32x128x80xi32, #tpu.memory_space<hbm>> -> memref<1x1x80xi32, #tpu.memory_space<hbm>>
      %dma_wait3A_75 = tpu.memref_squeeze %dma_wait3A_74 : memref<1x1x80xi32, #tpu.memory_space<hbm>> -> memref<80xi32, #tpu.memory_space<hbm>>
      %dma_wait3A_76 = arith.constant 0 : i32
      %dma_wait3A_77 = tpu.memref_slice %arg4[%add3A, %mul3A_63, %dma_wait3A_76] : memref<32x128x80xi32, #tpu.memory_space<hbm>> -> memref<1x1x80xi32, #tpu.memory_space<hbm>>
      %dma_wait3A_78 = tpu.memref_squeeze %dma_wait3A_77 : memref<1x1x80xi32, #tpu.memory_space<hbm>> -> memref<80xi32, #tpu.memory_space<hbm>>
      tpu.wait_dma2 semaphore(%arg16 : memref<!tpu.dma_semaphore, #tpu.memory_space<semaphore_mem>>) src(%dma_wait3A_78 : memref<80xi32, #tpu.memory_space<hbm>>) dst(%arg9 : memref<80xi32, #tpu.memory_space<vmem>>)
      "tpu.region"() ({
        %run_scoped3A = tpu.sem_alloc : memref<!tpu.dma_semaphore, #tpu.memory_space<semaphore_mem>>
        %dma_start3A_97 = arith.constant 0 : i32
        %dma_start3A_98 = arith.constant 0 : i32
        %dma_start3A_99 = tpu.memref_slice %arg13[%dma_start3A_97, %dma_start3A_98] : memref<10240x128xf32, #tpu.memory_space<vmem_shared>> -> memref<10240x128xf32, #tpu.memory_space<vmem_shared>>
        tpu.enqueue_indirect_dma source(%arg11 : memref<80x128xf32, #tpu.memory_space<vmem>>) target(%dma_start3A_99 : memref<10240x128xf32, #tpu.memory_space<vmem_shared>>) offsets(%arg9 : memref<80xi32, #tpu.memory_space<vmem>>) semaphore(%run_scoped3A : memref<!tpu.dma_semaphore, #tpu.memory_space<semaphore_mem>>) {add = true}
        %dma_wait3A_100 = arith.constant 0 : i32
        %dma_wait3A_101 = arith.constant 0 : i32
        %dma_wait3A_102 = tpu.memref_slice %arg13[%dma_wait3A_100, %dma_wait3A_101] : memref<10240x128xf32, #tpu.memory_space<vmem_shared>> -> memref<10240x128xf32, #tpu.memory_space<vmem_shared>>
        tpu.wait_indirect_dma semaphore(%run_scoped3A : memref<!tpu.dma_semaphore, #tpu.memory_space<semaphore_mem>>) src(%arg11 : memref<80x128xf32, #tpu.memory_space<vmem>>) dst(%dma_wait3A_102 : memref<10240x128xf32, #tpu.memory_space<vmem_shared>>)
        tpu.yield
      }) : () -> ()
      %convert_element_type3A_79 = arith.extui %lt3A_66 : i1 to i32
      %cond3A_80 = arith.constant 0 : i32
      %cond3A_81 = arith.cmpi ne, %convert_element_type3A_79, %cond3A_80 : i32
      scf.if %cond3A_81 {
        %add3A_97 = arith.constant 2 : i32
        %add3A_98 = arith.addi %mul3A_63, %add3A_97 : i32
        %dma_start3A_99 = arith.constant 0 : i32
        %dma_start3A_100 = tpu.memref_slice %arg3[%add3A, %add3A_98, %dma_start3A_99] : memref<32x128x80xi32, #tpu.memory_space<hbm>> -> memref<1x1x80xi32, #tpu.memory_space<hbm>>
        %dma_start3A_101 = tpu.memref_squeeze %dma_start3A_100 : memref<1x1x80xi32, #tpu.memory_space<hbm>> -> memref<80xi32, #tpu.memory_space<hbm>>
        %dma_start3A_102 = arith.constant 0 : i32
        %dma_start3A_103 = tpu.memref_slice %arg3[%add3A, %add3A_98, %dma_start3A_102] : memref<32x128x80xi32, #tpu.memory_space<hbm>> -> memref<1x1x80xi32, #tpu.memory_space<hbm>>
        %dma_start3A_104 = tpu.memref_squeeze %dma_start3A_103 : memref<1x1x80xi32, #tpu.memory_space<hbm>> -> memref<80xi32, #tpu.memory_space<hbm>>
        tpu.enqueue_dma source(%dma_start3A_104 : memref<80xi32, #tpu.memory_space<hbm>>) target(%arg7 : memref<80xi32, #tpu.memory_space<vmem>>) target_semaphore(%arg14 : memref<!tpu.dma_semaphore, #tpu.memory_space<semaphore_mem>>)
        %add3A_105 = arith.constant 2 : i32
        %add3A_106 = arith.addi %mul3A_63, %add3A_105 : i32
        %dma_start3A_107 = arith.constant 0 : i32
        %dma_start3A_108 = tpu.memref_slice %arg4[%add3A, %add3A_106, %dma_start3A_107] : memref<32x128x80xi32, #tpu.memory_space<hbm>> -> memref<1x1x80xi32, #tpu.memory_space<hbm>>
        %dma_start3A_109 = tpu.memref_squeeze %dma_start3A_108 : memref<1x1x80xi32, #tpu.memory_space<hbm>> -> memref<80xi32, #tpu.memory_space<hbm>>
        %dma_start3A_110 = arith.constant 0 : i32
        %dma_start3A_111 = tpu.memref_slice %arg4[%add3A, %add3A_106, %dma_start3A_110] : memref<32x128x80xi32, #tpu.memory_space<hbm>> -> memref<1x1x80xi32, #tpu.memory_space<hbm>>
        %dma_start3A_112 = tpu.memref_squeeze %dma_start3A_111 : memref<1x1x80xi32, #tpu.memory_space<hbm>> -> memref<80xi32, #tpu.memory_space<hbm>>
        tpu.enqueue_dma source(%dma_start3A_112 : memref<80xi32, #tpu.memory_space<hbm>>) target(%arg9 : memref<80xi32, #tpu.memory_space<vmem>>) target_semaphore(%arg16 : memref<!tpu.dma_semaphore, #tpu.memory_space<semaphore_mem>>)
      } else {
      }
      %dma_wait3A_82 = arith.constant 0 : i32
      %dma_wait3A_83 = arith.constant 0 : i32
      %dma_wait3A_84 = tpu.memref_slice %arg2[%dma_wait3A_82, %dma_wait3A_83] : memref<10240x128xf32, #tpu.memory_space<hbm>> -> memref<80x128xf32, #tpu.memory_space<hbm>>
      %dma_wait3A_85 = arith.constant 0 : i32
      %dma_wait3A_86 = arith.constant 0 : i32
      %dma_wait3A_87 = tpu.memref_slice %arg2[%dma_wait3A_85, %dma_wait3A_86] : memref<10240x128xf32, #tpu.memory_space<hbm>> -> memref<80x128xf32, #tpu.memory_space<hbm>>
      tpu.wait_dma2 semaphore(%arg19 : memref<!tpu.dma_semaphore, #tpu.memory_space<semaphore_mem>>) src(%dma_wait3A_87 : memref<80x128xf32, #tpu.memory_space<hbm>>) dst(%arg12 : memref<80x128xf32, #tpu.memory_space<vmem>>)
      %dma_wait3A_88 = arith.constant 0 : i32
      %dma_wait3A_89 = tpu.memref_slice %arg4[%add3A, %add3A_65, %dma_wait3A_88] : memref<32x128x80xi32, #tpu.memory_space<hbm>> -> memref<1x1x80xi32, #tpu.memory_space<hbm>>
      %dma_wait3A_90 = tpu.memref_squeeze %dma_wait3A_89 : memref<1x1x80xi32, #tpu.memory_space<hbm>> -> memref<80xi32, #tpu.memory_space<hbm>>
      %dma_wait3A_91 = arith.constant 0 : i32
      %dma_wait3A_92 = tpu.memref_slice %arg4[%add3A, %add3A_65, %dma_wait3A_91] : memref<32x128x80xi32, #tpu.memory_space<hbm>> -> memref<1x1x80xi32, #tpu.memory_space<hbm>>
      %dma_wait3A_93 = tpu.memref_squeeze %dma_wait3A_92 : memref<1x1x80xi32, #tpu.memory_space<hbm>> -> memref<80xi32, #tpu.memory_space<hbm>>
      tpu.wait_dma2 semaphore(%arg17 : memref<!tpu.dma_semaphore, #tpu.memory_space<semaphore_mem>>) src(%dma_wait3A_93 : memref<80xi32, #tpu.memory_space<hbm>>) dst(%arg10 : memref<80xi32, #tpu.memory_space<vmem>>)
      "tpu.region"() ({
        %run_scoped3A = tpu.sem_alloc : memref<!tpu.dma_semaphore, #tpu.memory_space<semaphore_mem>>
        %dma_start3A_97 = arith.constant 0 : i32
        %dma_start3A_98 = arith.constant 0 : i32
        %dma_start3A_99 = tpu.memref_slice %arg13[%dma_start3A_97, %dma_start3A_98] : memref<10240x128xf32, #tpu.memory_space<vmem_shared>> -> memref<10240x128xf32, #tpu.memory_space<vmem_shared>>
        tpu.enqueue_indirect_dma source(%arg12 : memref<80x128xf32, #tpu.memory_space<vmem>>) target(%dma_start3A_99 : memref<10240x128xf32, #tpu.memory_space<vmem_shared>>) offsets(%arg10 : memref<80xi32, #tpu.memory_space<vmem>>) semaphore(%run_scoped3A : memref<!tpu.dma_semaphore, #tpu.memory_space<semaphore_mem>>) {add = true}
        %dma_wait3A_100 = arith.constant 0 : i32
        %dma_wait3A_101 = arith.constant 0 : i32
        %dma_wait3A_102 = tpu.memref_slice %arg13[%dma_wait3A_100, %dma_wait3A_101] : memref<10240x128xf32, #tpu.memory_space<vmem_shared>> -> memref<10240x128xf32, #tpu.memory_space<vmem_shared>>
        tpu.wait_indirect_dma semaphore(%run_scoped3A : memref<!tpu.dma_semaphore, #tpu.memory_space<semaphore_mem>>) src(%arg12 : memref<80x128xf32, #tpu.memory_space<vmem>>) dst(%dma_wait3A_102 : memref<10240x128xf32, #tpu.memory_space<vmem_shared>>)
        tpu.yield
      }) : () -> ()
      %convert_element_type3A_94 = arith.extui %lt3A_66 : i1 to i32
      %cond3A_95 = arith.constant 0 : i32
      %cond3A_96 = arith.cmpi ne, %convert_element_type3A_94, %cond3A_95 : i32
      scf.if %cond3A_96 {
        %add3A_97 = arith.constant 2 : i32
        %add3A_98 = arith.addi %add3A_65, %add3A_97 : i32
        %dma_start3A_99 = arith.constant 0 : i32
        %dma_start3A_100 = tpu.memref_slice %arg3[%add3A, %add3A_98, %dma_start3A_99] : memref<32x128x80xi32, #tpu.memory_space<hbm>> -> memref<1x1x80xi32, #tpu.memory_space<hbm>>
        %dma_start3A_101 = tpu.memref_squeeze %dma_start3A_100 : memref<1x1x80xi32, #tpu.memory_space<hbm>> -> memref<80xi32, #tpu.memory_space<hbm>>
        %dma_start3A_102 = arith.constant 0 : i32
        %dma_start3A_103 = tpu.memref_slice %arg3[%add3A, %add3A_98, %dma_start3A_102] : memref<32x128x80xi32, #tpu.memory_space<hbm>> -> memref<1x1x80xi32, #tpu.memory_space<hbm>>
        %dma_start3A_104 = tpu.memref_squeeze %dma_start3A_103 : memref<1x1x80xi32, #tpu.memory_space<hbm>> -> memref<80xi32, #tpu.memory_space<hbm>>
        tpu.enqueue_dma source(%dma_start3A_104 : memref<80xi32, #tpu.memory_space<hbm>>) target(%arg8 : memref<80xi32, #tpu.memory_space<vmem>>) target_semaphore(%arg15 : memref<!tpu.dma_semaphore, #tpu.memory_space<semaphore_mem>>)
        %add3A_105 = arith.constant 2 : i32
        %add3A_106 = arith.addi %add3A_65, %add3A_105 : i32
        %dma_start3A_107 = arith.constant 0 : i32
        %dma_start3A_108 = tpu.memref_slice %arg4[%add3A, %add3A_106, %dma_start3A_107] : memref<32x128x80xi32, #tpu.memory_space<hbm>> -> memref<1x1x80xi32, #tpu.memory_space<hbm>>
        %dma_start3A_109 = tpu.memref_squeeze %dma_start3A_108 : memref<1x1x80xi32, #tpu.memory_space<hbm>> -> memref<80xi32, #tpu.memory_space<hbm>>
        %dma_start3A_110 = arith.constant 0 : i32
        %dma_start3A_111 = tpu.memref_slice %arg4[%add3A, %add3A_106, %dma_start3A_110] : memref<32x128x80xi32, #tpu.memory_space<hbm>> -> memref<1x1x80xi32, #tpu.memory_space<hbm>>
        %dma_start3A_112 = tpu.memref_squeeze %dma_start3A_111 : memref<1x1x80xi32, #tpu.memory_space<hbm>> -> memref<80xi32, #tpu.memory_space<hbm>>
        tpu.enqueue_dma source(%dma_start3A_112 : memref<80xi32, #tpu.memory_space<hbm>>) target(%arg10 : memref<80xi32, #tpu.memory_space<vmem>>) target_semaphore(%arg17 : memref<!tpu.dma_semaphore, #tpu.memory_space<semaphore_mem>>)
        %dma_wait3A_113 = arith.constant 0 : i32
        %dma_wait3A_114 = arith.constant 0 : i32
        %dma_wait3A_115 = tpu.memref_slice %arg3[%add3A, %dma_wait3A_113, %dma_wait3A_114] : memref<32x128x80xi32, #tpu.memory_space<hbm>> -> memref<1x1x80xi32, #tpu.memory_space<hbm>>
        %dma_wait3A_116 = tpu.memref_squeeze %dma_wait3A_115 : memref<1x1x80xi32, #tpu.memory_space<hbm>> -> memref<80xi32, #tpu.memory_space<hbm>>
        %dma_wait3A_117 = arith.constant 0 : i32
        %dma_wait3A_118 = tpu.memref_slice %arg3[%add3A, %dma_wait3A_113, %dma_wait3A_117] : memref<32x128x80xi32, #tpu.memory_space<hbm>> -> memref<1x1x80xi32, #tpu.memory_space<hbm>>
        %dma_wait3A_119 = tpu.memref_squeeze %dma_wait3A_118 : memref<1x1x80xi32, #tpu.memory_space<hbm>> -> memref<80xi32, #tpu.memory_space<hbm>>
        tpu.wait_dma2 semaphore(%arg14 : memref<!tpu.dma_semaphore, #tpu.memory_space<semaphore_mem>>) src(%dma_wait3A_119 : memref<80xi32, #tpu.memory_space<hbm>>) dst(%arg7 : memref<80xi32, #tpu.memory_space<vmem>>)
        %dma_start3A_120 = arith.constant 0 : i32
        %dma_start3A_121 = arith.constant 0 : i32
        %dma_start3A_122 = tpu.memref_slice %arg2[%dma_start3A_120, %dma_start3A_121] : memref<10240x128xf32, #tpu.memory_space<hbm>> -> memref<10240x128xf32, #tpu.memory_space<hbm>>
        tpu.enqueue_indirect_dma source(%dma_start3A_122 : memref<10240x128xf32, #tpu.memory_space<hbm>>) target(%arg11 : memref<80x128xf32, #tpu.memory_space<vmem>>) offsets(%arg7 : memref<80xi32, #tpu.memory_space<vmem>>) semaphore(%arg18 : memref<!tpu.dma_semaphore, #tpu.memory_space<semaphore_mem>>)
        %dma_wait3A_123 = arith.constant 0 : i32
        %dma_wait3A_124 = arith.constant 0 : i32
        %dma_wait3A_125 = tpu.memref_slice %arg3[%add3A, %dma_wait3A_123, %dma_wait3A_124] : memref<32x128x80xi32, #tpu.memory_space<hbm>> -> memref<1x1x80xi32, #tpu.memory_space<hbm>>
        %dma_wait3A_126 = tpu.memref_squeeze %dma_wait3A_125 : memref<1x1x80xi32, #tpu.memory_space<hbm>> -> memref<80xi32, #tpu.memory_space<hbm>>
        %dma_wait3A_127 = arith.constant 0 : i32
        %dma_wait3A_128 = tpu.memref_slice %arg3[%add3A, %dma_wait3A_123, %dma_wait3A_127] : memref<32x128x80xi32, #tpu.memory_space<hbm>> -> memref<1x1x80xi32, #tpu.memory_space<hbm>>
        %dma_wait3A_129 = tpu.memref_squeeze %dma_wait3A_128 : memref<1x1x80xi32, #tpu.memory_space<hbm>> -> memref<80xi32, #tpu.memory_space<hbm>>
        tpu.wait_dma2 semaphore(%arg15 : memref<!tpu.dma_semaphore, #tpu.memory_space<semaphore_mem>>) src(%dma_wait3A_129 : memref<80xi32, #tpu.memory_space<hbm>>) dst(%arg8 : memref<80xi32, #tpu.memory_space<vmem>>)
        %dma_start3A_130 = arith.constant 0 : i32
        %dma_start3A_131 = arith.constant 0 : i32
        %dma_start3A_132 = tpu.memref_slice %arg2[%dma_start3A_130, %dma_start3A_131] : memref<10240x128xf32, #tpu.memory_space<hbm>> -> memref<10240x128xf32, #tpu.memory_space<hbm>>
        tpu.enqueue_indirect_dma source(%dma_start3A_132 : memref<10240x128xf32, #tpu.memory_space<hbm>>) target(%arg12 : memref<80x128xf32, #tpu.memory_space<vmem>>) offsets(%arg8 : memref<80xi32, #tpu.memory_space<vmem>>) semaphore(%arg19 : memref<!tpu.dma_semaphore, #tpu.memory_space<semaphore_mem>>)
      } else {
      }
    }
    %scan3A_59 = arith.constant 64 : i32
    %barrier3A_60 = arith.constant 0 : index
    tpu.barrier barrier_id(%barrier3A_60)
    "tpu.region"() ({
      %run_scoped3A = tpu.sem_alloc : memref<!tpu.dma_semaphore, #tpu.memory_space<semaphore_mem>>
      %dma_start3A_61 = arith.constant 0 : i32
      %dma_start3A_62 = tpu.memref_slice %arg6[%arg0, %mul3A_2, %dma_start3A_61] : memref<2x10240x128xf32, #tpu.memory_space<hbm>> -> memref<1x640x128xf32, #tpu.memory_space<hbm>>
      %dma_start3A_63 = tpu.memref_squeeze %dma_start3A_62 : memref<1x640x128xf32, #tpu.memory_space<hbm>> -> memref<640x128xf32, #tpu.memory_space<hbm>>
      %dma_start3A_64 = arith.constant 0 : i32
      %dma_start3A_65 = tpu.memref_slice %arg13[%mul3A_2, %dma_start3A_64] : memref<10240x128xf32, #tpu.memory_space<vmem_shared>> -> memref<640x128xf32, #tpu.memory_space<vmem_shared>>
      tpu.enqueue_dma source(%dma_start3A_65 : memref<640x128xf32, #tpu.memory_space<vmem_shared>>) target(%dma_start3A_63 : memref<640x128xf32, #tpu.memory_space<hbm>>) target_semaphore(%run_scoped3A : memref<!tpu.dma_semaphore, #tpu.memory_space<semaphore_mem>>)
      %dma_wait3A_66 = arith.constant 0 : i32
      %dma_wait3A_67 = tpu.memref_slice %arg6[%arg0, %mul3A_2, %dma_wait3A_66] : memref<2x10240x128xf32, #tpu.memory_space<hbm>> -> memref<1x640x128xf32, #tpu.memory_space<hbm>>
      %dma_wait3A_68 = tpu.memref_squeeze %dma_wait3A_67 : memref<1x640x128xf32, #tpu.memory_space<hbm>> -> memref<640x128xf32, #tpu.memory_space<hbm>>
      %dma_wait3A_69 = arith.constant 0 : i32
      %dma_wait3A_70 = tpu.memref_slice %arg13[%mul3A_2, %dma_wait3A_69] : memref<10240x128xf32, #tpu.memory_space<vmem_shared>> -> memref<640x128xf32, #tpu.memory_space<vmem_shared>>
      tpu.wait_dma2 semaphore(%run_scoped3A : memref<!tpu.dma_semaphore, #tpu.memory_space<semaphore_mem>>) src(%dma_wait3A_70 : memref<640x128xf32, #tpu.memory_space<vmem_shared>>) dst(%dma_wait3A_68 : memref<640x128xf32, #tpu.memory_space<hbm>>)
      tpu.yield
    }) : () -> ()
    return
  }
}

#map = affine_map<(d0, d1) -> (0, 0, 0)>
#map1 = affine_map<(d0, d1) -> (0)>
#map2 = affine_map<(d0, d1) -> (0, 0)>
module attributes {stable_mosaic.version = 14 : i64} {
  func.func @_sc_degree(%arg0: i32, %arg1: i32, %arg2: memref<32x128x80xi32, #tpu.memory_space<hbm>>, %arg3: memref<640xf32, #tpu.memory_space<hbm>>, %arg4: memref<2x10240xf32, #tpu.memory_space<hbm>>, %arg5: memref<128x80xi32, #tpu.memory_space<vmem>>, %arg6: memref<80xf32, #tpu.memory_space<vmem>>, %arg7: memref<10240xf32, #tpu.memory_space<vmem_shared>>) attributes {dimension_semantics = [#tpu.dimension_semantics<core_parallel>, #tpu.dimension_semantics<subcore_parallel>], iteration_bounds = array<i64: 2, 16>, scalar_prefetch = 0 : i64, scratch_operands = 3 : i64, tpu.core_type = #tpu.core_type<sc_vector_subcore>, window_params = [{transform_indices = #map}, {transform_indices = #map1}, {transform_indices = #map2}]} {
    %mul3A = arith.constant 16 : i32
    %mul3A_0 = arith.muli %arg0, %mul3A : i32
    %add3A = arith.addi %mul3A_0, %arg1 : i32
    "tpu.region"() ({
      %run_scoped3A = tpu.sem_alloc : memref<!tpu.dma_semaphore, #tpu.memory_space<semaphore_mem>>
      %dma_start3A = arith.constant 0 : i32
      %dma_start3A_37 = arith.constant 0 : i32
      %dma_start3A_38 = tpu.memref_slice %arg2[%add3A, %dma_start3A, %dma_start3A_37] : memref<32x128x80xi32, #tpu.memory_space<hbm>> -> memref<1x128x80xi32, #tpu.memory_space<hbm>>
      %dma_start3A_39 = tpu.memref_squeeze %dma_start3A_38 : memref<1x128x80xi32, #tpu.memory_space<hbm>> -> memref<128x80xi32, #tpu.memory_space<hbm>>
      %dma_start3A_40 = arith.constant 0 : i32
      %dma_start3A_41 = arith.constant 0 : i32
      %dma_start3A_42 = tpu.memref_slice %arg2[%add3A, %dma_start3A_40, %dma_start3A_41] : memref<32x128x80xi32, #tpu.memory_space<hbm>> -> memref<1x128x80xi32, #tpu.memory_space<hbm>>
      %dma_start3A_43 = tpu.memref_squeeze %dma_start3A_42 : memref<1x128x80xi32, #tpu.memory_space<hbm>> -> memref<128x80xi32, #tpu.memory_space<hbm>>
      tpu.enqueue_dma source(%dma_start3A_43 : memref<128x80xi32, #tpu.memory_space<hbm>>) target(%arg5 : memref<128x80xi32, #tpu.memory_space<vmem>>) target_semaphore(%run_scoped3A : memref<!tpu.dma_semaphore, #tpu.memory_space<semaphore_mem>>)
      %dma_wait3A = arith.constant 0 : i32
      %dma_wait3A_44 = arith.constant 0 : i32
      %dma_wait3A_45 = tpu.memref_slice %arg2[%add3A, %dma_wait3A, %dma_wait3A_44] : memref<32x128x80xi32, #tpu.memory_space<hbm>> -> memref<1x128x80xi32, #tpu.memory_space<hbm>>
      %dma_wait3A_46 = tpu.memref_squeeze %dma_wait3A_45 : memref<1x128x80xi32, #tpu.memory_space<hbm>> -> memref<128x80xi32, #tpu.memory_space<hbm>>
      %dma_wait3A_47 = arith.constant 0 : i32
      %dma_wait3A_48 = arith.constant 0 : i32
      %dma_wait3A_49 = tpu.memref_slice %arg2[%add3A, %dma_wait3A_47, %dma_wait3A_48] : memref<32x128x80xi32, #tpu.memory_space<hbm>> -> memref<1x128x80xi32, #tpu.memory_space<hbm>>
      %dma_wait3A_50 = tpu.memref_squeeze %dma_wait3A_49 : memref<1x128x80xi32, #tpu.memory_space<hbm>> -> memref<128x80xi32, #tpu.memory_space<hbm>>
      tpu.wait_dma2 semaphore(%run_scoped3A : memref<!tpu.dma_semaphore, #tpu.memory_space<semaphore_mem>>) src(%dma_wait3A_50 : memref<128x80xi32, #tpu.memory_space<hbm>>) dst(%arg5 : memref<128x80xi32, #tpu.memory_space<vmem>>)
      tpu.yield
    }) : () -> ()
    %broadcast_in_dim3A = arith.constant 1.000000e+00 : f32
    %broadcast_in_dim3A_1 = vector.broadcast %broadcast_in_dim3A : f32 to vector<16xf32>
    %swap3A = arith.constant 0 : index
    %swap3A_2 = tpu.vector_load %arg6[%swap3A] {strides = array<i32>} : memref<80xf32, #tpu.memory_space<vmem>>, vector<16xf32>,
    %swap3A_3 = vector.shape_cast %swap3A_2 : vector<16xf32> to vector<16xf32>
    %swap3A_4 = vector.shape_cast %broadcast_in_dim3A_1 : vector<16xf32> to vector<16xf32>
    tpu.vector_store %arg6[%swap3A], %swap3A_4 {strides = array<i32>} : memref<80xf32, #tpu.memory_space<vmem>>, vector<16xf32>,
    %broadcast_in_dim3A_5 = arith.constant 1.000000e+00 : f32
    %broadcast_in_dim3A_6 = vector.broadcast %broadcast_in_dim3A_5 : f32 to vector<16xf32>
    %swap3A_7 = arith.constant 16 : index
    %swap3A_8 = tpu.vector_load %arg6[%swap3A_7] {strides = array<i32>} : memref<80xf32, #tpu.memory_space<vmem>>, vector<16xf32>,
    %swap3A_9 = vector.shape_cast %swap3A_8 : vector<16xf32> to vector<16xf32>
    %swap3A_10 = vector.shape_cast %broadcast_in_dim3A_6 : vector<16xf32> to vector<16xf32>
    tpu.vector_store %arg6[%swap3A_7], %swap3A_10 {strides = array<i32>} : memref<80xf32, #tpu.memory_space<vmem>>, vector<16xf32>,
    %broadcast_in_dim3A_11 = arith.constant 1.000000e+00 : f32
    %broadcast_in_dim3A_12 = vector.broadcast %broadcast_in_dim3A_11 : f32 to vector<16xf32>
    %swap3A_13 = arith.constant 32 : index
    %swap3A_14 = tpu.vector_load %arg6[%swap3A_13] {strides = array<i32>} : memref<80xf32, #tpu.memory_space<vmem>>, vector<16xf32>,
    %swap3A_15 = vector.shape_cast %swap3A_14 : vector<16xf32> to vector<16xf32>
    %swap3A_16 = vector.shape_cast %broadcast_in_dim3A_12 : vector<16xf32> to vector<16xf32>
    tpu.vector_store %arg6[%swap3A_13], %swap3A_16 {strides = array<i32>} : memref<80xf32, #tpu.memory_space<vmem>>, vector<16xf32>,
    %broadcast_in_dim3A_17 = arith.constant 1.000000e+00 : f32
    %broadcast_in_dim3A_18 = vector.broadcast %broadcast_in_dim3A_17 : f32 to vector<16xf32>
    %swap3A_19 = arith.constant 48 : index
    %swap3A_20 = tpu.vector_load %arg6[%swap3A_19] {strides = array<i32>} : memref<80xf32, #tpu.memory_space<vmem>>, vector<16xf32>,
    %swap3A_21 = vector.shape_cast %swap3A_20 : vector<16xf32> to vector<16xf32>
    %swap3A_22 = vector.shape_cast %broadcast_in_dim3A_18 : vector<16xf32> to vector<16xf32>
    tpu.vector_store %arg6[%swap3A_19], %swap3A_22 {strides = array<i32>} : memref<80xf32, #tpu.memory_space<vmem>>, vector<16xf32>,
    %broadcast_in_dim3A_23 = arith.constant 1.000000e+00 : f32
    %broadcast_in_dim3A_24 = vector.broadcast %broadcast_in_dim3A_23 : f32 to vector<16xf32>
    %swap3A_25 = arith.constant 64 : index
    %swap3A_26 = tpu.vector_load %arg6[%swap3A_25] {strides = array<i32>} : memref<80xf32, #tpu.memory_space<vmem>>, vector<16xf32>,
    %swap3A_27 = vector.shape_cast %swap3A_26 : vector<16xf32> to vector<16xf32>
    %swap3A_28 = vector.shape_cast %broadcast_in_dim3A_24 : vector<16xf32> to vector<16xf32>
    tpu.vector_store %arg6[%swap3A_25], %swap3A_28 {strides = array<i32>} : memref<80xf32, #tpu.memory_space<vmem>>, vector<16xf32>,
    %mul3A_29 = arith.constant 640 : i32
    %mul3A_30 = arith.muli %arg1, %mul3A_29 : i32
    "tpu.region"() ({
      %run_scoped3A = tpu.sem_alloc : memref<!tpu.dma_semaphore, #tpu.memory_space<semaphore_mem>>
      %dma_start3A = tpu.memref_slice %arg7[%mul3A_30] : memref<10240xf32, #tpu.memory_space<vmem_shared>> -> memref<640xf32, #tpu.memory_space<vmem_shared>>
      tpu.enqueue_dma source(%arg3 : memref<640xf32, #tpu.memory_space<hbm>>) target(%dma_start3A : memref<640xf32, #tpu.memory_space<vmem_shared>>) target_semaphore(%run_scoped3A : memref<!tpu.dma_semaphore, #tpu.memory_space<semaphore_mem>>)
      %dma_wait3A = tpu.memref_slice %arg7[%mul3A_30] : memref<10240xf32, #tpu.memory_space<vmem_shared>> -> memref<640xf32, #tpu.memory_space<vmem_shared>>
      tpu.wait_dma2 semaphore(%run_scoped3A : memref<!tpu.dma_semaphore, #tpu.memory_space<semaphore_mem>>) src(%arg3 : memref<640xf32, #tpu.memory_space<hbm>>) dst(%dma_wait3A : memref<640xf32, #tpu.memory_space<vmem_shared>>)
      tpu.yield
    }) : () -> ()
    %barrier3A = arith.constant 0 : index
    tpu.barrier barrier_id(%barrier3A)
    %scan3A = arith.constant 0 : i32
    %scan3A_31 = arith.constant 0 : i32
    %scan3A_32 = arith.constant 128 : i32
    %scan3A_33 = arith.addi %scan3A_31, %scan3A_32 : i32
    %scan3A_34 = arith.constant 1 : i32
    scf.for %scan3A_37 = %scan3A_31 to %scan3A_33 step %scan3A_34  : i32 {
      "tpu.region"() ({
        %run_scoped3A = tpu.sem_alloc : memref<!tpu.dma_semaphore, #tpu.memory_space<semaphore_mem>>
        %dma_start3A = arith.constant 0 : i32
        %dma_start3A_38 = tpu.memref_slice %arg5[%scan3A_37, %dma_start3A] : memref<128x80xi32, #tpu.memory_space<vmem>> -> memref<1x80xi32, #tpu.memory_space<vmem>>
        %dma_start3A_39 = tpu.memref_squeeze %dma_start3A_38 : memref<1x80xi32, #tpu.memory_space<vmem>> -> memref<80xi32, #tpu.memory_space<vmem>>
        %dma_start3A_40 = arith.constant 0 : i32
        %dma_start3A_41 = tpu.memref_slice %arg7[%dma_start3A_40] : memref<10240xf32, #tpu.memory_space<vmem_shared>> -> memref<10240xf32, #tpu.memory_space<vmem_shared>>
        tpu.enqueue_indirect_dma source(%arg6 : memref<80xf32, #tpu.memory_space<vmem>>) target(%dma_start3A_41 : memref<10240xf32, #tpu.memory_space<vmem_shared>>) offsets(%dma_start3A_39 : memref<80xi32, #tpu.memory_space<vmem>>) semaphore(%run_scoped3A : memref<!tpu.dma_semaphore, #tpu.memory_space<semaphore_mem>>) {add = true}
        %dma_wait3A = arith.constant 0 : i32
        %dma_wait3A_42 = tpu.memref_slice %arg5[%scan3A_37, %dma_wait3A] : memref<128x80xi32, #tpu.memory_space<vmem>> -> memref<1x80xi32, #tpu.memory_space<vmem>>
        %dma_wait3A_43 = tpu.memref_squeeze %dma_wait3A_42 : memref<1x80xi32, #tpu.memory_space<vmem>> -> memref<80xi32, #tpu.memory_space<vmem>>
        %dma_wait3A_44 = arith.constant 0 : i32
        %dma_wait3A_45 = tpu.memref_slice %arg7[%dma_wait3A_44] : memref<10240xf32, #tpu.memory_space<vmem_shared>> -> memref<10240xf32, #tpu.memory_space<vmem_shared>>
        tpu.wait_indirect_dma semaphore(%run_scoped3A : memref<!tpu.dma_semaphore, #tpu.memory_space<semaphore_mem>>) src(%arg6 : memref<80xf32, #tpu.memory_space<vmem>>) dst(%dma_wait3A_45 : memref<10240xf32, #tpu.memory_space<vmem_shared>>)
        tpu.yield
      }) : () -> ()
    }
    %scan3A_35 = arith.constant 128 : i32
    %barrier3A_36 = arith.constant 0 : index
    tpu.barrier barrier_id(%barrier3A_36)
    "tpu.region"() ({
      %run_scoped3A = tpu.sem_alloc : memref<!tpu.dma_semaphore, #tpu.memory_space<semaphore_mem>>
      %dma_start3A = tpu.memref_slice %arg4[%arg0, %mul3A_30] : memref<2x10240xf32, #tpu.memory_space<hbm>> -> memref<1x640xf32, #tpu.memory_space<hbm>>
      %dma_start3A_37 = tpu.memref_squeeze %dma_start3A : memref<1x640xf32, #tpu.memory_space<hbm>> -> memref<640xf32, #tpu.memory_space<hbm>>
      %dma_start3A_38 = tpu.memref_slice %arg7[%mul3A_30] : memref<10240xf32, #tpu.memory_space<vmem_shared>> -> memref<640xf32, #tpu.memory_space<vmem_shared>>
      tpu.enqueue_dma source(%dma_start3A_38 : memref<640xf32, #tpu.memory_space<vmem_shared>>) target(%dma_start3A_37 : memref<640xf32, #tpu.memory_space<hbm>>) target_semaphore(%run_scoped3A : memref<!tpu.dma_semaphore, #tpu.memory_space<semaphore_mem>>)
      %dma_wait3A = tpu.memref_slice %arg4[%arg0, %mul3A_30] : memref<2x10240xf32, #tpu.memory_space<hbm>> -> memref<1x640xf32, #tpu.memory_space<hbm>>
      %dma_wait3A_39 = tpu.memref_squeeze %dma_wait3A : memref<1x640xf32, #tpu.memory_space<hbm>> -> memref<640xf32, #tpu.memory_space<hbm>>
      %dma_wait3A_40 = tpu.memref_slice %arg7[%mul3A_30] : memref<10240xf32, #tpu.memory_space<vmem_shared>> -> memref<640xf32, #tpu.memory_space<vmem_shared>>
      tpu.wait_dma2 semaphore(%run_scoped3A : memref<!tpu.dma_semaphore, #tpu.memory_space<semaphore_mem>>) src(%dma_wait3A_40 : memref<640xf32, #tpu.memory_space<vmem_shared>>) dst(%dma_wait3A_39 : memref<640xf32, #tpu.memory_space<hbm>>)
      tpu.yield
    }) : () -> ()
    return
  }
}

#map = affine_map<(d0, d1) -> (0, 0)>
#map1 = affine_map<(d0, d1) -> (0, 0, 0)>
module attributes {stable_mosaic.version = 14 : i64} {
  func.func @_sc_aggregate(%arg0: i32, %arg1: i32, %arg2: memref<10240x128xf32, #tpu.memory_space<hbm>>, %arg3: memref<32x128x80xi32, #tpu.memory_space<hbm>>, %arg4: memref<32x128x80xi32, #tpu.memory_space<hbm>>, %arg5: memref<640x128xf32, #tpu.memory_space<hbm>>, %arg6: memref<2x10240x128xf32, #tpu.memory_space<hbm>>, %arg7: memref<80xi32, #tpu.memory_space<vmem>>, %arg8: memref<80xi32, #tpu.memory_space<vmem>>, %arg9: memref<80xi32, #tpu.memory_space<vmem>>, %arg10: memref<80xi32, #tpu.memory_space<vmem>>, %arg11: memref<80x128xf32, #tpu.memory_space<vmem>>, %arg12: memref<80x128xf32, #tpu.memory_space<vmem>>, %arg13: memref<10240x128xf32, #tpu.memory_space<vmem_shared>>, %arg14: memref<!tpu.dma_semaphore, #tpu.memory_space<semaphore_mem>>, %arg15: memref<!tpu.dma_semaphore, #tpu.memory_space<semaphore_mem>>, %arg16: memref<!tpu.dma_semaphore, #tpu.memory_space<semaphore_mem>>, %arg17: memref<!tpu.dma_semaphore, #tpu.memory_space<semaphore_mem>>, %arg18: memref<!tpu.dma_semaphore, #tpu.memory_space<semaphore_mem>>, %arg19: memref<!tpu.dma_semaphore, #tpu.memory_space<semaphore_mem>>) attributes {dimension_semantics = [#tpu.dimension_semantics<core_parallel>, #tpu.dimension_semantics<subcore_parallel>], iteration_bounds = array<i64: 2, 16>, scalar_prefetch = 0 : i64, scratch_operands = 13 : i64, tpu.core_type = #tpu.core_type<sc_vector_subcore>, window_params = [{transform_indices = #map}, {transform_indices = #map1}, {transform_indices = #map1}, {transform_indices = #map}, {transform_indices = #map1}]} {
    %mul3A = arith.constant 16 : i32
    %mul3A_0 = arith.muli %arg0, %mul3A : i32
    %add3A = arith.addi %mul3A_0, %arg1 : i32
    %mul3A_1 = arith.constant 640 : i32
    %mul3A_2 = arith.muli %arg1, %mul3A_1 : i32
    %eq3A = arith.constant 0 : i32
    %eq3A_3 = arith.cmpi eq, %arg0, %eq3A : i32
    %convert_element_type3A = arith.extui %eq3A_3 : i1 to i32
    %cond3A = arith.constant 0 : i32
    %cond3A_4 = arith.cmpi ne, %convert_element_type3A, %cond3A : i32
    scf.if %cond3A_4 {
      "tpu.region"() ({
        %run_scoped3A = tpu.sem_alloc : memref<!tpu.dma_semaphore, #tpu.memory_space<semaphore_mem>>
        %dma_start3A_61 = arith.constant 0 : i32
        %dma_start3A_62 = tpu.memref_slice %arg13[%mul3A_2, %dma_start3A_61] : memref<10240x128xf32, #tpu.memory_space<vmem_shared>> -> memref<640x128xf32, #tpu.memory_space<vmem_shared>>
        %dma_start3A_63 = arith.constant 0 : i32
        %dma_start3A_64 = tpu.memref_slice %arg2[%mul3A_2, %dma_start3A_63] : memref<10240x128xf32, #tpu.memory_space<hbm>> -> memref<640x128xf32, #tpu.memory_space<hbm>>
        tpu.enqueue_dma source(%dma_start3A_64 : memref<640x128xf32, #tpu.memory_space<hbm>>) target(%dma_start3A_62 : memref<640x128xf32, #tpu.memory_space<vmem_shared>>) target_semaphore(%run_scoped3A : memref<!tpu.dma_semaphore, #tpu.memory_space<semaphore_mem>>)
        %dma_wait3A_65 = arith.constant 0 : i32
        %dma_wait3A_66 = tpu.memref_slice %arg13[%mul3A_2, %dma_wait3A_65] : memref<10240x128xf32, #tpu.memory_space<vmem_shared>> -> memref<640x128xf32, #tpu.memory_space<vmem_shared>>
        %dma_wait3A_67 = arith.constant 0 : i32
        %dma_wait3A_68 = tpu.memref_slice %arg2[%mul3A_2, %dma_wait3A_67] : memref<10240x128xf32, #tpu.memory_space<hbm>> -> memref<640x128xf32, #tpu.memory_space<hbm>>
        tpu.wait_dma2 semaphore(%run_scoped3A : memref<!tpu.dma_semaphore, #tpu.memory_space<semaphore_mem>>) src(%dma_wait3A_68 : memref<640x128xf32, #tpu.memory_space<hbm>>) dst(%dma_wait3A_66 : memref<640x128xf32, #tpu.memory_space<vmem_shared>>)
        tpu.yield
      }) : () -> ()
    } else {
    }
    %ne3A = arith.constant 0 : i32
    %ne3A_5 = arith.cmpi ne, %arg0, %ne3A : i32
    %convert_element_type3A_6 = arith.extui %ne3A_5 : i1 to i32
    %cond3A_7 = arith.constant 0 : i32
    %cond3A_8 = arith.cmpi ne, %convert_element_type3A_6, %cond3A_7 : i32
    scf.if %cond3A_8 {
      "tpu.region"() ({
        %run_scoped3A = tpu.sem_alloc : memref<!tpu.dma_semaphore, #tpu.memory_space<semaphore_mem>>
        %dma_start3A_61 = arith.constant 0 : i32
        %dma_start3A_62 = tpu.memref_slice %arg13[%mul3A_2, %dma_start3A_61] : memref<10240x128xf32, #tpu.memory_space<vmem_shared>> -> memref<640x128xf32, #tpu.memory_space<vmem_shared>>
        tpu.enqueue_dma source(%arg5 : memref<640x128xf32, #tpu.memory_space<hbm>>) target(%dma_start3A_62 : memref<640x128xf32, #tpu.memory_space<vmem_shared>>) target_semaphore(%run_scoped3A : memref<!tpu.dma_semaphore, #tpu.memory_space<semaphore_mem>>)
        %dma_wait3A_63 = arith.constant 0 : i32
        %dma_wait3A_64 = tpu.memref_slice %arg13[%mul3A_2, %dma_wait3A_63] : memref<10240x128xf32, #tpu.memory_space<vmem_shared>> -> memref<640x128xf32, #tpu.memory_space<vmem_shared>>
        tpu.wait_dma2 semaphore(%run_scoped3A : memref<!tpu.dma_semaphore, #tpu.memory_space<semaphore_mem>>) src(%arg5 : memref<640x128xf32, #tpu.memory_space<hbm>>) dst(%dma_wait3A_64 : memref<640x128xf32, #tpu.memory_space<vmem_shared>>)
        tpu.yield
      }) : () -> ()
    } else {
    }
    %dma_start3A = arith.constant 0 : i32
    %dma_start3A_9 = arith.constant 0 : i32
    %dma_start3A_10 = tpu.memref_slice %arg3[%add3A, %dma_start3A, %dma_start3A_9] : memref<32x128x80xi32, #tpu.memory_space<hbm>> -> memref<1x1x80xi32, #tpu.memory_space<hbm>>
    %dma_start3A_11 = tpu.memref_squeeze %dma_start3A_10 : memref<1x1x80xi32, #tpu.memory_space<hbm>> -> memref<80xi32, #tpu.memory_space<hbm>>
    %dma_start3A_12 = arith.constant 0 : i32
    %dma_start3A_13 = tpu.memref_slice %arg3[%add3A, %dma_start3A, %dma_start3A_12] : memref<32x128x80xi32, #tpu.memory_space<hbm>> -> memref<1x1x80xi32, #tpu.memory_space<hbm>>
    %dma_start3A_14 = tpu.memref_squeeze %dma_start3A_13 : memref<1x1x80xi32, #tpu.memory_space<hbm>> -> memref<80xi32, #tpu.memory_space<hbm>>
    tpu.enqueue_dma source(%dma_start3A_14 : memref<80xi32, #tpu.memory_space<hbm>>) target(%arg7 : memref<80xi32, #tpu.memory_space<vmem>>) target_semaphore(%arg14 : memref<!tpu.dma_semaphore, #tpu.memory_space<semaphore_mem>>)
    %dma_start3A_15 = arith.constant 0 : i32
    %dma_start3A_16 = arith.constant 0 : i32
    %dma_start3A_17 = tpu.memref_slice %arg4[%add3A, %dma_start3A_15, %dma_start3A_16] : memref<32x128x80xi32, #tpu.memory_space<hbm>> -> memref<1x1x80xi32, #tpu.memory_space<hbm>>
    %dma_start3A_18 = tpu.memref_squeeze %dma_start3A_17 : memref<1x1x80xi32, #tpu.memory_space<hbm>> -> memref<80xi32, #tpu.memory_space<hbm>>
    %dma_start3A_19 = arith.constant 0 : i32
    %dma_start3A_20 = tpu.memref_slice %arg4[%add3A, %dma_start3A_15, %dma_start3A_19] : memref<32x128x80xi32, #tpu.memory_space<hbm>> -> memref<1x1x80xi32, #tpu.memory_space<hbm>>
    %dma_start3A_21 = tpu.memref_squeeze %dma_start3A_20 : memref<1x1x80xi32, #tpu.memory_space<hbm>> -> memref<80xi32, #tpu.memory_space<hbm>>
    tpu.enqueue_dma source(%dma_start3A_21 : memref<80xi32, #tpu.memory_space<hbm>>) target(%arg9 : memref<80xi32, #tpu.memory_space<vmem>>) target_semaphore(%arg16 : memref<!tpu.dma_semaphore, #tpu.memory_space<semaphore_mem>>)
    %dma_start3A_22 = arith.constant 1 : i32
    %dma_start3A_23 = arith.constant 0 : i32
    %dma_start3A_24 = tpu.memref_slice %arg3[%add3A, %dma_start3A_22, %dma_start3A_23] : memref<32x128x80xi32, #tpu.memory_space<hbm>> -> memref<1x1x80xi32, #tpu.memory_space<hbm>>
    %dma_start3A_25 = tpu.memref_squeeze %dma_start3A_24 : memref<1x1x80xi32, #tpu.memory_space<hbm>> -> memref<80xi32, #tpu.memory_space<hbm>>
    %dma_start3A_26 = arith.constant 0 : i32
    %dma_start3A_27 = tpu.memref_slice %arg3[%add3A, %dma_start3A_22, %dma_start3A_26] : memref<32x128x80xi32, #tpu.memory_space<hbm>> -> memref<1x1x80xi32, #tpu.memory_space<hbm>>
    %dma_start3A_28 = tpu.memref_squeeze %dma_start3A_27 : memref<1x1x80xi32, #tpu.memory_space<hbm>> -> memref<80xi32, #tpu.memory_space<hbm>>
    tpu.enqueue_dma source(%dma_start3A_28 : memref<80xi32, #tpu.memory_space<hbm>>) target(%arg8 : memref<80xi32, #tpu.memory_space<vmem>>) target_semaphore(%arg15 : memref<!tpu.dma_semaphore, #tpu.memory_space<semaphore_mem>>)
    %dma_start3A_29 = arith.constant 1 : i32
    %dma_start3A_30 = arith.constant 0 : i32
    %dma_start3A_31 = tpu.memref_slice %arg4[%add3A, %dma_start3A_29, %dma_start3A_30] : memref<32x128x80xi32, #tpu.memory_space<hbm>> -> memref<1x1x80xi32, #tpu.memory_space<hbm>>
    %dma_start3A_32 = tpu.memref_squeeze %dma_start3A_31 : memref<1x1x80xi32, #tpu.memory_space<hbm>> -> memref<80xi32, #tpu.memory_space<hbm>>
    %dma_start3A_33 = arith.constant 0 : i32
    %dma_start3A_34 = tpu.memref_slice %arg4[%add3A, %dma_start3A_29, %dma_start3A_33] : memref<32x128x80xi32, #tpu.memory_space<hbm>> -> memref<1x1x80xi32, #tpu.memory_space<hbm>>
    %dma_start3A_35 = tpu.memref_squeeze %dma_start3A_34 : memref<1x1x80xi32, #tpu.memory_space<hbm>> -> memref<80xi32, #tpu.memory_space<hbm>>
    tpu.enqueue_dma source(%dma_start3A_35 : memref<80xi32, #tpu.memory_space<hbm>>) target(%arg10 : memref<80xi32, #tpu.memory_space<vmem>>) target_semaphore(%arg17 : memref<!tpu.dma_semaphore, #tpu.memory_space<semaphore_mem>>)
    %barrier3A = arith.constant 0 : index
    tpu.barrier barrier_id(%barrier3A)
    %dma_wait3A = arith.constant 0 : i32
    %dma_wait3A_36 = arith.constant 0 : i32
    %dma_wait3A_37 = tpu.memref_slice %arg3[%add3A, %dma_wait3A, %dma_wait3A_36] : memref<32x128x80xi32, #tpu.memory_space<hbm>> -> memref<1x1x80xi32, #tpu.memory_space<hbm>>
    %dma_wait3A_38 = tpu.memref_squeeze %dma_wait3A_37 : memref<1x1x80xi32, #tpu.memory_space<hbm>> -> memref<80xi32, #tpu.memory_space<hbm>>
    %dma_wait3A_39 = arith.constant 0 : i32
    %dma_wait3A_40 = tpu.memref_slice %arg3[%add3A, %dma_wait3A, %dma_wait3A_39] : memref<32x128x80xi32, #tpu.memory_space<hbm>> -> memref<1x1x80xi32, #tpu.memory_space<hbm>>
    %dma_wait3A_41 = tpu.memref_squeeze %dma_wait3A_40 : memref<1x1x80xi32, #tpu.memory_space<hbm>> -> memref<80xi32, #tpu.memory_space<hbm>>
    tpu.wait_dma2 semaphore(%arg14 : memref<!tpu.dma_semaphore, #tpu.memory_space<semaphore_mem>>) src(%dma_wait3A_41 : memref<80xi32, #tpu.memory_space<hbm>>) dst(%arg7 : memref<80xi32, #tpu.memory_space<vmem>>)
    %dma_start3A_42 = arith.constant 0 : i32
    %dma_start3A_43 = arith.constant 0 : i32
    %dma_start3A_44 = tpu.memref_slice %arg2[%dma_start3A_42, %dma_start3A_43] : memref<10240x128xf32, #tpu.memory_space<hbm>> -> memref<10240x128xf32, #tpu.memory_space<hbm>>
    tpu.enqueue_indirect_dma source(%dma_start3A_44 : memref<10240x128xf32, #tpu.memory_space<hbm>>) target(%arg11 : memref<80x128xf32, #tpu.memory_space<vmem>>) offsets(%arg7 : memref<80xi32, #tpu.memory_space<vmem>>) semaphore(%arg18 : memref<!tpu.dma_semaphore, #tpu.memory_space<semaphore_mem>>)
    %dma_wait3A_45 = arith.constant 1 : i32
    %dma_wait3A_46 = arith.constant 0 : i32
    %dma_wait3A_47 = tpu.memref_slice %arg3[%add3A, %dma_wait3A_45, %dma_wait3A_46] : memref<32x128x80xi32, #tpu.memory_space<hbm>> -> memref<1x1x80xi32, #tpu.memory_space<hbm>>
    %dma_wait3A_48 = tpu.memref_squeeze %dma_wait3A_47 : memref<1x1x80xi32, #tpu.memory_space<hbm>> -> memref<80xi32, #tpu.memory_space<hbm>>
    %dma_wait3A_49 = arith.constant 0 : i32
    %dma_wait3A_50 = tpu.memref_slice %arg3[%add3A, %dma_wait3A_45, %dma_wait3A_49] : memref<32x128x80xi32, #tpu.memory_space<hbm>> -> memref<1x1x80xi32, #tpu.memory_space<hbm>>
    %dma_wait3A_51 = tpu.memref_squeeze %dma_wait3A_50 : memref<1x1x80xi32, #tpu.memory_space<hbm>> -> memref<80xi32, #tpu.memory_space<hbm>>
    tpu.wait_dma2 semaphore(%arg15 : memref<!tpu.dma_semaphore, #tpu.memory_space<semaphore_mem>>) src(%dma_wait3A_51 : memref<80xi32, #tpu.memory_space<hbm>>) dst(%arg8 : memref<80xi32, #tpu.memory_space<vmem>>)
    %dma_start3A_52 = arith.constant 0 : i32
    %dma_start3A_53 = arith.constant 0 : i32
    %dma_start3A_54 = tpu.memref_slice %arg2[%dma_start3A_52, %dma_start3A_53] : memref<10240x128xf32, #tpu.memory_space<hbm>> -> memref<10240x128xf32, #tpu.memory_space<hbm>>
    tpu.enqueue_indirect_dma source(%dma_start3A_54 : memref<10240x128xf32, #tpu.memory_space<hbm>>) target(%arg12 : memref<80x128xf32, #tpu.memory_space<vmem>>) offsets(%arg8 : memref<80xi32, #tpu.memory_space<vmem>>) semaphore(%arg19 : memref<!tpu.dma_semaphore, #tpu.memory_space<semaphore_mem>>)
    %scan3A = arith.constant 0 : i32
    %scan3A_55 = arith.constant 0 : i32
    %scan3A_56 = arith.constant 64 : i32
    %scan3A_57 = arith.addi %scan3A_55, %scan3A_56 : i32
    %scan3A_58 = arith.constant 1 : i32
    scf.for %scan3A_61 = %scan3A_55 to %scan3A_57 step %scan3A_58  : i32 {
      %mul3A_62 = arith.constant 2 : i32
      %mul3A_63 = arith.muli %mul3A_62, %scan3A_61 : i32
      %add3A_64 = arith.constant 1 : i32
      %add3A_65 = arith.addi %mul3A_63, %add3A_64 : i32
      %lt3A = arith.constant 63 : i32
      %lt3A_66 = arith.cmpi slt, %scan3A_61, %lt3A : i32
      %dma_wait3A_67 = arith.constant 0 : i32
      %dma_wait3A_68 = arith.constant 0 : i32
      %dma_wait3A_69 = tpu.memref_slice %arg2[%dma_wait3A_67, %dma_wait3A_68] : memref<10240x128xf32, #tpu.memory_space<hbm>> -> memref<80x128xf32, #tpu.memory_space<hbm>>
      %dma_wait3A_70 = arith.constant 0 : i32
      %dma_wait3A_71 = arith.constant 0 : i32
      %dma_wait3A_72 = tpu.memref_slice %arg2[%dma_wait3A_70, %dma_wait3A_71] : memref<10240x128xf32, #tpu.memory_space<hbm>> -> memref<80x128xf32, #tpu.memory_space<hbm>>
      tpu.wait_dma2 semaphore(%arg18 : memref<!tpu.dma_semaphore, #tpu.memory_space<semaphore_mem>>) src(%dma_wait3A_72 : memref<80x128xf32, #tpu.memory_space<hbm>>) dst(%arg11 : memref<80x128xf32, #tpu.memory_space<vmem>>)
      %dma_wait3A_73 = arith.constant 0 : i32
      %dma_wait3A_74 = tpu.memref_slice %arg4[%add3A, %mul3A_63, %dma_wait3A_73] : memref<32x128x80xi32, #tpu.memory_space<hbm>> -> memref<1x1x80xi32, #tpu.memory_space<hbm>>
      %dma_wait3A_75 = tpu.memref_squeeze %dma_wait3A_74 : memref<1x1x80xi32, #tpu.memory_space<hbm>> -> memref<80xi32, #tpu.memory_space<hbm>>
      %dma_wait3A_76 = arith.constant 0 : i32
      %dma_wait3A_77 = tpu.memref_slice %arg4[%add3A, %mul3A_63, %dma_wait3A_76] : memref<32x128x80xi32, #tpu.memory_space<hbm>> -> memref<1x1x80xi32, #tpu.memory_space<hbm>>
      %dma_wait3A_78 = tpu.memref_squeeze %dma_wait3A_77 : memref<1x1x80xi32, #tpu.memory_space<hbm>> -> memref<80xi32, #tpu.memory_space<hbm>>
      tpu.wait_dma2 semaphore(%arg16 : memref<!tpu.dma_semaphore, #tpu.memory_space<semaphore_mem>>) src(%dma_wait3A_78 : memref<80xi32, #tpu.memory_space<hbm>>) dst(%arg9 : memref<80xi32, #tpu.memory_space<vmem>>)
      "tpu.region"() ({
        %run_scoped3A = tpu.sem_alloc : memref<!tpu.dma_semaphore, #tpu.memory_space<semaphore_mem>>
        %dma_start3A_97 = arith.constant 0 : i32
        %dma_start3A_98 = arith.constant 0 : i32
        %dma_start3A_99 = tpu.memref_slice %arg13[%dma_start3A_97, %dma_start3A_98] : memref<10240x128xf32, #tpu.memory_space<vmem_shared>> -> memref<10240x128xf32, #tpu.memory_space<vmem_shared>>
        tpu.enqueue_indirect_dma source(%arg11 : memref<80x128xf32, #tpu.memory_space<vmem>>) target(%dma_start3A_99 : memref<10240x128xf32, #tpu.memory_space<vmem_shared>>) offsets(%arg9 : memref<80xi32, #tpu.memory_space<vmem>>) semaphore(%run_scoped3A : memref<!tpu.dma_semaphore, #tpu.memory_space<semaphore_mem>>) {add = true}
        %dma_wait3A_100 = arith.constant 0 : i32
        %dma_wait3A_101 = arith.constant 0 : i32
        %dma_wait3A_102 = tpu.memref_slice %arg13[%dma_wait3A_100, %dma_wait3A_101] : memref<10240x128xf32, #tpu.memory_space<vmem_shared>> -> memref<10240x128xf32, #tpu.memory_space<vmem_shared>>
        tpu.wait_indirect_dma semaphore(%run_scoped3A : memref<!tpu.dma_semaphore, #tpu.memory_space<semaphore_mem>>) src(%arg11 : memref<80x128xf32, #tpu.memory_space<vmem>>) dst(%dma_wait3A_102 : memref<10240x128xf32, #tpu.memory_space<vmem_shared>>)
        tpu.yield
      }) : () -> ()
      %convert_element_type3A_79 = arith.extui %lt3A_66 : i1 to i32
      %cond3A_80 = arith.constant 0 : i32
      %cond3A_81 = arith.cmpi ne, %convert_element_type3A_79, %cond3A_80 : i32
      scf.if %cond3A_81 {
        %add3A_97 = arith.constant 2 : i32
        %add3A_98 = arith.addi %mul3A_63, %add3A_97 : i32
        %dma_start3A_99 = arith.constant 0 : i32
        %dma_start3A_100 = tpu.memref_slice %arg3[%add3A, %add3A_98, %dma_start3A_99] : memref<32x128x80xi32, #tpu.memory_space<hbm>> -> memref<1x1x80xi32, #tpu.memory_space<hbm>>
        %dma_start3A_101 = tpu.memref_squeeze %dma_start3A_100 : memref<1x1x80xi32, #tpu.memory_space<hbm>> -> memref<80xi32, #tpu.memory_space<hbm>>
        %dma_start3A_102 = arith.constant 0 : i32
        %dma_start3A_103 = tpu.memref_slice %arg3[%add3A, %add3A_98, %dma_start3A_102] : memref<32x128x80xi32, #tpu.memory_space<hbm>> -> memref<1x1x80xi32, #tpu.memory_space<hbm>>
        %dma_start3A_104 = tpu.memref_squeeze %dma_start3A_103 : memref<1x1x80xi32, #tpu.memory_space<hbm>> -> memref<80xi32, #tpu.memory_space<hbm>>
        tpu.enqueue_dma source(%dma_start3A_104 : memref<80xi32, #tpu.memory_space<hbm>>) target(%arg7 : memref<80xi32, #tpu.memory_space<vmem>>) target_semaphore(%arg14 : memref<!tpu.dma_semaphore, #tpu.memory_space<semaphore_mem>>)
        %add3A_105 = arith.constant 2 : i32
        %add3A_106 = arith.addi %mul3A_63, %add3A_105 : i32
        %dma_start3A_107 = arith.constant 0 : i32
        %dma_start3A_108 = tpu.memref_slice %arg4[%add3A, %add3A_106, %dma_start3A_107] : memref<32x128x80xi32, #tpu.memory_space<hbm>> -> memref<1x1x80xi32, #tpu.memory_space<hbm>>
        %dma_start3A_109 = tpu.memref_squeeze %dma_start3A_108 : memref<1x1x80xi32, #tpu.memory_space<hbm>> -> memref<80xi32, #tpu.memory_space<hbm>>
        %dma_start3A_110 = arith.constant 0 : i32
        %dma_start3A_111 = tpu.memref_slice %arg4[%add3A, %add3A_106, %dma_start3A_110] : memref<32x128x80xi32, #tpu.memory_space<hbm>> -> memref<1x1x80xi32, #tpu.memory_space<hbm>>
        %dma_start3A_112 = tpu.memref_squeeze %dma_start3A_111 : memref<1x1x80xi32, #tpu.memory_space<hbm>> -> memref<80xi32, #tpu.memory_space<hbm>>
        tpu.enqueue_dma source(%dma_start3A_112 : memref<80xi32, #tpu.memory_space<hbm>>) target(%arg9 : memref<80xi32, #tpu.memory_space<vmem>>) target_semaphore(%arg16 : memref<!tpu.dma_semaphore, #tpu.memory_space<semaphore_mem>>)
      } else {
      }
      %dma_wait3A_82 = arith.constant 0 : i32
      %dma_wait3A_83 = arith.constant 0 : i32
      %dma_wait3A_84 = tpu.memref_slice %arg2[%dma_wait3A_82, %dma_wait3A_83] : memref<10240x128xf32, #tpu.memory_space<hbm>> -> memref<80x128xf32, #tpu.memory_space<hbm>>
      %dma_wait3A_85 = arith.constant 0 : i32
      %dma_wait3A_86 = arith.constant 0 : i32
      %dma_wait3A_87 = tpu.memref_slice %arg2[%dma_wait3A_85, %dma_wait3A_86] : memref<10240x128xf32, #tpu.memory_space<hbm>> -> memref<80x128xf32, #tpu.memory_space<hbm>>
      tpu.wait_dma2 semaphore(%arg19 : memref<!tpu.dma_semaphore, #tpu.memory_space<semaphore_mem>>) src(%dma_wait3A_87 : memref<80x128xf32, #tpu.memory_space<hbm>>) dst(%arg12 : memref<80x128xf32, #tpu.memory_space<vmem>>)
      %dma_wait3A_88 = arith.constant 0 : i32
      %dma_wait3A_89 = tpu.memref_slice %arg4[%add3A, %add3A_65, %dma_wait3A_88] : memref<32x128x80xi32, #tpu.memory_space<hbm>> -> memref<1x1x80xi32, #tpu.memory_space<hbm>>
      %dma_wait3A_90 = tpu.memref_squeeze %dma_wait3A_89 : memref<1x1x80xi32, #tpu.memory_space<hbm>> -> memref<80xi32, #tpu.memory_space<hbm>>
      %dma_wait3A_91 = arith.constant 0 : i32
      %dma_wait3A_92 = tpu.memref_slice %arg4[%add3A, %add3A_65, %dma_wait3A_91] : memref<32x128x80xi32, #tpu.memory_space<hbm>> -> memref<1x1x80xi32, #tpu.memory_space<hbm>>
      %dma_wait3A_93 = tpu.memref_squeeze %dma_wait3A_92 : memref<1x1x80xi32, #tpu.memory_space<hbm>> -> memref<80xi32, #tpu.memory_space<hbm>>
      tpu.wait_dma2 semaphore(%arg17 : memref<!tpu.dma_semaphore, #tpu.memory_space<semaphore_mem>>) src(%dma_wait3A_93 : memref<80xi32, #tpu.memory_space<hbm>>) dst(%arg10 : memref<80xi32, #tpu.memory_space<vmem>>)
      "tpu.region"() ({
        %run_scoped3A = tpu.sem_alloc : memref<!tpu.dma_semaphore, #tpu.memory_space<semaphore_mem>>
        %dma_start3A_97 = arith.constant 0 : i32
        %dma_start3A_98 = arith.constant 0 : i32
        %dma_start3A_99 = tpu.memref_slice %arg13[%dma_start3A_97, %dma_start3A_98] : memref<10240x128xf32, #tpu.memory_space<vmem_shared>> -> memref<10240x128xf32, #tpu.memory_space<vmem_shared>>
        tpu.enqueue_indirect_dma source(%arg12 : memref<80x128xf32, #tpu.memory_space<vmem>>) target(%dma_start3A_99 : memref<10240x128xf32, #tpu.memory_space<vmem_shared>>) offsets(%arg10 : memref<80xi32, #tpu.memory_space<vmem>>) semaphore(%run_scoped3A : memref<!tpu.dma_semaphore, #tpu.memory_space<semaphore_mem>>) {add = true}
        %dma_wait3A_100 = arith.constant 0 : i32
        %dma_wait3A_101 = arith.constant 0 : i32
        %dma_wait3A_102 = tpu.memref_slice %arg13[%dma_wait3A_100, %dma_wait3A_101] : memref<10240x128xf32, #tpu.memory_space<vmem_shared>> -> memref<10240x128xf32, #tpu.memory_space<vmem_shared>>
        tpu.wait_indirect_dma semaphore(%run_scoped3A : memref<!tpu.dma_semaphore, #tpu.memory_space<semaphore_mem>>) src(%arg12 : memref<80x128xf32, #tpu.memory_space<vmem>>) dst(%dma_wait3A_102 : memref<10240x128xf32, #tpu.memory_space<vmem_shared>>)
        tpu.yield
      }) : () -> ()
      %convert_element_type3A_94 = arith.extui %lt3A_66 : i1 to i32
      %cond3A_95 = arith.constant 0 : i32
      %cond3A_96 = arith.cmpi ne, %convert_element_type3A_94, %cond3A_95 : i32
      scf.if %cond3A_96 {
        %add3A_97 = arith.constant 2 : i32
        %add3A_98 = arith.addi %add3A_65, %add3A_97 : i32
        %dma_start3A_99 = arith.constant 0 : i32
        %dma_start3A_100 = tpu.memref_slice %arg3[%add3A, %add3A_98, %dma_start3A_99] : memref<32x128x80xi32, #tpu.memory_space<hbm>> -> memref<1x1x80xi32, #tpu.memory_space<hbm>>
        %dma_start3A_101 = tpu.memref_squeeze %dma_start3A_100 : memref<1x1x80xi32, #tpu.memory_space<hbm>> -> memref<80xi32, #tpu.memory_space<hbm>>
        %dma_start3A_102 = arith.constant 0 : i32
        %dma_start3A_103 = tpu.memref_slice %arg3[%add3A, %add3A_98, %dma_start3A_102] : memref<32x128x80xi32, #tpu.memory_space<hbm>> -> memref<1x1x80xi32, #tpu.memory_space<hbm>>
        %dma_start3A_104 = tpu.memref_squeeze %dma_start3A_103 : memref<1x1x80xi32, #tpu.memory_space<hbm>> -> memref<80xi32, #tpu.memory_space<hbm>>
        tpu.enqueue_dma source(%dma_start3A_104 : memref<80xi32, #tpu.memory_space<hbm>>) target(%arg8 : memref<80xi32, #tpu.memory_space<vmem>>) target_semaphore(%arg15 : memref<!tpu.dma_semaphore, #tpu.memory_space<semaphore_mem>>)
        %add3A_105 = arith.constant 2 : i32
        %add3A_106 = arith.addi %add3A_65, %add3A_105 : i32
        %dma_start3A_107 = arith.constant 0 : i32
        %dma_start3A_108 = tpu.memref_slice %arg4[%add3A, %add3A_106, %dma_start3A_107] : memref<32x128x80xi32, #tpu.memory_space<hbm>> -> memref<1x1x80xi32, #tpu.memory_space<hbm>>
        %dma_start3A_109 = tpu.memref_squeeze %dma_start3A_108 : memref<1x1x80xi32, #tpu.memory_space<hbm>> -> memref<80xi32, #tpu.memory_space<hbm>>
        %dma_start3A_110 = arith.constant 0 : i32
        %dma_start3A_111 = tpu.memref_slice %arg4[%add3A, %add3A_106, %dma_start3A_110] : memref<32x128x80xi32, #tpu.memory_space<hbm>> -> memref<1x1x80xi32, #tpu.memory_space<hbm>>
        %dma_start3A_112 = tpu.memref_squeeze %dma_start3A_111 : memref<1x1x80xi32, #tpu.memory_space<hbm>> -> memref<80xi32, #tpu.memory_space<hbm>>
        tpu.enqueue_dma source(%dma_start3A_112 : memref<80xi32, #tpu.memory_space<hbm>>) target(%arg10 : memref<80xi32, #tpu.memory_space<vmem>>) target_semaphore(%arg17 : memref<!tpu.dma_semaphore, #tpu.memory_space<semaphore_mem>>)
        %dma_wait3A_113 = arith.constant 0 : i32
        %dma_wait3A_114 = arith.constant 0 : i32
        %dma_wait3A_115 = tpu.memref_slice %arg3[%add3A, %dma_wait3A_113, %dma_wait3A_114] : memref<32x128x80xi32, #tpu.memory_space<hbm>> -> memref<1x1x80xi32, #tpu.memory_space<hbm>>
        %dma_wait3A_116 = tpu.memref_squeeze %dma_wait3A_115 : memref<1x1x80xi32, #tpu.memory_space<hbm>> -> memref<80xi32, #tpu.memory_space<hbm>>
        %dma_wait3A_117 = arith.constant 0 : i32
        %dma_wait3A_118 = tpu.memref_slice %arg3[%add3A, %dma_wait3A_113, %dma_wait3A_117] : memref<32x128x80xi32, #tpu.memory_space<hbm>> -> memref<1x1x80xi32, #tpu.memory_space<hbm>>
        %dma_wait3A_119 = tpu.memref_squeeze %dma_wait3A_118 : memref<1x1x80xi32, #tpu.memory_space<hbm>> -> memref<80xi32, #tpu.memory_space<hbm>>
        tpu.wait_dma2 semaphore(%arg14 : memref<!tpu.dma_semaphore, #tpu.memory_space<semaphore_mem>>) src(%dma_wait3A_119 : memref<80xi32, #tpu.memory_space<hbm>>) dst(%arg7 : memref<80xi32, #tpu.memory_space<vmem>>)
        %dma_start3A_120 = arith.constant 0 : i32
        %dma_start3A_121 = arith.constant 0 : i32
        %dma_start3A_122 = tpu.memref_slice %arg2[%dma_start3A_120, %dma_start3A_121] : memref<10240x128xf32, #tpu.memory_space<hbm>> -> memref<10240x128xf32, #tpu.memory_space<hbm>>
        tpu.enqueue_indirect_dma source(%dma_start3A_122 : memref<10240x128xf32, #tpu.memory_space<hbm>>) target(%arg11 : memref<80x128xf32, #tpu.memory_space<vmem>>) offsets(%arg7 : memref<80xi32, #tpu.memory_space<vmem>>) semaphore(%arg18 : memref<!tpu.dma_semaphore, #tpu.memory_space<semaphore_mem>>)
        %dma_wait3A_123 = arith.constant 0 : i32
        %dma_wait3A_124 = arith.constant 0 : i32
        %dma_wait3A_125 = tpu.memref_slice %arg3[%add3A, %dma_wait3A_123, %dma_wait3A_124] : memref<32x128x80xi32, #tpu.memory_space<hbm>> -> memref<1x1x80xi32, #tpu.memory_space<hbm>>
        %dma_wait3A_126 = tpu.memref_squeeze %dma_wait3A_125 : memref<1x1x80xi32, #tpu.memory_space<hbm>> -> memref<80xi32, #tpu.memory_space<hbm>>
        %dma_wait3A_127 = arith.constant 0 : i32
        %dma_wait3A_128 = tpu.memref_slice %arg3[%add3A, %dma_wait3A_123, %dma_wait3A_127] : memref<32x128x80xi32, #tpu.memory_space<hbm>> -> memref<1x1x80xi32, #tpu.memory_space<hbm>>
        %dma_wait3A_129 = tpu.memref_squeeze %dma_wait3A_128 : memref<1x1x80xi32, #tpu.memory_space<hbm>> -> memref<80xi32, #tpu.memory_space<hbm>>
        tpu.wait_dma2 semaphore(%arg15 : memref<!tpu.dma_semaphore, #tpu.memory_space<semaphore_mem>>) src(%dma_wait3A_129 : memref<80xi32, #tpu.memory_space<hbm>>) dst(%arg8 : memref<80xi32, #tpu.memory_space<vmem>>)
        %dma_start3A_130 = arith.constant 0 : i32
        %dma_start3A_131 = arith.constant 0 : i32
        %dma_start3A_132 = tpu.memref_slice %arg2[%dma_start3A_130, %dma_start3A_131] : memref<10240x128xf32, #tpu.memory_space<hbm>> -> memref<10240x128xf32, #tpu.memory_space<hbm>>
        tpu.enqueue_indirect_dma source(%dma_start3A_132 : memref<10240x128xf32, #tpu.memory_space<hbm>>) target(%arg12 : memref<80x128xf32, #tpu.memory_space<vmem>>) offsets(%arg8 : memref<80xi32, #tpu.memory_space<vmem>>) semaphore(%arg19 : memref<!tpu.dma_semaphore, #tpu.memory_space<semaphore_mem>>)
      } else {
      }
    }
    %scan3A_59 = arith.constant 64 : i32
    %barrier3A_60 = arith.constant 0 : index
    tpu.barrier barrier_id(%barrier3A_60)
    "tpu.region"() ({
      %run_scoped3A = tpu.sem_alloc : memref<!tpu.dma_semaphore, #tpu.memory_space<semaphore_mem>>
      %dma_start3A_61 = arith.constant 0 : i32
      %dma_start3A_62 = tpu.memref_slice %arg6[%arg0, %mul3A_2, %dma_start3A_61] : memref<2x10240x128xf32, #tpu.memory_space<hbm>> -> memref<1x640x128xf32, #tpu.memory_space<hbm>>
      %dma_start3A_63 = tpu.memref_squeeze %dma_start3A_62 : memref<1x640x128xf32, #tpu.memory_space<hbm>> -> memref<640x128xf32, #tpu.memory_space<hbm>>
      %dma_start3A_64 = arith.constant 0 : i32
      %dma_start3A_65 = tpu.memref_slice %arg13[%mul3A_2, %dma_start3A_64] : memref<10240x128xf32, #tpu.memory_space<vmem_shared>> -> memref<640x128xf32, #tpu.memory_space<vmem_shared>>
      tpu.enqueue_dma source(%dma_start3A_65 : memref<640x128xf32, #tpu.memory_space<vmem_shared>>) target(%dma_start3A_63 : memref<640x128xf32, #tpu.memory_space<hbm>>) target_semaphore(%run_scoped3A : memref<!tpu.dma_semaphore, #tpu.memory_space<semaphore_mem>>)
      %dma_wait3A_66 = arith.constant 0 : i32
      %dma_wait3A_67 = tpu.memref_slice %arg6[%arg0, %mul3A_2, %dma_wait3A_66] : memref<2x10240x128xf32, #tpu.memory_space<hbm>> -> memref<1x640x128xf32, #tpu.memory_space<hbm>>
      %dma_wait3A_68 = tpu.memref_squeeze %dma_wait3A_67 : memref<1x640x128xf32, #tpu.memory_space<hbm>> -> memref<640x128xf32, #tpu.memory_space<hbm>>
      %dma_wait3A_69 = arith.constant 0 : i32
      %dma_wait3A_70 = tpu.memref_slice %arg13[%mul3A_2, %dma_wait3A_69] : memref<10240x128xf32, #tpu.memory_space<vmem_shared>> -> memref<640x128xf32, #tpu.memory_space<vmem_shared>>
      tpu.wait_dma2 semaphore(%run_scoped3A : memref<!tpu.dma_semaphore, #tpu.memory_space<semaphore_mem>>) src(%dma_wait3A_70 : memref<640x128xf32, #tpu.memory_space<vmem_shared>>) dst(%dma_wait3A_68 : memref<640x128xf32, #tpu.memory_space<hbm>>)
      tpu.yield
    }) : () -> ()
    return
  }
}

module attributes {stable_mosaic.version = 14 : i64} {
  func.func @_tc_first(%arg0: memref<2x10240xf32, #tpu.memory_space<vmem>>, %arg1: memref<10000x128xf32, #tpu.memory_space<vmem>>, %arg2: memref<128x128xf32, #tpu.memory_space<vmem>>, %arg3: memref<10240x128xf32, #tpu.memory_space<vmem>>, %arg4: memref<10240x1xf32, #tpu.memory_space<vmem>>) attributes {dimension_semantics = [], scalar_prefetch = 0 : i64, scratch_operands = 0 : i64, tpu.core_type = #tpu.core_type<tc>} {
    %get3A = arith.constant 0 : index
    %get3A_0 = arith.constant 0 : index
    %get3A_1 = vector.load %arg0[%get3A, %get3A_0] : memref<2x10240xf32, #tpu.memory_space<vmem>>, vector<1x10240xf32>
    %get3A_2 = vector.shape_cast %get3A_1 : vector<1x10240xf32> to vector<10240xf32>
    %get3A_3 = arith.constant 1 : index
    %get3A_4 = arith.constant 0 : index
    %get3A_5 = vector.load %arg0[%get3A_3, %get3A_4] : memref<2x10240xf32, #tpu.memory_space<vmem>>, vector<1x10240xf32>
    %get3A_6 = vector.shape_cast %get3A_5 : vector<1x10240xf32> to vector<10240xf32>
    %add3A = arith.addf %get3A_2, %get3A_6 : vector<10240xf32>
    %add3A_7 = arith.constant 1.000000e+00 : f32
    %add3A_8 = vector.broadcast %add3A_7 : f32 to vector<10240xf32>
    %add3A_9 = arith.addf %add3A, %add3A_8 : vector<10240xf32>
    %rsqrt3A = math.rsqrt %add3A_9 : vector<10240xf32>
    %broadcast_in_dim3A = vector.shape_cast %rsqrt3A : vector<10240xf32> to vector<10240x1xf32>
    %swap3A = arith.constant 0 : index
    %swap3A_10 = arith.constant 0 : index
    %swap3A_11 = vector.load %arg4[%swap3A, %swap3A_10] : memref<10240x1xf32, #tpu.memory_space<vmem>>, vector<10240x1xf32>
    tpu.vector_store %arg4[%swap3A, %swap3A_10], %broadcast_in_dim3A {strides = array<i32>} : memref<10240x1xf32, #tpu.memory_space<vmem>>, vector<10240x1xf32>,
    %get3A_12 = arith.constant 0 : index
    %get3A_13 = arith.constant 0 : index
    %get3A_14 = vector.load %arg1[%get3A_12, %get3A_13] : memref<10000x128xf32, #tpu.memory_space<vmem>>, vector<10000x128xf32>
    %get3A_15 = arith.constant 0 : index
    %get3A_16 = arith.constant 0 : index
    %get3A_17 = vector.load %arg2[%get3A_15, %get3A_16] : memref<128x128xf32, #tpu.memory_space<vmem>>, vector<128x128xf32>
    %dot_general3A = arith.constant dense<0.000000e+00> : vector<10000x128xf32>
    %dot_general3A_18 = tpu.matmul %get3A_14, %get3A_17, %dot_general3A {dimension_numbers = #tpu.dot_dimension_numbers<[1], [0], [0], [1], [0, 0, 1, 1], [], []>, transpose_lhs_hint = false} : vector<10000x128xf32>, vector<128x128xf32>, vector<10000x128xf32> -> vector<10000x128xf32>
    %slice3A = vector.extract_strided_slice %broadcast_in_dim3A {offsets = [0, 0], sizes = [10000, 1], strides = [1, 1]} : vector<10240x1xf32> to vector<10000x1xf32>
    %mul3A = vector.broadcast %slice3A : vector<10000x1xf32> to vector<10000x128xf32>
    %mul3A_19 = arith.mulf %dot_general3A_18, %mul3A : vector<10000x128xf32>
    %swap3A_20 = arith.constant 0 : index
    %swap3A_21 = arith.constant 0 : index
    %swap3A_22 = vector.load %arg3[%swap3A_20, %swap3A_21] : memref<10240x128xf32, #tpu.memory_space<vmem>>, vector<10000x128xf32>
    tpu.vector_store %arg3[%swap3A_20, %swap3A_21], %mul3A_19 {strides = array<i32>} : memref<10240x128xf32, #tpu.memory_space<vmem>>, vector<10000x128xf32>,
    %broadcast_in_dim3A_23 = arith.constant 0.000000e+00 : f32
    %broadcast_in_dim3A_24 = vector.broadcast %broadcast_in_dim3A_23 : f32 to vector<240x128xf32>
    %swap3A_25 = arith.constant 10000 : index
    %swap3A_26 = arith.constant 0 : index
    %swap3A_27 = vector.load %arg3[%swap3A_25, %swap3A_26] : memref<10240x128xf32, #tpu.memory_space<vmem>>, vector<240x128xf32>
    tpu.vector_store %arg3[%swap3A_25, %swap3A_26], %broadcast_in_dim3A_24 {strides = array<i32>} : memref<10240x128xf32, #tpu.memory_space<vmem>>, vector<240x128xf32>,
    return
  }
}

module attributes {stable_mosaic.version = 14 : i64} {
  func.func @_tc_mid(%arg0: memref<2x10240x128xf32, #tpu.memory_space<vmem>>, %arg1: memref<10240x1xf32, #tpu.memory_space<vmem>>, %arg2: memref<128xf32, #tpu.memory_space<vmem>>, %arg3: memref<128xf32, #tpu.memory_space<vmem>>, %arg4: memref<128xf32, #tpu.memory_space<vmem>>, %arg5: memref<128x128xf32, #tpu.memory_space<vmem>>, %arg6: memref<10240x128xf32, #tpu.memory_space<vmem>>) attributes {dimension_semantics = [], scalar_prefetch = 0 : i64, scratch_operands = 0 : i64, tpu.core_type = #tpu.core_type<tc>} {
    %get3A = arith.constant 0 : index
    %get3A_0 = arith.constant 0 : index
    %get3A_1 = arith.constant 0 : index
    %get3A_2 = vector.load %arg0[%get3A, %get3A_0, %get3A_1] : memref<2x10240x128xf32, #tpu.memory_space<vmem>>, vector<1x10240x128xf32>
    %get3A_3 = vector.shape_cast %get3A_2 : vector<1x10240x128xf32> to vector<10240x128xf32>
    %get3A_4 = arith.constant 1 : index
    %get3A_5 = arith.constant 0 : index
    %get3A_6 = arith.constant 0 : index
    %get3A_7 = vector.load %arg0[%get3A_4, %get3A_5, %get3A_6] : memref<2x10240x128xf32, #tpu.memory_space<vmem>>, vector<1x10240x128xf32>
    %get3A_8 = vector.shape_cast %get3A_7 : vector<1x10240x128xf32> to vector<10240x128xf32>
    %add3A = arith.addf %get3A_3, %get3A_8 : vector<10240x128xf32>
    %get3A_9 = arith.constant 0 : index
    %get3A_10 = arith.constant 0 : index
    %get3A_11 = vector.load %arg1[%get3A_9, %get3A_10] : memref<10240x1xf32, #tpu.memory_space<vmem>>, vector<10000x1xf32>
    %slice3A = vector.extract_strided_slice %add3A {offsets = [0, 0], sizes = [10000, 128], strides = [1, 1]} : vector<10240x128xf32> to vector<10000x128xf32>
    %mul3A = vector.broadcast %get3A_11 : vector<10000x1xf32> to vector<10000x128xf32>
    %mul3A_12 = arith.mulf %slice3A, %mul3A : vector<10000x128xf32>
    %get3A_13 = arith.constant 0 : index
    %get3A_14 = vector.load %arg2[%get3A_13] : memref<128xf32, #tpu.memory_space<vmem>>, vector<128xf32>
    %broadcast_in_dim3A = vector.shape_cast %get3A_14 : vector<128xf32> to vector<1x128xf32>
    %add3A_15 = vector.broadcast %broadcast_in_dim3A : vector<1x128xf32> to vector<10000x128xf32>
    %add3A_16 = arith.addf %mul3A_12, %add3A_15 : vector<10000x128xf32>
    %reduce_sum3A = arith.constant dense<0.000000e+00> : vector<128xf32>
    %reduce_sum3A_17 = vector.multi_reduction <add>, %add3A_16, %reduce_sum3A [0] : vector<10000x128xf32> to vector<128xf32>
    %div3A = arith.constant 1.000000e+04 : f32
    %div3A_18 = vector.broadcast %div3A : f32 to vector<128xf32>
    %div3A_19 = arith.divf %reduce_sum3A_17, %div3A_18 : vector<128xf32>
    %broadcast_in_dim3A_20 = vector.shape_cast %div3A_19 : vector<128xf32> to vector<1x128xf32>
    %sub3A = vector.broadcast %broadcast_in_dim3A_20 : vector<1x128xf32> to vector<10000x128xf32>
    %sub3A_21 = arith.subf %add3A_16, %sub3A : vector<10000x128xf32>
    %mul3A_22 = arith.mulf %sub3A_21, %sub3A_21 : vector<10000x128xf32>
    %reduce_sum3A_23 = arith.constant dense<0.000000e+00> : vector<128xf32>
    %reduce_sum3A_24 = vector.multi_reduction <add>, %mul3A_22, %reduce_sum3A_23 [0] : vector<10000x128xf32> to vector<128xf32>
    %div3A_25 = arith.constant 1.000000e+04 : f32
    %div3A_26 = vector.broadcast %div3A_25 : f32 to vector<128xf32>
    %div3A_27 = arith.divf %reduce_sum3A_24, %div3A_26 : vector<128xf32>
    %get3A_28 = arith.constant 0 : index
    %get3A_29 = vector.load %arg3[%get3A_28] : memref<128xf32, #tpu.memory_space<vmem>>, vector<128xf32>
    %broadcast_in_dim3A_30 = vector.shape_cast %get3A_29 : vector<128xf32> to vector<1x128xf32>
    %mul3A_31 = vector.broadcast %broadcast_in_dim3A_30 : vector<1x128xf32> to vector<10000x128xf32>
    %mul3A_32 = arith.mulf %mul3A_31, %sub3A_21 : vector<10000x128xf32>
    %add3A_33 = arith.constant 9.99999974E-6 : f32
    %add3A_34 = vector.broadcast %add3A_33 : f32 to vector<128xf32>
    %add3A_35 = arith.addf %div3A_27, %add3A_34 : vector<128xf32>
    %rsqrt3A = math.rsqrt %add3A_35 : vector<128xf32>
    %broadcast_in_dim3A_36 = vector.shape_cast %rsqrt3A : vector<128xf32> to vector<1x128xf32>
    %mul3A_37 = vector.broadcast %broadcast_in_dim3A_36 : vector<1x128xf32> to vector<10000x128xf32>
    %mul3A_38 = arith.mulf %mul3A_32, %mul3A_37 : vector<10000x128xf32>
    %get3A_39 = arith.constant 0 : index
    %get3A_40 = vector.load %arg4[%get3A_39] : memref<128xf32, #tpu.memory_space<vmem>>, vector<128xf32>
    %broadcast_in_dim3A_41 = vector.shape_cast %get3A_40 : vector<128xf32> to vector<1x128xf32>
    %add3A_42 = vector.broadcast %broadcast_in_dim3A_41 : vector<1x128xf32> to vector<10000x128xf32>
    %add3A_43 = arith.addf %mul3A_38, %add3A_42 : vector<10000x128xf32>
    %max3A = arith.constant 0.000000e+00 : f32
    %max3A_44 = vector.broadcast %max3A : f32 to vector<10000x128xf32>
    %max3A_45 = arith.maximumf %add3A_43, %max3A_44 : vector<10000x128xf32>
    %get3A_46 = arith.constant 0 : index
    %get3A_47 = arith.constant 0 : index
    %get3A_48 = vector.load %arg5[%get3A_46, %get3A_47] : memref<128x128xf32, #tpu.memory_space<vmem>>, vector<128x128xf32>
    %dot_general3A = arith.constant dense<0.000000e+00> : vector<10000x128xf32>
    %dot_general3A_49 = tpu.matmul %max3A_45, %get3A_48, %dot_general3A {dimension_numbers = #tpu.dot_dimension_numbers<[1], [0], [0], [1], [0, 0, 1, 1], [], []>, transpose_lhs_hint = false} : vector<10000x128xf32>, vector<128x128xf32>, vector<10000x128xf32> -> vector<10000x128xf32>
    %mul3A_50 = vector.broadcast %get3A_11 : vector<10000x1xf32> to vector<10000x128xf32>
    %mul3A_51 = arith.mulf %dot_general3A_49, %mul3A_50 : vector<10000x128xf32>
    %swap3A = arith.constant 0 : index
    %swap3A_52 = arith.constant 0 : index
    %swap3A_53 = vector.load %arg6[%swap3A, %swap3A_52] : memref<10240x128xf32, #tpu.memory_space<vmem>>, vector<10000x128xf32>
    tpu.vector_store %arg6[%swap3A, %swap3A_52], %mul3A_51 {strides = array<i32>} : memref<10240x128xf32, #tpu.memory_space<vmem>>, vector<10000x128xf32>,
    %broadcast_in_dim3A_54 = arith.constant 0.000000e+00 : f32
    %broadcast_in_dim3A_55 = vector.broadcast %broadcast_in_dim3A_54 : f32 to vector<240x128xf32>
    %swap3A_56 = arith.constant 10000 : index
    %swap3A_57 = arith.constant 0 : index
    %swap3A_58 = vector.load %arg6[%swap3A_56, %swap3A_57] : memref<10240x128xf32, #tpu.memory_space<vmem>>, vector<240x128xf32>
    tpu.vector_store %arg6[%swap3A_56, %swap3A_57], %broadcast_in_dim3A_55 {strides = array<i32>} : memref<10240x128xf32, #tpu.memory_space<vmem>>, vector<240x128xf32>,
    return
  }
}

module attributes {stable_mosaic.version = 14 : i64} {
  func.func @_tc_final(%arg0: memref<2x10240x128xf32, #tpu.memory_space<vmem>>, %arg1: memref<10240x1xf32, #tpu.memory_space<vmem>>, %arg2: memref<40xf32, #tpu.memory_space<vmem>>, %arg3: memref<10000x40xf32, #tpu.memory_space<vmem>>) attributes {dimension_semantics = [], scalar_prefetch = 0 : i64, scratch_operands = 0 : i64, tpu.core_type = #tpu.core_type<tc>} {
    %get3A = arith.constant 0 : index
    %get3A_0 = arith.constant 0 : index
    %get3A_1 = arith.constant 0 : index
    %get3A_2 = vector.load %arg0[%get3A, %get3A_0, %get3A_1] : memref<2x10240x128xf32, #tpu.memory_space<vmem>>, vector<1x10240x128xf32>
    %get3A_3 = vector.shape_cast %get3A_2 : vector<1x10240x128xf32> to vector<10240x128xf32>
    %get3A_4 = arith.constant 1 : index
    %get3A_5 = arith.constant 0 : index
    %get3A_6 = arith.constant 0 : index
    %get3A_7 = vector.load %arg0[%get3A_4, %get3A_5, %get3A_6] : memref<2x10240x128xf32, #tpu.memory_space<vmem>>, vector<1x10240x128xf32>
    %get3A_8 = vector.shape_cast %get3A_7 : vector<1x10240x128xf32> to vector<10240x128xf32>
    %add3A = arith.addf %get3A_3, %get3A_8 : vector<10240x128xf32>
    %slice3A = vector.extract_strided_slice %add3A {offsets = [0, 0], sizes = [10000, 40], strides = [1, 1]} : vector<10240x128xf32> to vector<10000x40xf32>
    %get3A_9 = arith.constant 0 : index
    %get3A_10 = arith.constant 0 : index
    %get3A_11 = vector.load %arg1[%get3A_9, %get3A_10] : memref<10240x1xf32, #tpu.memory_space<vmem>>, vector<10000x1xf32>
    %mul3A = vector.broadcast %get3A_11 : vector<10000x1xf32> to vector<10000x40xf32>
    %mul3A_12 = arith.mulf %slice3A, %mul3A : vector<10000x40xf32>
    %get3A_13 = arith.constant 0 : index
    %get3A_14 = vector.load %arg2[%get3A_13] : memref<40xf32, #tpu.memory_space<vmem>>, vector<40xf32>
    %broadcast_in_dim3A = vector.shape_cast %get3A_14 : vector<40xf32> to vector<1x40xf32>
    %add3A_15 = vector.broadcast %broadcast_in_dim3A : vector<1x40xf32> to vector<10000x40xf32>
    %add3A_16 = arith.addf %mul3A_12, %add3A_15 : vector<10000x40xf32>
    %reduce_max3A = arith.constant dense<0xFF800000> : vector<10000xf32>
    %reduce_max3A_17 = vector.multi_reduction <maximumf>, %add3A_16, %reduce_max3A [1] : vector<10000x40xf32> to vector<10000xf32>
    %broadcast_in_dim3A_18 = vector.shape_cast %reduce_max3A_17 : vector<10000xf32> to vector<10000x1xf32>
    %sub3A = vector.broadcast %broadcast_in_dim3A_18 : vector<10000x1xf32> to vector<10000x40xf32>
    %sub3A_19 = arith.subf %add3A_16, %sub3A : vector<10000x40xf32>
    %exp3A = math.exp %sub3A_19 : vector<10000x40xf32>
    %reduce_sum3A = arith.constant dense<0.000000e+00> : vector<10000xf32>
    %reduce_sum3A_20 = vector.multi_reduction <add>, %exp3A, %reduce_sum3A [1] : vector<10000x40xf32> to vector<10000xf32>
    %broadcast_in_dim3A_21 = vector.shape_cast %reduce_sum3A_20 : vector<10000xf32> to vector<10000x1xf32>
    %log3A = math.log %broadcast_in_dim3A_21 : vector<10000x1xf32>
    %sub3A_22 = vector.broadcast %log3A : vector<10000x1xf32> to vector<10000x40xf32>
    %sub3A_23 = arith.subf %sub3A_19, %sub3A_22 : vector<10000x40xf32>
    %swap3A = arith.constant 0 : index
    %swap3A_24 = arith.constant 0 : index
    %swap3A_25 = vector.load %arg3[%swap3A, %swap3A_24] : memref<10000x40xf32, #tpu.memory_space<vmem>>, vector<10000x40xf32>
    tpu.vector_store %arg3[%swap3A, %swap3A_24], %sub3A_23 {strides = array<i32>} : memref<10000x40xf32, #tpu.memory_space<vmem>>, vector<10000x40xf32>,
    return
  }
}

</mosaic_0001>

<sc_bundles>
// kernel: kernel.10.cloned.1.call-start
scs
__scs_entry_jumppad:
0x0: {  	(pc) =	sbr.rel $0x88, $3  }
0x1: {  	(tag) =	ssettag $0x0;
	lr =	simm.s32 $0x1  }
0x2: {  	[smem:$0x3F95] =	sst lr;
	_ =	strace $0xD0000000  }
0x3: {  	_ = 	snop  }
0x4: {  	_ = 	snop  }
0x5: {  	_ = 	snop  }
0x6: {  	_ = 	snop  }
0x7: {  	_ = 	snop  }
__scs_overlays_trampoline_lowered:
0x8: {  	[smem:$0x3FA4] =	sst s0  }
0x9: {  	[smem:$0x3FA5] =	sst s1  }
0xa: {  	[smem:$0x3FA6] =	sst s2  }
0xb: {  	[smem:$0x3FA7] =	sst s3  }
0xc: {  	[smem:$0x3FA8] =	sst s4  }
0xd: {  	[smem:$0x3FA9] =	sst s5  }
0xe: {  	[smem:$0x3FAA] =	sst s6  }
0xf: {  	[smem:$0x3FAB] =	sst s7  }
0x10: {  	[smem:$0x3FAC] =	sst s8  }
0x11: {  	[smem:$0x3FAD] =	sst s9;
	s0 =	simm.s32 @!p0 $0x0  }
0x12: {  	s1 =	sld [smem:$0x3F93];
	s0 =	simm.s32 @p0 $0x1  }
0x13: {  	[smem:$0x3FAE] =	sst s0;
	s0 =	simm.s32 @!p1 $0x0  }
0x14: {  	s2 =	sld [smem:$0x3F92];
	s0 =	simm.s32 @p1 $0x1  }
0x15: {  	[smem:$0x3FAF] =	sst s0;
	s0 =	simm.s32 @!p2 $0x0  }
0x16: {  	s3 =	sld [smem:$0x3FDB];
	s0 =	simm.s32 @p2 $0x1  }
0x17: {  	s4 =	simm.s32 $0x1BF5;
	[smem:$0x3FB1] =	sst s0  }
0x18: {  	s0 =	sld [smem:$0x3F94];
	_ =	swait.ge [sflag:s4], $0x0  }
0x19: {  	s7 =	sld [smem:$0x3F95]  }
0x1a: {  	s8 =	sadd.s32 $0xFFFFE003, lr  }
0x1b: {  	s9 =	sadd.s32 $0xFFFFFEF7, lr;
	s5 =	simm.s32 $0xFFFFFFFF;
	p2 =	slt.u32 s8, $0xFFFFF086  }
0x1c: {  	p1 =	slt.u32 s9, $0xF7A;
	s5 =	simm.s32 @!p2 $0x0  }
0x1d: {  	s5 =	simm.s32 @p1 $0x1;
	p0 =	seq.s32 s7, s2  }
0x1e: {  	s7 =	smul.u32 @!p0 $0xF7A, s2;
	p2 =	seq.s32 @!p0 s5, $0x0  }
0x1f: {  	s9 =	smul.u32 $0xF7A, s1;
	s8 =	simm.s32 @!p0 $0x1BF5;
	p2 =	por !p2, p0  }
0x20: {  	[sflag:s8] =	ssyncset.s32 @!p0 $0xFFFFF086;
	s6 =	sadd.s32 @!p0 s3, s7;
	s7 =	simm.s32 @!p0 $0x108  }
0x21: {  	s3 =	sadd.s32 s3, s9;
	s6 =	sadd.s32 @!p0 $0x88, s6;
	s7 =	simm.s32 @p2 $0x1082  }
0x22: {  	[simem:s7], [sflag:s8] =	dma.local @!p0 [hbm:s6], $0xF7A  }
0x23: {  	s9 =	sor.u32 $0xD0000000, s2;
	s6 =	simm.s32 $0x108;
	_ =	swait.ge @!p0 [sflag:s8], $0x0  }
0x24: {  	s3 =	sadd.s32 $0x88, s3;
	s6 =	simm.s32 @!p1 $0x1082;
	[sflag:s4] =	ssyncset.s32 $0xFFFFF086  }
0x25: {  	[simem:s6], [sflag:s4] =	dma.local [hbm:s3], $0xF7A  }
0x26: {  	[smem:$0x3F95] =	sst s1;
	(tag) =	ssettag s2;
	_ =	strace s9  }
0x27: {  	s1 =	sld [smem:$0x3FA5]  }
0x28: {  	s2 =	sld [smem:$0x3FA6]  }
0x29: {  	s4 =	sld [smem:$0x3FA8]  }
0x2a: {  	p0 =	seq.s32 s5, $0x0;
	s5 =	sld [smem:$0x3FA9]  }
0x2b: {  	s6 =	sld [smem:$0x3FAA]  }
0x2c: {  	s7 =	sld [smem:$0x3FAB]  }
0x2d: {  	s3 =	simm.s32 $0x108;
	s8 =	sld [smem:$0x3FAC]  }
0x2e: {  	s3 =	simm.s32 @!p0 $0x1082;
	s9 =	sld [smem:$0x3FAD]  }
0x2f: {  	lr =	sadd.s32 s0, s3;
	s0 =	sld [smem:$0x3FA4]  }
0x30: {  	s3 =	sld [smem:$0x3FA7]  }
0x31: {  	[smem:$0x3FB0] =	sst s10  }
0x32: {  	s10 =	sld [smem:$0x3FAE];
	_ =	sdelay $0x3  }
0x33: {  	p0 =	seq.s32 s10, $0x1;
	s10 =	sld [smem:$0x3FB0];
	_ =	sdelay $0x3  }
0x34: {  	[smem:$0x3FB0] =	sst s10  }
0x35: {  	s10 =	sld [smem:$0x3FAF];
	_ =	sdelay $0x3  }
0x36: {  	p1 =	seq.s32 s10, $0x1;
	s10 =	sld [smem:$0x3FB0];
	_ =	sdelay $0x3  }
0x37: {  	[smem:$0x3FB0] =	sst s10  }
0x38: {  	s10 =	sld [smem:$0x3FB1]  }
0x39: {  	_ = 	snop;
	(pc) =	sbr.ind lr, $3  }
0x3a: {  	_ = 	snop  }
0x3b: {  	_ = 	snop  }
0x3c: {  	p2 =	seq.s32 s10, $0x1;
	s10 =	sld [smem:$0x3FB0]  }
0x3d: {  	_ =	shalt  }
0x3e: {  	_ =	shalt  }
0x3f: {  	_ =	shalt  }
0x40: {  	_ =	shalt  }
0x41: {  	_ =	shalt  }
0x42: {  	_ =	shalt  }
0x43: {  	_ =	shalt  }
0x44: {  	_ =	shalt  }
0x45: {  	_ =	shalt  }
0x46: {  	_ =	shalt  }
0x47: {  	_ =	shalt  }
0x48: {  	_ =	shalt  }
0x49: {  	_ =	shalt  }
0x4a: {  	_ =	shalt  }
0x4b: {  	_ =	shalt  }
0x4c: {  	_ =	shalt  }
0x4d: {  	_ =	shalt  }
0x4e: {  	_ =	shalt  }
0x4f: {  	_ =	shalt  }
0x50: {  	_ =	shalt  }
0x51: {  	_ =	shalt  }
0x52: {  	_ =	shalt  }
0x53: {  	_ =	shalt  }
0x54: {  	_ =	shalt  }
0x55: {  	_ =	shalt  }
0x56: {  	_ =	shalt  }
0x57: {  	_ =	shalt  }
0x58: {  	_ =	shalt  }
0x59: {  	_ =	shalt  }
0x5a: {  	_ =	shalt  }
0x5b: {  	_ =	shalt  }
0x5c: {  	_ =	shalt  }
0x5d: {  	_ =	shalt  }
0x5e: {  	_ =	shalt  }
0x5f: {  	_ =	shalt  }
0x60: {  	_ =	shalt  }
0x61: {  	_ =	shalt  }
0x62: {  	_ =	shalt  }
0x63: {  	_ =	shalt  }
0x64: {  	_ =	shalt  }
0x65: {  	_ =	shalt  }
0x66: {  	_ =	shalt  }
0x67: {  	_ =	shalt  }
0x68: {  	_ =	shalt  }
0x69: {  	_ =	shalt  }
0x6a: {  	_ =	shalt  }
0x6b: {  	_ =	shalt  }
0x6c: {  	_ =	shalt  }
0x6d: {  	_ =	shalt  }
0x6e: {  	_ =	shalt  }
0x6f: {  	_ =	shalt  }
0x70: {  	_ =	shalt  }
0x71: {  	_ =	shalt  }
0x72: {  	_ =	shalt  }
0x73: {  	_ =	shalt  }
0x74: {  	_ =	shalt  }
0x75: {  	_ =	shalt  }
0x76: {  	_ =	shalt  }
0x77: {  	_ =	shalt  }
0x78: {  	_ =	shalt  }
0x79: {  	_ =	shalt  }
0x7a: {  	_ =	shalt  }
0x7b: {  	_ =	shalt  }
0x7c: {  	_ =	shalt  }
0x7d: {  	_ =	shalt  }
0x7e: {  	_ =	shalt  }
0x7f: {  	_ =	shalt  }
0x80: {  	_ =	shalt  }
0x81: {  	_ =	shalt  }
0x82: {  	_ =	shalt  }
0x83: {  	_ =	shalt  }
0x84: {  	_ =	shalt  }
0x85: {  	_ =	shalt  }
0x86: {  	_ =	shalt  }
0x87: {  	_ =	shalt  }
.Lfunc_end0:
.L_simem_size_0:
called_computation_lowered:
.L_overlay_start_0:
0x88: {  	s2 =	sld [smem:$0x3FD9]  }
0x89: {  	s3 =	sld [smem:$0x3FFE];
	_ =	sdelay $0x1  }
0x8a: {  	s1 =	srdreg.scid  }
0x8b: {  	s0 =	sand.u32 $0x1, s1  }
0x8c: {  	s17 =	sshll.u32 s0, $0xA;
	s2 =	sadd.s32 s3, s2  }
0x8d: {  	s2 =	sadd.s32 s2, s17  }
0x8e: {  	[smem:$0x3FBC] =	sst s2  }
0x8f: {  	_ = 	snop  }
0x90: {  	s2 =	sld [smem:$0x3FD0];
	(tm) =	ssettm $0x1  }
0x91: {  	s18 =	sld [smem:$0x3FFB];
	_ =	sdelay $0x3  }
0x92: {  	_ =	strace s18  }
0x93: {  	s3 =	sld [smem:$0x3FFC];
	_ =	sdelay $0x3  }
0x94: {  	_ =	strace s3  }
0x95: {  	s3 =	sld [smem:$0x3FFD];
	_ =	sdelay $0x3  }
0x96: {  	_ =	strace s3  }
0x97: {  	_ =	strace $0x8FFFFFFF  }
0x98: {  	s19 =	sld [smem:$0x3FDB];
	_ =	sdelay $0x1  }
0x99: {  	s4 =	simm.s32 $_scs_section_size  }
0x9a: {  	s5 =	simm.s32 $_size__tile_overlayer_lowered;
	s6 =	simm.s32 $_tile_overlayer_lowered  }
0x9b: {  	s22 =	simm.s32 $0x1BFF;
	s21 =	sshll.u32 s6, $0x1;
	s3 =	sadd.s32 s4, s19  }
0x9c: {  	s7 =	simm.s32 $0x0;
	s20 =	sshll.u32 s5, $0x1;
	s5 =	sadd.s32 s21, s3  }
0x9d: {  	[timem:s7], [sflag:s22] =	dma.local [hbm:s5], s20  }
0x9e: {  	_ =	swait.ge [sflag:s22], s20  }
0x9f: {  	s4 =	ssub.s32 $0x0, s20;
	[sflag:s22] =	ssyncset.done $0x0  }
0xa0: {  	[sflag:s22] =	ssyncadd.s32 s4;
	_ =	sdelay $0x1  }
0xa1: {  	s23 =	simm.s32 $0x1B8B  }
0xa2: {  	_ =	swait.ge [sflag:s23], $0x1  }
0xa3: {  	[sflag:s23] =	ssyncset.done $0x0  }
0xa4: {  	s25 =	simm.s32 $0x1B8E;
	s24 =	sld [smem:$0x3FFE];
	[sflag:s23] =	ssyncadd.s32 $0xFFFFFFFF  }
0xa5: {  	s26 =	simm.s32 $execute0_lowered;
	[smem:$0x3FD2] =	sst s25  }
0xa6: {  	s5 =	sshll.u32 s26, $0x1;
	_ =	strace $0x80000046;
	[dreg:$0x1] =	wrdreg $0xFFFFFFFF  }
0xa7: {  	s28 =	simm.s32 $_size_execute0_lowered;
	s3 =	sadd.s32 s3, s5;
	[dreg:$0x0] =	wrdreg $0x0  }
0xa8: {  	s5 =	sshll.u32 s28, $0x1;
	[dreg:$0x2] =	wrdreg s3  }
0xa9: {  	[dreg:$0x3] =	wrdreg s5  }
0xaa: {  	[dreg:$0x4] =	wrdreg $0xC0  }
0xab: {  	_ =	task [dreg:s7], $0x5FFFF  }
0xac: {  	[dreg:$0x1] =	wrdreg $0xFFFFFFFF  }
0xad: {  	[dreg:$0x0] =	wrdreg $0x60  }
0xae: {  	[dreg:$0x2] =	wrdreg s24  }
0xaf: {  	[dreg:$0x3] =	wrdreg s2  }
0xb0: {  	[dreg:$0x4] =	wrdreg $0x40800  }
0xb1: {  	[dreg:$0x5] =	wrdreg $0x9  }
0xb2: {  	_ =	task.clear_ibuf [dreg:s7], $0x6FFFF;
	_ =	strace $0x90000046  }
0xb3: {  	s29 =	simm.s32 $0x9;
	_ =	strace $0x80000048  }
0xb4: {  	_ =	swait.ge [sflag:s29], $0x1  }
0xb5: {  	[sflag:s29] =	ssyncadd.s32 $0xFFFFFFFF  }
0xb6: {  	_ =	strace $0x90000048  }
0xb7: {  	_ =	sfence  }
0xb8: {  	s30 =	sld [smem:$0x0];
	_ =	sdelay $0x2  }
0xb9: {  	s31 =	sshll.u32 s1, $0xD;
	s1 =	sshrl.u32 s1, $0x2  }
0xba: {  	s3 =	sand.u32 $0x4000, s31;
	s1 =	sadd.s32 s1, s30  }
0xbb: {  	s0 =	sor.u32 s3, s0;
	s1 =	sshll.u32 s1, $0x11  }
0xbc: {  	s0 =	sor.u32 s1, s0  }
0xbd: {  	s0 =	sadd.s32 $0x8F2B, s0  }
0xbe: {  	[sflag:s0] =	ssyncadd.remote.s32 $0x1  }
0xbf: {  	_ =	sfence.sel $0xFFFF  }
0xc0: {  	[dreg:$0x0] =	wrdreg $0xFFFFFFFF;
	(pc) =	sbr.abs _section_cstart, $3  }
0xc1: {  	[dreg:$0x1] =	wrdreg $0xFFFFFFFF  }
0xc2: {  	_ =	task.clear_ibuf [dreg:s7], $0x2FFFF;
	_ =	strace $0x9FFFFFFF  }
0xc3: {  	(tm) =	ssettm $0x7FFFFFFF  }
tec
execute0_lowered:
.L_overlay_start_1:
0x0: {  	(tag) =	ssettag $0x1  }
0x1: {  	s4 =	rddreg [dreg:$0x0]  }
0x2: {  	s6 =	rddreg [dreg:$0x1]  }
0x3: {  	s2 =	rddreg [dreg:$0x2]  }
0x4: {  	s0 =	rddreg [dreg:$0x3]  }
0x5: {  	s3 =	simm.s32 $0x0;
	s1 =	stileid.u32;
	s5 =	srdreg.scid  }
0x6: {  	s13 =	simm.s32 $0x20;
	s14 =	simm.s32 $0x10;
	s15 =	simm.s32 $0x0  }
0x7: {  	[smem:$0x7FF] =	sst s3;
	s7 =	sshll.u32 s1, $0xB;
	s10 =	smul.u32 $0x500, s1  }
0x8: {  	s5 =	sand.u32 $0x1, s5;
	s12 =	smul.u32 $0xA00, s1;
	s31 =	sshll.u32 s1, $0x6  }
0x9: {  	_ =	strace $0x80000047;
	s7 =	sadd.s32 s7, s4;
	s8 =	ssub.s32 $0x2, s5  }
0xa: {  	s4 =	sadd.s32 $0x13400, s4;
	s11 =	sshll.u32 s5, $0xF;
	s5 =	sshll.u32 s5, $0x7  }
0xb: {  	s9 =	sshrl.u32 s8, $0x1;
	s7 =	sadd.s32 s11, s7;
	s28 =	sor.u32 s5, s10  }
0xc: {  	s29 =	sshrl.u32 s12, $0x2;
	s11 =	simm.s32 $0x50;
	s12 =	simm.s32 $0x4000  }
0xd: {  	s8 =	ssub.s32 s8, s9;
	s5 =	sadd.s32 $0x3400, s7;
	s9 =	sshrl.u32 s28, $0x3  }
0xe: {  	s30 =	sadd.s32 s29, s2;
	s6 =	sadd.s32 s6, s9;
	s7 =	smax.u32 s8, $0x1  }
0xf: {  	v0 =	vimm.f32 $1.000000000e+00;
	s8 =	simm.s32 $0x1;
	s9 =	sor.u32 $0x1C01, s31;
	s10 =	sshrl.u32 s30, $0x3  }
.LBB2_1:
0x10: {  	[tilespmem:s3], [sflag:$0x1] =	stream.linear.gather [hbm4b:s5+s3], $0x4000, $0x38;
	[tilespmem:$0x4300] =	vst v63  }
0x11: {  	_ =	swait.ge [sflag:s8], $0x4000  }
0x12: {  	[sflag:s8] =	ssyncset.done $0x0  }
0x13: {  	[sflag:s8] =	ssyncadd.s32 $0xFFFFC000  }
0x14: {  	[tilespmem:$0x4000] =	vst v0  }
0x15: {  	[tilespmem:$0x4010] =	vst v0  }
0x16: {  	[tilespmem:$0x4020] =	vst v0  }
0x17: {  	[tilespmem:$0x4030] =	vst v0  }
0x18: {  	[tilespmem:$0x4040] =	vst v0  }
0x19: {  	[spmem:s10], [sflag:s9] =	dma.local [hbm:s4], $0x50  }
0x1a: {  	_ =	swait.ge [sflag:s8], $0x50  }
0x1b: {  	[sflag:s8] =	ssyncset.done $0x0  }
0x1c: {  	[sflag:s8] =	ssyncadd.s32 $0xFFFFFFB0  }
0x1d: {  	s16 =	simm.s32 $0x0;
	[bflag:$0x0] =	sbarrier.arrive $0xFFFF  }
0x1e: {  	[spmem:s2] =	stream.indirect.scatter.add.f32 [tilespmem:s12], [sflag:$0x1], $0x1, s16, s11, $0xb8;
	[tilespmem:$0x4300] =	vst v63  }
0x1f: {  	_ =	swait.ge [sflag:s8], $0x50  }
0x20: {  	s16 =	simm.s32 $0x200;
	[sflag:s8] =	ssyncset.done $0x0  }
.LBB2_2:
0x21: {  	s17 =	sshra.s32 s16, $0x2;
	[sflag:s8] =	ssyncadd.s32 $0xFFFFFFB0;
	p0 =	sne.s32 s16, $0xFE00  }
0x22: {  	[spmem:s2] =	stream.indirect.scatter.add.f32 [tilespmem:s12], [sflag:$0x1], $0x1, s17, s11, $0xb8;
	[tilespmem:$0x4300] =	vst v63  }
.Ltmp0:
0x23: {  	_ = 	snop;
	(pc) =	sbr.rel @p0 .LBB2_2-.Ltmp0, $4  }
0x24: {  	_ = 	snop  }
0x25: {  	s16 =	sadd.s32 $0x200, s16  }
0x26: {  	_ =	swait.ge [sflag:s8], $0x50  }
0x27: {  	[sflag:s8] =	ssyncset.done $0x0  }
0x28: {  	s15 =	sadd.s32 $0x1, s15  }
0x29: {  	[sflag:s8] =	ssyncadd.s32 $0xFFFFFFB0;
	p0 =	sne.s32 s15, s7  }
.Ltmp1:
0x2a: {  	[bflag:$0x0] =	sbarrier.arrive $0xFFFF;
	(pc) =	sbr.rel @p0 .LBB2_1-.Ltmp1, $4  }
0x2b: {  	[hbm:s6@s13], [sflag:s9] =	dma.strided [spmem:s10@s14], $0x50, s8, $0x10   }
0x2c: {  	_ =	swait.ge [sflag:s8], $0x50  }
0x2d: {  	[sflag:s8] =	ssyncset.done $0x0  }
0x2e: {  	[sflag:s8] =	ssyncadd.s32 $0xFFFFFFB0  }
0x2f: {  	_ =	sfence.sel $0x180000  }
0x30: {  	[bflag:$0x0] =	sbarrier.arrive $0xFFFF  }
0x31: {  	p0 =	sne.s32 s1, $0x0;
	_ =	strace $0x90000047  }
0x32: {  	s0 =	sadd.s32 @!p0 $0x100000, s0;
	[bflag:$0x2] =	sbarrier.arrive $0xFFFF  }
0x33: {  	[sflag:s0] =	ssyncadd.tile.s32 @!p0 $0x1;
	_ =	shalt  }
.Lfunc_end2:
_tile_overlayer_lowered:
.L_overlay_start_2:
0x34: {  	(tag) =	ssettag $0x2  }
0x35: {  	s0 =	rddreg [dreg:$0x0];
	s2 =	stileid.u32  }
0x36: {  	s1 =	rddreg [dreg:$0x1];
	p0 =	sne.s32 s2, $0x0  }
0x37: {  	s3 =	rddreg [dreg:$0x2];
	[bflag:$0x3] =	sbarrier.arrive $0xFFFF;
	s2 =	simm.s32 @!p0 $0x1C01  }
0x38: {  	[timem:s3], [sflag:s2] =	dma.local @!p0 [hbm:s0], s1  }
0x39: {  	s0 =	simm.s32 @!p0 $0x1  }
0x3a: {  	_ =	swait.ge @!p0 [sflag:s0], s1  }
0x3b: {  	s1 =	ssub.s32 @!p0 $0x0, s1;
	[sflag:s0] =	ssyncset.done @!p0 $0x0  }
0x3c: {  	[sflag:s0] =	ssyncadd.s32 @!p0 s1  }
0x3d: {  	[bflag:$0x3] =	sbarrier.arrive $0xFFFF  }
0x3e: {  	_ =	shalt  }

// kernel: kernel.13.cloned.1.call-start
scs
__scs_entry_jumppad:
0x0: {  	(pc) =	sbr.rel $0x88, $3  }
0x1: {  	(tag) =	ssettag $0x0;
	lr =	simm.s32 $0x1  }
0x2: {  	[smem:$0x3F95] =	sst lr;
	_ =	strace $0xD0000000  }
0x3: {  	_ = 	snop  }
0x4: {  	_ = 	snop  }
0x5: {  	_ = 	snop  }
0x6: {  	_ = 	snop  }
0x7: {  	_ = 	snop  }
__scs_overlays_trampoline_lowered:
0x8: {  	[smem:$0x3FA4] =	sst s0  }
0x9: {  	[smem:$0x3FA5] =	sst s1  }
0xa: {  	[smem:$0x3FA6] =	sst s2  }
0xb: {  	[smem:$0x3FA7] =	sst s3  }
0xc: {  	[smem:$0x3FA8] =	sst s4  }
0xd: {  	[smem:$0x3FA9] =	sst s5  }
0xe: {  	[smem:$0x3FAA] =	sst s6  }
0xf: {  	[smem:$0x3FAB] =	sst s7  }
0x10: {  	[smem:$0x3FAC] =	sst s8  }
0x11: {  	[smem:$0x3FAD] =	sst s9;
	s0 =	simm.s32 @!p0 $0x0  }
0x12: {  	s1 =	sld [smem:$0x3F93];
	s0 =	simm.s32 @p0 $0x1  }
0x13: {  	[smem:$0x3FAE] =	sst s0;
	s0 =	simm.s32 @!p1 $0x0  }
0x14: {  	s2 =	sld [smem:$0x3F92];
	s0 =	simm.s32 @p1 $0x1  }
0x15: {  	[smem:$0x3FAF] =	sst s0;
	s0 =	simm.s32 @!p2 $0x0  }
0x16: {  	s3 =	sld [smem:$0x3FDB];
	s0 =	simm.s32 @p2 $0x1  }
0x17: {  	s4 =	simm.s32 $0x1BF5;
	[smem:$0x3FB1] =	sst s0  }
0x18: {  	s0 =	sld [smem:$0x3F94];
	_ =	swait.ge [sflag:s4], $0x0  }
0x19: {  	s7 =	sld [smem:$0x3F95]  }
0x1a: {  	s8 =	sadd.s32 $0xFFFFE003, lr  }
0x1b: {  	s9 =	sadd.s32 $0xFFFFFEF7, lr;
	s5 =	simm.s32 $0xFFFFFFFF;
	p2 =	slt.u32 s8, $0xFFFFF086  }
0x1c: {  	p1 =	slt.u32 s9, $0xF7A;
	s5 =	simm.s32 @!p2 $0x0  }
0x1d: {  	s5 =	simm.s32 @p1 $0x1;
	p0 =	seq.s32 s7, s2  }
0x1e: {  	s7 =	smul.u32 @!p0 $0xF7A, s2;
	p2 =	seq.s32 @!p0 s5, $0x0  }
0x1f: {  	s9 =	smul.u32 $0xF7A, s1;
	s8 =	simm.s32 @!p0 $0x1BF5;
	p2 =	por !p2, p0  }
0x20: {  	[sflag:s8] =	ssyncset.s32 @!p0 $0xFFFFF086;
	s6 =	sadd.s32 @!p0 s3, s7;
	s7 =	simm.s32 @!p0 $0x108  }
0x21: {  	s3 =	sadd.s32 s3, s9;
	s6 =	sadd.s32 @!p0 $0x88, s6;
	s7 =	simm.s32 @p2 $0x1082  }
0x22: {  	[simem:s7], [sflag:s8] =	dma.local @!p0 [hbm:s6], $0xF7A  }
0x23: {  	s9 =	sor.u32 $0xD0000000, s2;
	s6 =	simm.s32 $0x108;
	_ =	swait.ge @!p0 [sflag:s8], $0x0  }
0x24: {  	s3 =	sadd.s32 $0x88, s3;
	s6 =	simm.s32 @!p1 $0x1082;
	[sflag:s4] =	ssyncset.s32 $0xFFFFF086  }
0x25: {  	[simem:s6], [sflag:s4] =	dma.local [hbm:s3], $0xF7A  }
0x26: {  	[smem:$0x3F95] =	sst s1;
	(tag) =	ssettag s2;
	_ =	strace s9  }
0x27: {  	s1 =	sld [smem:$0x3FA5]  }
0x28: {  	s2 =	sld [smem:$0x3FA6]  }
0x29: {  	s4 =	sld [smem:$0x3FA8]  }
0x2a: {  	p0 =	seq.s32 s5, $0x0;
	s5 =	sld [smem:$0x3FA9]  }
0x2b: {  	s6 =	sld [smem:$0x3FAA]  }
0x2c: {  	s7 =	sld [smem:$0x3FAB]  }
0x2d: {  	s3 =	simm.s32 $0x108;
	s8 =	sld [smem:$0x3FAC]  }
0x2e: {  	s3 =	simm.s32 @!p0 $0x1082;
	s9 =	sld [smem:$0x3FAD]  }
0x2f: {  	lr =	sadd.s32 s0, s3;
	s0 =	sld [smem:$0x3FA4]  }
0x30: {  	s3 =	sld [smem:$0x3FA7]  }
0x31: {  	[smem:$0x3FB0] =	sst s10  }
0x32: {  	s10 =	sld [smem:$0x3FAE];
	_ =	sdelay $0x3  }
0x33: {  	p0 =	seq.s32 s10, $0x1;
	s10 =	sld [smem:$0x3FB0];
	_ =	sdelay $0x3  }
0x34: {  	[smem:$0x3FB0] =	sst s10  }
0x35: {  	s10 =	sld [smem:$0x3FAF];
	_ =	sdelay $0x3  }
0x36: {  	p1 =	seq.s32 s10, $0x1;
	s10 =	sld [smem:$0x3FB0];
	_ =	sdelay $0x3  }
0x37: {  	[smem:$0x3FB0] =	sst s10  }
0x38: {  	s10 =	sld [smem:$0x3FB1]  }
0x39: {  	_ = 	snop;
	(pc) =	sbr.ind lr, $3  }
0x3a: {  	_ = 	snop  }
0x3b: {  	_ = 	snop  }
0x3c: {  	p2 =	seq.s32 s10, $0x1;
	s10 =	sld [smem:$0x3FB0]  }
0x3d: {  	_ =	shalt  }
0x3e: {  	_ =	shalt  }
0x3f: {  	_ =	shalt  }
0x40: {  	_ =	shalt  }
0x41: {  	_ =	shalt  }
0x42: {  	_ =	shalt  }
0x43: {  	_ =	shalt  }
0x44: {  	_ =	shalt  }
0x45: {  	_ =	shalt  }
0x46: {  	_ =	shalt  }
0x47: {  	_ =	shalt  }
0x48: {  	_ =	shalt  }
0x49: {  	_ =	shalt  }
0x4a: {  	_ =	shalt  }
0x4b: {  	_ =	shalt  }
0x4c: {  	_ =	shalt  }
0x4d: {  	_ =	shalt  }
0x4e: {  	_ =	shalt  }
0x4f: {  	_ =	shalt  }
0x50: {  	_ =	shalt  }
0x51: {  	_ =	shalt  }
0x52: {  	_ =	shalt  }
0x53: {  	_ =	shalt  }
0x54: {  	_ =	shalt  }
0x55: {  	_ =	shalt  }
0x56: {  	_ =	shalt  }
0x57: {  	_ =	shalt  }
0x58: {  	_ =	shalt  }
0x59: {  	_ =	shalt  }
0x5a: {  	_ =	shalt  }
0x5b: {  	_ =	shalt  }
0x5c: {  	_ =	shalt  }
0x5d: {  	_ =	shalt  }
0x5e: {  	_ =	shalt  }
0x5f: {  	_ =	shalt  }
0x60: {  	_ =	shalt  }
0x61: {  	_ =	shalt  }
0x62: {  	_ =	shalt  }
0x63: {  	_ =	shalt  }
0x64: {  	_ =	shalt  }
0x65: {  	_ =	shalt  }
0x66: {  	_ =	shalt  }
0x67: {  	_ =	shalt  }
0x68: {  	_ =	shalt  }
0x69: {  	_ =	shalt  }
0x6a: {  	_ =	shalt  }
0x6b: {  	_ =	shalt  }
0x6c: {  	_ =	shalt  }
0x6d: {  	_ =	shalt  }
0x6e: {  	_ =	shalt  }
0x6f: {  	_ =	shalt  }
0x70: {  	_ =	shalt  }
0x71: {  	_ =	shalt  }
0x72: {  	_ =	shalt  }
0x73: {  	_ =	shalt  }
0x74: {  	_ =	shalt  }
0x75: {  	_ =	shalt  }
0x76: {  	_ =	shalt  }
0x77: {  	_ =	shalt  }
0x78: {  	_ =	shalt  }
0x79: {  	_ =	shalt  }
0x7a: {  	_ =	shalt  }
0x7b: {  	_ =	shalt  }
0x7c: {  	_ =	shalt  }
0x7d: {  	_ =	shalt  }
0x7e: {  	_ =	shalt  }
0x7f: {  	_ =	shalt  }
0x80: {  	_ =	shalt  }
0x81: {  	_ =	shalt  }
0x82: {  	_ =	shalt  }
0x83: {  	_ =	shalt  }
0x84: {  	_ =	shalt  }
0x85: {  	_ =	shalt  }
0x86: {  	_ =	shalt  }
0x87: {  	_ =	shalt  }
.Lfunc_end0:
.L_simem_size_0:
called_computation.1_lowered:
.L_overlay_start_0:
0x88: {  	s2 =	sld [smem:$0x3FD9]  }
0x89: {  	s3 =	sld [smem:$0x3FFE];
	_ =	sdelay $0x1  }
0x8a: {  	s1 =	srdreg.scid  }
0x8b: {  	s0 =	sand.u32 $0x1, s1  }
0x8c: {  	s17 =	sshll.u32 s0, $0xA;
	s2 =	sadd.s32 s3, s2  }
0x8d: {  	s2 =	sadd.s32 s2, s17  }
0x8e: {  	[smem:$0x3FBC] =	sst s2  }
0x8f: {  	_ = 	snop  }
0x90: {  	s2 =	sld [smem:$0x3FD0];
	(tm) =	ssettm $0x1  }
0x91: {  	s18 =	sld [smem:$0x3FFB];
	_ =	sdelay $0x3  }
0x92: {  	_ =	strace s18  }
0x93: {  	s3 =	sld [smem:$0x3FFC];
	_ =	sdelay $0x3  }
0x94: {  	_ =	strace s3  }
0x95: {  	s3 =	sld [smem:$0x3FFD];
	_ =	sdelay $0x3  }
0x96: {  	_ =	strace s3  }
0x97: {  	_ =	strace $0x8FFFFFFF  }
0x98: {  	s19 =	sld [smem:$0x3FDB];
	_ =	sdelay $0x1  }
0x99: {  	s4 =	simm.s32 $_scs_section_size  }
0x9a: {  	s5 =	simm.s32 $_size__tile_overlayer_lowered;
	s6 =	simm.s32 $_tile_overlayer_lowered  }
0x9b: {  	s22 =	simm.s32 $0x1BFF;
	s21 =	sshll.u32 s6, $0x1;
	s3 =	sadd.s32 s4, s19  }
0x9c: {  	s7 =	simm.s32 $0x0;
	s20 =	sshll.u32 s5, $0x1;
	s5 =	sadd.s32 s21, s3  }
0x9d: {  	[timem:s7], [sflag:s22] =	dma.local [hbm:s5], s20  }
0x9e: {  	_ =	swait.ge [sflag:s22], s20  }
0x9f: {  	s4 =	ssub.s32 $0x0, s20;
	[sflag:s22] =	ssyncset.done $0x0  }
0xa0: {  	[sflag:s22] =	ssyncadd.s32 s4;
	_ =	sdelay $0x1  }
0xa1: {  	s23 =	simm.s32 $0x1B8B  }
0xa2: {  	_ =	swait.ge [sflag:s23], $0x1  }
0xa3: {  	[sflag:s23] =	ssyncset.done $0x0  }
0xa4: {  	s25 =	simm.s32 $0x1B8E;
	s24 =	sld [smem:$0x3FFE];
	[sflag:s23] =	ssyncadd.s32 $0xFFFFFFFF  }
0xa5: {  	s26 =	simm.s32 $execute0_lowered;
	[smem:$0x3FD2] =	sst s25  }
0xa6: {  	s5 =	sshll.u32 s26, $0x1;
	_ =	strace $0x80000049;
	[dreg:$0x1] =	wrdreg $0xFFFFFFFF  }
0xa7: {  	s28 =	simm.s32 $_size_execute0_lowered;
	s3 =	sadd.s32 s3, s5;
	[dreg:$0x0] =	wrdreg $0x0  }
0xa8: {  	s5 =	sshll.u32 s28, $0x1;
	[dreg:$0x2] =	wrdreg s3  }
0xa9: {  	[dreg:$0x3] =	wrdreg s5  }
0xaa: {  	[dreg:$0x4] =	wrdreg $0xC0  }
0xab: {  	_ =	task [dreg:s7], $0x5FFFF  }
0xac: {  	[dreg:$0x1] =	wrdreg $0xFFFFFFFF  }
0xad: {  	[dreg:$0x0] =	wrdreg $0x60  }
0xae: {  	[dreg:$0x2] =	wrdreg s24  }
0xaf: {  	[dreg:$0x3] =	wrdreg s2  }
0xb0: {  	[dreg:$0x4] =	wrdreg $0x52000  }
0xb1: {  	[dreg:$0x5] =	wrdreg $0x9  }
0xb2: {  	_ =	task.clear_ibuf [dreg:s7], $0x6FFFF;
	_ =	strace $0x90000049  }
0xb3: {  	s29 =	simm.s32 $0x9;
	_ =	strace $0x8000004B  }
0xb4: {  	_ =	swait.ge [sflag:s29], $0x1  }
0xb5: {  	[sflag:s29] =	ssyncadd.s32 $0xFFFFFFFF  }
0xb6: {  	_ =	strace $0x9000004B  }
0xb7: {  	_ =	sfence  }
0xb8: {  	s30 =	sld [smem:$0x0];
	_ =	sdelay $0x2  }
0xb9: {  	s31 =	sshll.u32 s1, $0xD;
	s1 =	sshrl.u32 s1, $0x2  }
0xba: {  	s3 =	sand.u32 $0x4000, s31;
	s1 =	sadd.s32 s1, s30  }
0xbb: {  	s0 =	sor.u32 s3, s0;
	s1 =	sshll.u32 s1, $0x11  }
0xbc: {  	s0 =	sor.u32 s1, s0  }
0xbd: {  	s0 =	sadd.s32 $0x8F2B, s0  }
0xbe: {  	[sflag:s0] =	ssyncadd.remote.s32 $0x1  }
0xbf: {  	_ =	sfence.sel $0xFFFF  }
0xc0: {  	[dreg:$0x0] =	wrdreg $0xFFFFFFFF;
	(pc) =	sbr.abs _section_cstart, $3  }
0xc1: {  	[dreg:$0x1] =	wrdreg $0xFFFFFFFF  }
0xc2: {  	_ =	task.clear_ibuf [dreg:s7], $0x2FFFF;
	_ =	strace $0x9FFFFFFF  }
0xc3: {  	(tm) =	ssettm $0x7FFFFFFF  }
tec
execute0_lowered:
.L_overlay_start_1:
0x0: {  	(tag) =	ssettag $0x1  }
0x1: {  	s0 =	rddreg [dreg:$0x0]  }
0x2: {  	s1 =	rddreg [dreg:$0x1]  }
0x3: {  	s3 =	srdreg.scid;
	s2 =	rddreg [dreg:$0x2]  }
0x4: {  	s17 =	stileid.u32;
	s18 =	simm.s32 $0x100;
	s19 =	simm.s32 $0x80  }
0x5: {  	s20 =	simm.s32 $0x1;
	s28 =	simm.s32 $0x6;
	s29 =	simm.s32 $0x4  }
0x6: {  	s30 =	simm.s32 $0x180;
	s31 =	simm.s32 $0x0;
	s6 =	smul.u32 $0x14000, s17  }
0x7: {  	s9 =	sand.u32 $0x1, s3;
	s3 =	simm.s32 $0x0;
	s21 =	smul.u32 $0x50000, s17  }
0x8: {  	s4 =	sadd.s32 $0x23600, s0;
	s12 =	sshll.u32 s17, $0xE;
	s14 =	smul.u32 $0x2800, s17  }
0x9: {  	s26 =	sshll.u32 s17, $0x6;
	s17 =	simm.s32 $0x7;
	s5 =	smul.u32 $0x140000, s9  }
0xa: {  	[smem:$0x7FF] =	sst s3;
	s8 =	ssub.s32 $0x2, s9;
	s11 =	sshll.u32 s9, $0x12  }
0xb: {  	p0 =	sne.s32 s9, $0x0;
	_ =	strace $0x8000004A;
	s10 =	sshrl.u32 s8, $0x1  }
0xc: {  	s13 =	sshrl.u32 s21, $0x2;
	s21 =	simm.s32 $0x50;
	s7 =	sadd.s32 s6, s5  }
0xd: {  	s5 =	sadd.s32 $0x13600, s0;
	s6 =	sadd.s32 $0x3400, s0;
	s15 =	ssub.s32 s8, s10  }
0xe: {  	s16 =	sadd.s32 s13, s2;
	s8 =	sadd.s32 s4, s14;
	s7 =	sshrl.u32 s7, $0x3  }
0xf: {  	s14 =	smax.u32 s15, $0x1;
	s0 =	sadd.s32 s7, s0;
	s7 =	sor.u32 s12, s11  }
0x10: {  	s8 =	smov.u32 @p0 s1;
	s15 =	sor.u32 $0x1C07, s26;
	s22 =	sshrl.u32 s7, $0x3  }
0x11: {  	s16 =	sshrl.u32 s16, $0x3;
	s26 =	simm.s32 $0x3;
	s23 =	sadd.s32 s5, s22  }
0x12: {  	s13 =	sadd.s32 $0x4B600, s0;
	s10 =	sadd.s32 s6, s22;
	[dreg:$0x4] =	wrdreg s23  }
0x13: {  	s24 =	sor.u32 $0x10, s22;
	s22 =	simm.s32 $0x200;
	[dreg:$0x5] =	wrdreg s10  }
0x14: {  	s25 =	sadd.s32 s5, s24;
	s12 =	sadd.s32 s6, s24;
	s23 =	simm.s32 $0x2  }
0x15: {  	s24 =	simm.s32 $0x2A00;
	[dreg:$0x6] =	wrdreg s25;
	s25 =	simm.s32 $0x5  }
.LBB2_1:
0x16: {  	[spmem:s16], [sflag:s15] =	dma.local [hbm:s8], $0x2800  }
0x17: {  	_ =	swait.ge [sflag:s17], $0x2800  }
0x18: {  	[sflag:s17] =	ssyncset.done $0x0  }
0x19: {  	s0 =	rddreg [dreg:$0x4];
	[sflag:s17] =	ssyncadd.s32 $0xFFFFD800  }
0x1a: {  	[tilespmem:s3], [sflag:$0x1] =	stream.linear.gather [hbm4b:s0+s3], $0x80, $0x38;
	[tilespmem:$0x19200] =	vst v63  }
0x1b: {  	s9 =	rddreg [dreg:$0x5]  }
0x1c: {  	[tilespmem:s18], [sflag:$0x3] =	stream.linear.gather [hbm4b:s9+s3], $0x80, $0x38;
	[tilespmem:$0x19200] =	vst v63  }
0x1d: {  	s10 =	rddreg [dreg:$0x6]  }
0x1e: {  	[tilespmem:s19], [sflag:$0x2] =	stream.linear.gather [hbm4b:s10+s3], $0x80, $0x38;
	[tilespmem:$0x19200] =	vst v63  }
0x1f: {  	_ = 	snop  }
0x20: {  	[tilespmem:s30], [sflag:$0x4] =	stream.linear.gather [hbm4b:s12+s3], $0x80, $0x38;
	[tilespmem:$0x19200] =	vst v63  }
0x21: {  	[bflag:$0x0] =	sbarrier.arrive $0xFFFF  }
0x22: {  	_ =	swait.ge [sflag:s20], $0x80  }
0x23: {  	[sflag:s20] =	ssyncset.done $0x0  }
0x24: {  	[sflag:s20] =	ssyncadd.s32 $0xFFFFFF80  }
0x25: {  	[tilespmem:s22], [sflag:$0x5] =	stream.indirect.gather [hbm4b:s4+s21], $0x80, s3, s21, $0xb8;
	[tilespmem:$0x19200] =	vst v63  }
0x26: {  	_ =	swait.ge [sflag:s23], $0x80  }
0x27: {  	[sflag:s23] =	ssyncset.done $0x0  }
0x28: {  	[sflag:s23] =	ssyncadd.s32 $0xFFFFFF80  }
0x29: {  	[tilespmem:s24], [sflag:$0x6] =	stream.indirect.gather [hbm4b:s4+s21], $0x80, s19, s21, $0xb8;
	[tilespmem:$0x19200] =	vst v63  }
0x2a: {  	_ =	swait.ge [sflag:s25], $0x2800  }
0x2b: {  	[sflag:s25] =	ssyncset.done $0x0  }
0x2c: {  	[sflag:s25] =	ssyncadd.s32 $0xFFFFD800  }
0x2d: {  	s11 =	simm.s32 $0x100;
	_ =	swait.ge [sflag:s26], $0x80  }
0x2e: {  	s1 =	sand.u32 $0x7C00, s11;
	[sflag:s26] =	ssyncset.done $0x0  }
0x2f: {  	s1 =	sadd.s32 s7, s1;
	s0 =	sand.u32 $0x300, s11;
	[sflag:s26] =	ssyncadd.s32 $0xFFFFFF80  }
0x30: {  	[spmem:s2] =	stream.indirect.scatter.add.f32 [tilespmem:s22], [sflag:$0x7], $0x80, s18, s21, $0xb8;
	[tilespmem:$0x19200] =	vst v63  }
0x31: {  	s0 =	sor.u32 s0, s1;
	_ =	swait.ge [sflag:s17], $0x2800  }
0x32: {  	s0 =	sshrl.u32 s0, $0x3;
	[sflag:s17] =	ssyncset.done $0x0  }
0x33: {  	s9 =	sadd.s32 s5, s0;
	[sflag:s17] =	ssyncadd.s32 $0xFFFFD800  }
0x34: {  	[tilespmem:s3], [sflag:$0x1] =	stream.linear.gather [hbm4b:s9+s3], $0x80, $0x38;
	[tilespmem:$0x19200] =	vst v63  }
0x35: {  	s0 =	sadd.s32 s6, s0  }
0x36: {  	[tilespmem:s18], [sflag:$0x3] =	stream.linear.gather [hbm4b:s0+s3], $0x80, $0x38;
	[tilespmem:$0x19200] =	vst v63  }
0x37: {  	_ =	swait.ge [sflag:s28], $0x2800  }
0x38: {  	[sflag:s28] =	ssyncset.done $0x0  }
0x39: {  	[sflag:s28] =	ssyncadd.s32 $0xFFFFD800  }
0x3a: {  	_ =	swait.ge [sflag:s29], $0x80  }
0x3b: {  	s10 =	sand.u32 $0x7C00, s30;
	[sflag:s29] =	ssyncset.done $0x0  }
0x3c: {  	s11 =	sand.u32 $0x380, s30;
	s0 =	sadd.s32 s7, s10;
	[sflag:s29] =	ssyncadd.s32 $0xFFFFFF80  }
0x3d: {  	[spmem:s2] =	stream.indirect.scatter.add.f32 [tilespmem:s24], [sflag:$0x7], $0x80, s30, s21, $0xb8;
	[tilespmem:$0x19200] =	vst v63  }
0x3e: {  	s0 =	sor.u32 s11, s0;
	_ =	swait.ge [sflag:s17], $0x2800  }
0x3f: {  	s0 =	sshrl.u32 s0, $0x3;
	[sflag:s17] =	ssyncset.done $0x0  }
0x40: {  	s9 =	sadd.s32 s5, s0;
	[sflag:s17] =	ssyncadd.s32 $0xFFFFD800  }
0x41: {  	[tilespmem:s19], [sflag:$0x2] =	stream.linear.gather [hbm4b:s9+s3], $0x80, $0x38;
	[tilespmem:$0x19200] =	vst v63  }
0x42: {  	s0 =	sadd.s32 s6, s0  }
0x43: {  	[tilespmem:s30], [sflag:$0x4] =	stream.linear.gather [hbm4b:s0+s3], $0x80, $0x38;
	[tilespmem:$0x19200] =	vst v63  }
0x44: {  	_ =	swait.ge [sflag:s20], $0x80  }
0x45: {  	[sflag:s20] =	ssyncset.done $0x0  }
0x46: {  	[sflag:s20] =	ssyncadd.s32 $0xFFFFFF80  }
0x47: {  	[tilespmem:s22], [sflag:$0x5] =	stream.indirect.gather [hbm4b:s4+s21], $0x80, s3, s21, $0xb8;
	[tilespmem:$0x19200] =	vst v63  }
0x48: {  	_ =	swait.ge [sflag:s23], $0x80  }
0x49: {  	[sflag:s23] =	ssyncset.done $0x0  }
0x4a: {  	[sflag:s23] =	ssyncadd.s32 $0xFFFFFF80  }
0x4b: {  	[tilespmem:s24], [sflag:$0x6] =	stream.indirect.gather [hbm4b:s4+s21], $0x80, s19, s21, $0xb8;
	[tilespmem:$0x19200] =	vst v63  }
0x4c: {  	s10 =	simm.s32 $0x200;
	_ =	swait.ge [sflag:s25], $0x2800  }
0x4d: {  	s11 =	sand.u32 $0x7C00, s10;
	[sflag:s25] =	ssyncset.done $0x0  }
0x4e: {  	s1 =	sadd.s32 s7, s11;
	s9 =	sand.u32 $0x300, s10;
	[sflag:s25] =	ssyncadd.s32 $0xFFFFD800  }
0x4f: {  	s9 =	sor.u32 s9, s1;
	s1 =	simm.s32 $0x380;
	_ =	swait.ge [sflag:s26], $0x80  }
0x50: {  	s0 =	simm.s32 $0x280;
	s9 =	sshrl.u32 s9, $0x3;
	[sflag:s26] =	ssyncset.done $0x0  }
.LBB2_2:
0x51: {  	p0 =	sne.s32 s1, $0x3F80  }
0x52: {  	[sflag:s26] =	ssyncadd.s32 $0xFFFFFF80;
	s10 =	smov.u32 s1;
	s1 =	sadd.s32 $0x100, s1  }
0x53: {  	[spmem:s2] =	stream.indirect.scatter.add.f32 [tilespmem:s22], [sflag:$0x7], $0x80, s18, s21, $0xb8;
	[tilespmem:$0x19200] =	vst v63  }
0x54: {  	_ =	swait.ge [sflag:s17], $0x2800  }
0x55: {  	s11 =	sadd.s32 s5, s9;
	[sflag:s17] =	ssyncset.done $0x0  }
0x56: {  	[sflag:s17] =	ssyncadd.s32 $0xFFFFD800  }
0x57: {  	[tilespmem:s3], [sflag:$0x1] =	stream.linear.gather [hbm4b:s11+s3], $0x80, $0x38;
	[tilespmem:$0x19200] =	vst v63  }
0x58: {  	s9 =	sadd.s32 s6, s9  }
0x59: {  	[tilespmem:s18], [sflag:$0x3] =	stream.linear.gather [hbm4b:s9+s3], $0x80, $0x38;
	[tilespmem:$0x19200] =	vst v63  }
0x5a: {  	_ =	swait.ge [sflag:s28], $0x2800  }
0x5b: {  	[sflag:s28] =	ssyncset.done $0x0  }
0x5c: {  	[sflag:s28] =	ssyncadd.s32 $0xFFFFD800  }
0x5d: {  	_ =	swait.ge [sflag:s29], $0x80  }
0x5e: {  	s9 =	sand.u32 $0x7C00, s0;
	[sflag:s29] =	ssyncset.done $0x0  }
0x5f: {  	s0 =	sand.u32 $0x380, s0;
	s9 =	sadd.s32 s7, s9;
	[sflag:s29] =	ssyncadd.s32 $0xFFFFFF80  }
0x60: {  	[spmem:s2] =	stream.indirect.scatter.add.f32 [tilespmem:s24], [sflag:$0x7], $0x80, s30, s21, $0xb8;
	[tilespmem:$0x19200] =	vst v63  }
0x61: {  	s9 =	sor.u32 s0, s9;
	s0 =	smov.u32 s10;
	_ =	swait.ge [sflag:s17], $0x2800  }
0x62: {  	s9 =	sshrl.u32 s9, $0x3;
	[sflag:s17] =	ssyncset.done $0x0  }
0x63: {  	s10 =	sadd.s32 s5, s9;
	s9 =	sadd.s32 s6, s9;
	[sflag:s17] =	ssyncadd.s32 $0xFFFFD800  }
0x64: {  	[tilespmem:s19], [sflag:$0x2] =	stream.linear.gather [hbm4b:s10+s3], $0x80, $0x38;
	[tilespmem:$0x19200] =	vst v63  }
0x65: {  	_ = 	snop  }
0x66: {  	[tilespmem:s30], [sflag:$0x4] =	stream.linear.gather [hbm4b:s9+s3], $0x80, $0x38;
	[tilespmem:$0x19200] =	vst v63  }
0x67: {  	_ =	swait.ge [sflag:s20], $0x80  }
0x68: {  	[sflag:s20] =	ssyncset.done $0x0  }
0x69: {  	[sflag:s20] =	ssyncadd.s32 $0xFFFFFF80  }
0x6a: {  	[tilespmem:s22], [sflag:$0x5] =	stream.indirect.gather [hbm4b:s4+s21], $0x80, s3, s21, $0xb8;
	[tilespmem:$0x19200] =	vst v63  }
0x6b: {  	_ =	swait.ge [sflag:s23], $0x80  }
0x6c: {  	[sflag:s23] =	ssyncset.done $0x0  }
0x6d: {  	[sflag:s23] =	ssyncadd.s32 $0xFFFFFF80  }
0x6e: {  	[tilespmem:s24], [sflag:$0x6] =	stream.indirect.gather [hbm4b:s4+s21], $0x80, s19, s21, $0xb8;
	[tilespmem:$0x19200] =	vst v63  }
.Ltmp0:
0x6f: {  	s9 =	sadd.s32 $0xFFFFFF80, s0;
	_ =	swait.ge [sflag:s25], $0x2800;
	(pc) =	sbr.rel @p0 .LBB2_2-.Ltmp0, $4  }
0x70: {  	s10 =	sand.u32 $0x7C00, s9;
	[sflag:s25] =	ssyncset.done $0x0  }
0x71: {  	s9 =	sand.u32 $0x300, s9;
	s10 =	sadd.s32 s7, s10;
	[sflag:s25] =	ssyncadd.s32 $0xFFFFD800  }
0x72: {  	s9 =	sor.u32 s9, s10;
	_ =	swait.ge [sflag:s26], $0x80  }
0x73: {  	s9 =	sshrl.u32 s9, $0x3;
	[sflag:s26] =	ssyncset.done $0x0  }
0x74: {  	[sflag:s26] =	ssyncadd.s32 $0xFFFFFF80  }
0x75: {  	[spmem:s2] =	stream.indirect.scatter.add.f32 [tilespmem:s22], [sflag:$0x7], $0x80, s18, s21, $0xb8;
	[tilespmem:$0x19200] =	vst v63  }
0x76: {  	_ =	swait.ge [sflag:s17], $0x2800  }
0x77: {  	[sflag:s17] =	ssyncset.done $0x0  }
0x78: {  	s1 =	sadd.s32 s5, s9;
	[sflag:s17] =	ssyncadd.s32 $0xFFFFD800  }
0x79: {  	[tilespmem:s3], [sflag:$0x1] =	stream.linear.gather [hbm4b:s1+s3], $0x80, $0x38;
	[tilespmem:$0x19200] =	vst v63  }
0x7a: {  	s11 =	sadd.s32 s6, s9  }
0x7b: {  	[tilespmem:s18], [sflag:$0x3] =	stream.linear.gather [hbm4b:s11+s3], $0x80, $0x38;
	[tilespmem:$0x19200] =	vst v63  }
0x7c: {  	_ =	swait.ge [sflag:s28], $0x2800  }
0x7d: {  	[sflag:s28] =	ssyncset.done $0x0  }
0x7e: {  	[sflag:s28] =	ssyncadd.s32 $0xFFFFD800  }
0x7f: {  	_ =	swait.ge [sflag:s29], $0x80  }
0x80: {  	s9 =	sand.u32 $0x7C00, s0;
	[sflag:s29] =	ssyncset.done $0x0  }
0x81: {  	s10 =	sand.u32 $0x380, s0;
	s1 =	sadd.s32 s7, s9;
	[sflag:s29] =	ssyncadd.s32 $0xFFFFFF80  }
0x82: {  	[spmem:s2] =	stream.indirect.scatter.add.f32 [tilespmem:s24], [sflag:$0x7], $0x80, s30, s21, $0xb8;
	[tilespmem:$0x19200] =	vst v63  }
0x83: {  	s0 =	sor.u32 s10, s1;
	_ =	swait.ge [sflag:s17], $0x2800  }
0x84: {  	s0 =	sshrl.u32 s0, $0x3;
	[sflag:s17] =	ssyncset.done $0x0  }
0x85: {  	s11 =	sadd.s32 s5, s0;
	[sflag:s17] =	ssyncadd.s32 $0xFFFFD800  }
0x86: {  	[tilespmem:s19], [sflag:$0x2] =	stream.linear.gather [hbm4b:s11+s3], $0x80, $0x38;
	[tilespmem:$0x19200] =	vst v63  }
0x87: {  	s0 =	sadd.s32 s6, s0  }
0x88: {  	[tilespmem:s30], [sflag:$0x4] =	stream.linear.gather [hbm4b:s0+s3], $0x80, $0x38;
	[tilespmem:$0x19200] =	vst v63  }
0x89: {  	_ =	swait.ge [sflag:s20], $0x80  }
0x8a: {  	[sflag:s20] =	ssyncset.done $0x0  }
0x8b: {  	[sflag:s20] =	ssyncadd.s32 $0xFFFFFF80  }
0x8c: {  	[tilespmem:s22], [sflag:$0x5] =	stream.indirect.gather [hbm4b:s4+s21], $0x80, s3, s21, $0xb8;
	[tilespmem:$0x19200] =	vst v63  }
0x8d: {  	_ =	swait.ge [sflag:s23], $0x80  }
0x8e: {  	[sflag:s23] =	ssyncset.done $0x0  }
0x8f: {  	[sflag:s23] =	ssyncadd.s32 $0xFFFFFF80  }
0x90: {  	[tilespmem:s24], [sflag:$0x6] =	stream.indirect.gather [hbm4b:s4+s21], $0x80, s19, s21, $0xb8;
	[tilespmem:$0x19200] =	vst v63  }
0x91: {  	_ =	swait.ge [sflag:s25], $0x2800  }
0x92: {  	[sflag:s25] =	ssyncset.done $0x0  }
0x93: {  	[sflag:s25] =	ssyncadd.s32 $0xFFFFD800  }
0x94: {  	_ =	swait.ge [sflag:s26], $0x80  }
0x95: {  	[sflag:s26] =	ssyncset.done $0x0  }
0x96: {  	[sflag:s26] =	ssyncadd.s32 $0xFFFFFF80  }
0x97: {  	[spmem:s2] =	stream.indirect.scatter.add.f32 [tilespmem:s22], [sflag:$0x7], $0x80, s18, s21, $0xb8;
	[tilespmem:$0x19200] =	vst v63  }
0x98: {  	_ =	swait.ge [sflag:s17], $0x2800  }
0x99: {  	[sflag:s17] =	ssyncset.done $0x0  }
0x9a: {  	[sflag:s17] =	ssyncadd.s32 $0xFFFFD800  }
0x9b: {  	_ =	swait.ge [sflag:s28], $0x2800  }
0x9c: {  	[sflag:s28] =	ssyncset.done $0x0  }
0x9d: {  	[sflag:s28] =	ssyncadd.s32 $0xFFFFD800  }
0x9e: {  	_ =	swait.ge [sflag:s29], $0x80  }
0x9f: {  	[sflag:s29] =	ssyncset.done $0x0  }
0xa0: {  	[sflag:s29] =	ssyncadd.s32 $0xFFFFFF80  }
0xa1: {  	[spmem:s2] =	stream.indirect.scatter.add.f32 [tilespmem:s24], [sflag:$0x7], $0x80, s30, s21, $0xb8;
	[tilespmem:$0x19200] =	vst v63  }
0xa2: {  	_ =	swait.ge [sflag:s17], $0x2800  }
0xa3: {  	s31 =	sadd.s32 $0x1, s31;
	[sflag:s17] =	ssyncset.done $0x0  }
0xa4: {  	p0 =	sne.s32 s31, s14;
	[sflag:s17] =	ssyncadd.s32 $0xFFFFD800  }
.Ltmp1:
0xa5: {  	[bflag:$0x0] =	sbarrier.arrive $0xFFFF;
	(pc) =	sbr.rel @p0 .LBB2_1-.Ltmp1, $4  }
0xa6: {  	[hbm:s13], [sflag:s15] =	dma.local [spmem:s16], $0x2800  }
0xa7: {  	_ =	swait.ge [sflag:s17], $0x2800  }
0xa8: {  	[sflag:s17] =	ssyncset.done $0x0  }
0xa9: {  	[sflag:s17] =	ssyncadd.s32 $0xFFFFD800  }
0xaa: {  	_ =	sfence.sel $0x180000  }
0xab: {  	[bflag:$0x0] =	sbarrier.arrive $0xFFFF  }
0xac: {  	_ =	strace $0x9000004A  }
0xad: {  	s0 =	stileid.u32;
	[bflag:$0x2] =	sbarrier.arrive $0xFFFF  }
0xae: {  	p0 =	sne.s32 s0, $0x0;
	s0 =	rddreg [dreg:$0x3]  }
0xaf: {  	s0 =	sadd.s32 @!p0 $0x100000, s0  }
0xb0: {  	[sflag:s0] =	ssyncadd.tile.s32 @!p0 $0x1;
	_ =	shalt  }
.Lfunc_end2:
_tile_overlayer_lowered:
.L_overlay_start_2:
0xb1: {  	(tag) =	ssettag $0x2  }
0xb2: {  	s0 =	rddreg [dreg:$0x0];
	s2 =	stileid.u32  }
0xb3: {  	s1 =	rddreg [dreg:$0x1];
	p0 =	sne.s32 s2, $0x0  }
0xb4: {  	s3 =	rddreg [dreg:$0x2];
	[bflag:$0x3] =	sbarrier.arrive $0xFFFF;
	s2 =	simm.s32 @!p0 $0x1C07  }
0xb5: {  	[timem:s3], [sflag:s2] =	dma.local @!p0 [hbm:s0], s1  }
0xb6: {  	s0 =	simm.s32 @!p0 $0x7  }
0xb7: {  	_ =	swait.ge @!p0 [sflag:s0], s1  }
0xb8: {  	s1 =	ssub.s32 @!p0 $0x0, s1;
	[sflag:s0] =	ssyncset.done @!p0 $0x0  }
0xb9: {  	[sflag:s0] =	ssyncadd.s32 @!p0 s1  }
0xba: {  	[bflag:$0x3] =	sbarrier.arrive $0xFFFF  }
0xbb: {  	_ =	shalt  }

// kernel: kernel.16.cloned.1.call-start
scs
__scs_entry_jumppad:
0x0: {  	(pc) =	sbr.rel $0x88, $3  }
0x1: {  	(tag) =	ssettag $0x0;
	lr =	simm.s32 $0x1  }
0x2: {  	[smem:$0x3F95] =	sst lr;
	_ =	strace $0xD0000000  }
0x3: {  	_ = 	snop  }
0x4: {  	_ = 	snop  }
0x5: {  	_ = 	snop  }
0x6: {  	_ = 	snop  }
0x7: {  	_ = 	snop  }
__scs_overlays_trampoline_lowered:
0x8: {  	[smem:$0x3FA4] =	sst s0  }
0x9: {  	[smem:$0x3FA5] =	sst s1  }
0xa: {  	[smem:$0x3FA6] =	sst s2  }
0xb: {  	[smem:$0x3FA7] =	sst s3  }
0xc: {  	[smem:$0x3FA8] =	sst s4  }
0xd: {  	[smem:$0x3FA9] =	sst s5  }
0xe: {  	[smem:$0x3FAA] =	sst s6  }
0xf: {  	[smem:$0x3FAB] =	sst s7  }
0x10: {  	[smem:$0x3FAC] =	sst s8  }
0x11: {  	[smem:$0x3FAD] =	sst s9;
	s0 =	simm.s32 @!p0 $0x0  }
0x12: {  	s1 =	sld [smem:$0x3F93];
	s0 =	simm.s32 @p0 $0x1  }
0x13: {  	[smem:$0x3FAE] =	sst s0;
	s0 =	simm.s32 @!p1 $0x0  }
0x14: {  	s2 =	sld [smem:$0x3F92];
	s0 =	simm.s32 @p1 $0x1  }
0x15: {  	[smem:$0x3FAF] =	sst s0;
	s0 =	simm.s32 @!p2 $0x0  }
0x16: {  	s3 =	sld [smem:$0x3FDB];
	s0 =	simm.s32 @p2 $0x1  }
0x17: {  	s4 =	simm.s32 $0x1BF5;
	[smem:$0x3FB1] =	sst s0  }
0x18: {  	s0 =	sld [smem:$0x3F94];
	_ =	swait.ge [sflag:s4], $0x0  }
0x19: {  	s7 =	sld [smem:$0x3F95]  }
0x1a: {  	s8 =	sadd.s32 $0xFFFFE003, lr  }
0x1b: {  	s9 =	sadd.s32 $0xFFFFFEF7, lr;
	s5 =	simm.s32 $0xFFFFFFFF;
	p2 =	slt.u32 s8, $0xFFFFF086  }
0x1c: {  	p1 =	slt.u32 s9, $0xF7A;
	s5 =	simm.s32 @!p2 $0x0  }
0x1d: {  	s5 =	simm.s32 @p1 $0x1;
	p0 =	seq.s32 s7, s2  }
0x1e: {  	s7 =	smul.u32 @!p0 $0xF7A, s2;
	p2 =	seq.s32 @!p0 s5, $0x0  }
0x1f: {  	s9 =	smul.u32 $0xF7A, s1;
	s8 =	simm.s32 @!p0 $0x1BF5;
	p2 =	por !p2, p0  }
0x20: {  	[sflag:s8] =	ssyncset.s32 @!p0 $0xFFFFF086;
	s6 =	sadd.s32 @!p0 s3, s7;
	s7 =	simm.s32 @!p0 $0x108  }
0x21: {  	s3 =	sadd.s32 s3, s9;
	s6 =	sadd.s32 @!p0 $0x88, s6;
	s7 =	simm.s32 @p2 $0x1082  }
0x22: {  	[simem:s7], [sflag:s8] =	dma.local @!p0 [hbm:s6], $0xF7A  }
0x23: {  	s9 =	sor.u32 $0xD0000000, s2;
	s6 =	simm.s32 $0x108;
	_ =	swait.ge @!p0 [sflag:s8], $0x0  }
0x24: {  	s3 =	sadd.s32 $0x88, s3;
	s6 =	simm.s32 @!p1 $0x1082;
	[sflag:s4] =	ssyncset.s32 $0xFFFFF086  }
0x25: {  	[simem:s6], [sflag:s4] =	dma.local [hbm:s3], $0xF7A  }
0x26: {  	[smem:$0x3F95] =	sst s1;
	(tag) =	ssettag s2;
	_ =	strace s9  }
0x27: {  	s1 =	sld [smem:$0x3FA5]  }
0x28: {  	s2 =	sld [smem:$0x3FA6]  }
0x29: {  	s4 =	sld [smem:$0x3FA8]  }
0x2a: {  	p0 =	seq.s32 s5, $0x0;
	s5 =	sld [smem:$0x3FA9]  }
0x2b: {  	s6 =	sld [smem:$0x3FAA]  }
0x2c: {  	s7 =	sld [smem:$0x3FAB]  }
0x2d: {  	s3 =	simm.s32 $0x108;
	s8 =	sld [smem:$0x3FAC]  }
0x2e: {  	s3 =	simm.s32 @!p0 $0x1082;
	s9 =	sld [smem:$0x3FAD]  }
0x2f: {  	lr =	sadd.s32 s0, s3;
	s0 =	sld [smem:$0x3FA4]  }
0x30: {  	s3 =	sld [smem:$0x3FA7]  }
0x31: {  	[smem:$0x3FB0] =	sst s10  }
0x32: {  	s10 =	sld [smem:$0x3FAE];
	_ =	sdelay $0x3  }
0x33: {  	p0 =	seq.s32 s10, $0x1;
	s10 =	sld [smem:$0x3FB0];
	_ =	sdelay $0x3  }
0x34: {  	[smem:$0x3FB0] =	sst s10  }
0x35: {  	s10 =	sld [smem:$0x3FAF];
	_ =	sdelay $0x3  }
0x36: {  	p1 =	seq.s32 s10, $0x1;
	s10 =	sld [smem:$0x3FB0];
	_ =	sdelay $0x3  }
0x37: {  	[smem:$0x3FB0] =	sst s10  }
0x38: {  	s10 =	sld [smem:$0x3FB1]  }
0x39: {  	_ = 	snop;
	(pc) =	sbr.ind lr, $3  }
0x3a: {  	_ = 	snop  }
0x3b: {  	_ = 	snop  }
0x3c: {  	p2 =	seq.s32 s10, $0x1;
	s10 =	sld [smem:$0x3FB0]  }
0x3d: {  	_ =	shalt  }
0x3e: {  	_ =	shalt  }
0x3f: {  	_ =	shalt  }
0x40: {  	_ =	shalt  }
0x41: {  	_ =	shalt  }
0x42: {  	_ =	shalt  }
0x43: {  	_ =	shalt  }
0x44: {  	_ =	shalt  }
0x45: {  	_ =	shalt  }
0x46: {  	_ =	shalt  }
0x47: {  	_ =	shalt  }
0x48: {  	_ =	shalt  }
0x49: {  	_ =	shalt  }
0x4a: {  	_ =	shalt  }
0x4b: {  	_ =	shalt  }
0x4c: {  	_ =	shalt  }
0x4d: {  	_ =	shalt  }
0x4e: {  	_ =	shalt  }
0x4f: {  	_ =	shalt  }
0x50: {  	_ =	shalt  }
0x51: {  	_ =	shalt  }
0x52: {  	_ =	shalt  }
0x53: {  	_ =	shalt  }
0x54: {  	_ =	shalt  }
0x55: {  	_ =	shalt  }
0x56: {  	_ =	shalt  }
0x57: {  	_ =	shalt  }
0x58: {  	_ =	shalt  }
0x59: {  	_ =	shalt  }
0x5a: {  	_ =	shalt  }
0x5b: {  	_ =	shalt  }
0x5c: {  	_ =	shalt  }
0x5d: {  	_ =	shalt  }
0x5e: {  	_ =	shalt  }
0x5f: {  	_ =	shalt  }
0x60: {  	_ =	shalt  }
0x61: {  	_ =	shalt  }
0x62: {  	_ =	shalt  }
0x63: {  	_ =	shalt  }
0x64: {  	_ =	shalt  }
0x65: {  	_ =	shalt  }
0x66: {  	_ =	shalt  }
0x67: {  	_ =	shalt  }
0x68: {  	_ =	shalt  }
0x69: {  	_ =	shalt  }
0x6a: {  	_ =	shalt  }
0x6b: {  	_ =	shalt  }
0x6c: {  	_ =	shalt  }
0x6d: {  	_ =	shalt  }
0x6e: {  	_ =	shalt  }
0x6f: {  	_ =	shalt  }
0x70: {  	_ =	shalt  }
0x71: {  	_ =	shalt  }
0x72: {  	_ =	shalt  }
0x73: {  	_ =	shalt  }
0x74: {  	_ =	shalt  }
0x75: {  	_ =	shalt  }
0x76: {  	_ =	shalt  }
0x77: {  	_ =	shalt  }
0x78: {  	_ =	shalt  }
0x79: {  	_ =	shalt  }
0x7a: {  	_ =	shalt  }
0x7b: {  	_ =	shalt  }
0x7c: {  	_ =	shalt  }
0x7d: {  	_ =	shalt  }
0x7e: {  	_ =	shalt  }
0x7f: {  	_ =	shalt  }
0x80: {  	_ =	shalt  }
0x81: {  	_ =	shalt  }
0x82: {  	_ =	shalt  }
0x83: {  	_ =	shalt  }
0x84: {  	_ =	shalt  }
0x85: {  	_ =	shalt  }
0x86: {  	_ =	shalt  }
0x87: {  	_ =	shalt  }
.Lfunc_end0:
.L_simem_size_0:
called_computation.2_lowered:
.L_overlay_start_0:
0x88: {  	s2 =	sld [smem:$0x3FD9]  }
0x89: {  	s3 =	sld [smem:$0x3FFE];
	_ =	sdelay $0x1  }
0x8a: {  	s1 =	srdreg.scid  }
0x8b: {  	s0 =	sand.u32 $0x1, s1  }
0x8c: {  	s17 =	sshll.u32 s0, $0xA;
	s2 =	sadd.s32 s3, s2  }
0x8d: {  	s2 =	sadd.s32 s2, s17  }
0x8e: {  	[smem:$0x3FBC] =	sst s2  }
0x8f: {  	_ = 	snop  }
0x90: {  	s2 =	sld [smem:$0x3FD0];
	(tm) =	ssettm $0x1  }
0x91: {  	s18 =	sld [smem:$0x3FFB];
	_ =	sdelay $0x3  }
0x92: {  	_ =	strace s18  }
0x93: {  	s3 =	sld [smem:$0x3FFC];
	_ =	sdelay $0x3  }
0x94: {  	_ =	strace s3  }
0x95: {  	s3 =	sld [smem:$0x3FFD];
	_ =	sdelay $0x3  }
0x96: {  	_ =	strace s3  }
0x97: {  	_ =	strace $0x8FFFFFFF  }
0x98: {  	s19 =	sld [smem:$0x3FDB];
	_ =	sdelay $0x1  }
0x99: {  	s4 =	simm.s32 $_scs_section_size  }
0x9a: {  	s5 =	simm.s32 $_size__tile_overlayer_lowered;
	s6 =	simm.s32 $_tile_overlayer_lowered  }
0x9b: {  	s22 =	simm.s32 $0x1BFF;
	s21 =	sshll.u32 s6, $0x1;
	s3 =	sadd.s32 s4, s19  }
0x9c: {  	s7 =	simm.s32 $0x0;
	s20 =	sshll.u32 s5, $0x1;
	s5 =	sadd.s32 s21, s3  }
0x9d: {  	[timem:s7], [sflag:s22] =	dma.local [hbm:s5], s20  }
0x9e: {  	_ =	swait.ge [sflag:s22], s20  }
0x9f: {  	s4 =	ssub.s32 $0x0, s20;
	[sflag:s22] =	ssyncset.done $0x0  }
0xa0: {  	[sflag:s22] =	ssyncadd.s32 s4;
	_ =	sdelay $0x1  }
0xa1: {  	s23 =	simm.s32 $0x1B8B  }
0xa2: {  	_ =	swait.ge [sflag:s23], $0x1  }
0xa3: {  	[sflag:s23] =	ssyncset.done $0x0  }
0xa4: {  	s25 =	simm.s32 $0x1B8E;
	s24 =	sld [smem:$0x3FFE];
	[sflag:s23] =	ssyncadd.s32 $0xFFFFFFFF  }
0xa5: {  	s26 =	simm.s32 $execute0_lowered;
	[smem:$0x3FD2] =	sst s25  }
0xa6: {  	s5 =	sshll.u32 s26, $0x1;
	_ =	strace $0x8000004C;
	[dreg:$0x1] =	wrdreg $0xFFFFFFFF  }
0xa7: {  	s28 =	simm.s32 $_size_execute0_lowered;
	s3 =	sadd.s32 s3, s5;
	[dreg:$0x0] =	wrdreg $0x0  }
0xa8: {  	s5 =	sshll.u32 s28, $0x1;
	[dreg:$0x2] =	wrdreg s3  }
0xa9: {  	[dreg:$0x3] =	wrdreg s5  }
0xaa: {  	[dreg:$0x4] =	wrdreg $0xC0  }
0xab: {  	_ =	task [dreg:s7], $0x5FFFF  }
0xac: {  	[dreg:$0x1] =	wrdreg $0xFFFFFFFF  }
0xad: {  	[dreg:$0x0] =	wrdreg $0x60  }
0xae: {  	[dreg:$0x2] =	wrdreg s24  }
0xaf: {  	[dreg:$0x3] =	wrdreg s2  }
0xb0: {  	[dreg:$0x4] =	wrdreg $0x52000  }
0xb1: {  	[dreg:$0x5] =	wrdreg $0x9  }
0xb2: {  	_ =	task.clear_ibuf [dreg:s7], $0x6FFFF;
	_ =	strace $0x9000004C  }
0xb3: {  	s29 =	simm.s32 $0x9;
	_ =	strace $0x8000004E  }
0xb4: {  	_ =	swait.ge [sflag:s29], $0x1  }
0xb5: {  	[sflag:s29] =	ssyncadd.s32 $0xFFFFFFFF  }
0xb6: {  	_ =	strace $0x9000004E  }
0xb7: {  	_ =	sfence  }
0xb8: {  	s30 =	sld [smem:$0x0];
	_ =	sdelay $0x2  }
0xb9: {  	s31 =	sshll.u32 s1, $0xD;
	s1 =	sshrl.u32 s1, $0x2  }
0xba: {  	s3 =	sand.u32 $0x4000, s31;
	s1 =	sadd.s32 s1, s30  }
0xbb: {  	s0 =	sor.u32 s3, s0;
	s1 =	sshll.u32 s1, $0x11  }
0xbc: {  	s0 =	sor.u32 s1, s0  }
0xbd: {  	s0 =	sadd.s32 $0x8F2B, s0  }
0xbe: {  	[sflag:s0] =	ssyncadd.remote.s32 $0x1  }
0xbf: {  	_ =	sfence.sel $0xFFFF  }
0xc0: {  	[dreg:$0x0] =	wrdreg $0xFFFFFFFF;
	(pc) =	sbr.abs _section_cstart, $3  }
0xc1: {  	[dreg:$0x1] =	wrdreg $0xFFFFFFFF  }
0xc2: {  	_ =	task.clear_ibuf [dreg:s7], $0x2FFFF;
	_ =	strace $0x9FFFFFFF  }
0xc3: {  	(tm) =	ssettm $0x7FFFFFFF  }
tec
execute0_lowered:
.L_overlay_start_1:
0x0: {  	(tag) =	ssettag $0x1  }
0x1: {  	s0 =	rddreg [dreg:$0x0]  }
0x2: {  	s1 =	rddreg [dreg:$0x1]  }
0x3: {  	s3 =	srdreg.scid;
	s2 =	rddreg [dreg:$0x2]  }
0x4: {  	s17 =	stileid.u32;
	s18 =	simm.s32 $0x100;
	s19 =	simm.s32 $0x80  }
0x5: {  	s20 =	simm.s32 $0x1;
	s28 =	simm.s32 $0x6;
	s29 =	simm.s32 $0x4  }
0x6: {  	s30 =	simm.s32 $0x180;
	s31 =	simm.s32 $0x0;
	s6 =	smul.u32 $0x14000, s17  }
0x7: {  	s9 =	sand.u32 $0x1, s3;
	s3 =	simm.s32 $0x0;
	s21 =	smul.u32 $0x50000, s17  }
0x8: {  	s4 =	sadd.s32 $0x23600, s0;
	s12 =	sshll.u32 s17, $0xE;
	s14 =	smul.u32 $0x2800, s17  }
0x9: {  	s26 =	sshll.u32 s17, $0x6;
	s17 =	simm.s32 $0x7;
	s5 =	smul.u32 $0x140000, s9  }
0xa: {  	[smem:$0x7FF] =	sst s3;
	s8 =	ssub.s32 $0x2, s9;
	s11 =	sshll.u32 s9, $0x12  }
0xb: {  	p0 =	sne.s32 s9, $0x0;
	_ =	strace $0x8000004D;
	s10 =	sshrl.u32 s8, $0x1  }
0xc: {  	s13 =	sshrl.u32 s21, $0x2;
	s21 =	simm.s32 $0x50;
	s7 =	sadd.s32 s6, s5  }
0xd: {  	s5 =	sadd.s32 $0x13600, s0;
	s6 =	sadd.s32 $0x3400, s0;
	s15 =	ssub.s32 s8, s10  }
0xe: {  	s16 =	sadd.s32 s13, s2;
	s8 =	sadd.s32 s4, s14;
	s7 =	sshrl.u32 s7, $0x3  }
0xf: {  	s14 =	smax.u32 s15, $0x1;
	s0 =	sadd.s32 s7, s0;
	s7 =	sor.u32 s12, s11  }
0x10: {  	s8 =	smov.u32 @p0 s1;
	s15 =	sor.u32 $0x1C07, s26;
	s22 =	sshrl.u32 s7, $0x3  }
0x11: {  	s16 =	sshrl.u32 s16, $0x3;
	s26 =	simm.s32 $0x3;
	s23 =	sadd.s32 s5, s22  }
0x12: {  	s13 =	sadd.s32 $0x4B600, s0;
	s10 =	sadd.s32 s6, s22;
	[dreg:$0x4] =	wrdreg s23  }
0x13: {  	s24 =	sor.u32 $0x10, s22;
	s22 =	simm.s32 $0x200;
	[dreg:$0x5] =	wrdreg s10  }
0x14: {  	s25 =	sadd.s32 s5, s24;
	s12 =	sadd.s32 s6, s24;
	s23 =	simm.s32 $0x2  }
0x15: {  	s24 =	simm.s32 $0x2A00;
	[dreg:$0x6] =	wrdreg s25;
	s25 =	simm.s32 $0x5  }
.LBB2_1:
0x16: {  	[spmem:s16], [sflag:s15] =	dma.local [hbm:s8], $0x2800  }
0x17: {  	_ =	swait.ge [sflag:s17], $0x2800  }
0x18: {  	[sflag:s17] =	ssyncset.done $0x0  }
0x19: {  	s0 =	rddreg [dreg:$0x4];
	[sflag:s17] =	ssyncadd.s32 $0xFFFFD800  }
0x1a: {  	[tilespmem:s3], [sflag:$0x1] =	stream.linear.gather [hbm4b:s0+s3], $0x80, $0x38;
	[tilespmem:$0x19200] =	vst v63  }
0x1b: {  	s9 =	rddreg [dreg:$0x5]  }
0x1c: {  	[tilespmem:s18], [sflag:$0x3] =	stream.linear.gather [hbm4b:s9+s3], $0x80, $0x38;
	[tilespmem:$0x19200] =	vst v63  }
0x1d: {  	s10 =	rddreg [dreg:$0x6]  }
0x1e: {  	[tilespmem:s19], [sflag:$0x2] =	stream.linear.gather [hbm4b:s10+s3], $0x80, $0x38;
	[tilespmem:$0x19200] =	vst v63  }
0x1f: {  	_ = 	snop  }
0x20: {  	[tilespmem:s30], [sflag:$0x4] =	stream.linear.gather [hbm4b:s12+s3], $0x80, $0x38;
	[tilespmem:$0x19200] =	vst v63  }
0x21: {  	[bflag:$0x0] =	sbarrier.arrive $0xFFFF  }
0x22: {  	_ =	swait.ge [sflag:s20], $0x80  }
0x23: {  	[sflag:s20] =	ssyncset.done $0x0  }
0x24: {  	[sflag:s20] =	ssyncadd.s32 $0xFFFFFF80  }
0x25: {  	[tilespmem:s22], [sflag:$0x5] =	stream.indirect.gather [hbm4b:s4+s21], $0x80, s3, s21, $0xb8;
	[tilespmem:$0x19200] =	vst v63  }
0x26: {  	_ =	swait.ge [sflag:s23], $0x80  }
0x27: {  	[sflag:s23] =	ssyncset.done $0x0  }
0x28: {  	[sflag:s23] =	ssyncadd.s32 $0xFFFFFF80  }
0x29: {  	[tilespmem:s24], [sflag:$0x6] =	stream.indirect.gather [hbm4b:s4+s21], $0x80, s19, s21, $0xb8;
	[tilespmem:$0x19200] =	vst v63  }
0x2a: {  	_ =	swait.ge [sflag:s25], $0x2800  }
0x2b: {  	[sflag:s25] =	ssyncset.done $0x0  }
0x2c: {  	[sflag:s25] =	ssyncadd.s32 $0xFFFFD800  }
0x2d: {  	s11 =	simm.s32 $0x100;
	_ =	swait.ge [sflag:s26], $0x80  }
0x2e: {  	s1 =	sand.u32 $0x7C00, s11;
	[sflag:s26] =	ssyncset.done $0x0  }
0x2f: {  	s1 =	sadd.s32 s7, s1;
	s0 =	sand.u32 $0x300, s11;
	[sflag:s26] =	ssyncadd.s32 $0xFFFFFF80  }
0x30: {  	[spmem:s2] =	stream.indirect.scatter.add.f32 [tilespmem:s22], [sflag:$0x7], $0x80, s18, s21, $0xb8;
	[tilespmem:$0x19200] =	vst v63  }
0x31: {  	s0 =	sor.u32 s0, s1;
	_ =	swait.ge [sflag:s17], $0x2800  }
0x32: {  	s0 =	sshrl.u32 s0, $0x3;
	[sflag:s17] =	ssyncset.done $0x0  }
0x33: {  	s9 =	sadd.s32 s5, s0;
	[sflag:s17] =	ssyncadd.s32 $0xFFFFD800  }
0x34: {  	[tilespmem:s3], [sflag:$0x1] =	stream.linear.gather [hbm4b:s9+s3], $0x80, $0x38;
	[tilespmem:$0x19200] =	vst v63  }
0x35: {  	s0 =	sadd.s32 s6, s0  }
0x36: {  	[tilespmem:s18], [sflag:$0x3] =	stream.linear.gather [hbm4b:s0+s3], $0x80, $0x38;
	[tilespmem:$0x19200] =	vst v63  }
0x37: {  	_ =	swait.ge [sflag:s28], $0x2800  }
0x38: {  	[sflag:s28] =	ssyncset.done $0x0  }
0x39: {  	[sflag:s28] =	ssyncadd.s32 $0xFFFFD800  }
0x3a: {  	_ =	swait.ge [sflag:s29], $0x80  }
0x3b: {  	s10 =	sand.u32 $0x7C00, s30;
	[sflag:s29] =	ssyncset.done $0x0  }
0x3c: {  	s11 =	sand.u32 $0x380, s30;
	s0 =	sadd.s32 s7, s10;
	[sflag:s29] =	ssyncadd.s32 $0xFFFFFF80  }
0x3d: {  	[spmem:s2] =	stream.indirect.scatter.add.f32 [tilespmem:s24], [sflag:$0x7], $0x80, s30, s21, $0xb8;
	[tilespmem:$0x19200] =	vst v63  }
0x3e: {  	s0 =	sor.u32 s11, s0;
	_ =	swait.ge [sflag:s17], $0x2800  }
0x3f: {  	s0 =	sshrl.u32 s0, $0x3;
	[sflag:s17] =	ssyncset.done $0x0  }
0x40: {  	s9 =	sadd.s32 s5, s0;
	[sflag:s17] =	ssyncadd.s32 $0xFFFFD800  }
0x41: {  	[tilespmem:s19], [sflag:$0x2] =	stream.linear.gather [hbm4b:s9+s3], $0x80, $0x38;
	[tilespmem:$0x19200] =	vst v63  }
0x42: {  	s0 =	sadd.s32 s6, s0  }
0x43: {  	[tilespmem:s30], [sflag:$0x4] =	stream.linear.gather [hbm4b:s0+s3], $0x80, $0x38;
	[tilespmem:$0x19200] =	vst v63  }
0x44: {  	_ =	swait.ge [sflag:s20], $0x80  }
0x45: {  	[sflag:s20] =	ssyncset.done $0x0  }
0x46: {  	[sflag:s20] =	ssyncadd.s32 $0xFFFFFF80  }
0x47: {  	[tilespmem:s22], [sflag:$0x5] =	stream.indirect.gather [hbm4b:s4+s21], $0x80, s3, s21, $0xb8;
	[tilespmem:$0x19200] =	vst v63  }
0x48: {  	_ =	swait.ge [sflag:s23], $0x80  }
0x49: {  	[sflag:s23] =	ssyncset.done $0x0  }
0x4a: {  	[sflag:s23] =	ssyncadd.s32 $0xFFFFFF80  }
0x4b: {  	[tilespmem:s24], [sflag:$0x6] =	stream.indirect.gather [hbm4b:s4+s21], $0x80, s19, s21, $0xb8;
	[tilespmem:$0x19200] =	vst v63  }
0x4c: {  	s10 =	simm.s32 $0x200;
	_ =	swait.ge [sflag:s25], $0x2800  }
0x4d: {  	s11 =	sand.u32 $0x7C00, s10;
	[sflag:s25] =	ssyncset.done $0x0  }
0x4e: {  	s1 =	sadd.s32 s7, s11;
	s9 =	sand.u32 $0x300, s10;
	[sflag:s25] =	ssyncadd.s32 $0xFFFFD800  }
0x4f: {  	s9 =	sor.u32 s9, s1;
	s1 =	simm.s32 $0x380;
	_ =	swait.ge [sflag:s26], $0x80  }
0x50: {  	s0 =	simm.s32 $0x280;
	s9 =	sshrl.u32 s9, $0x3;
	[sflag:s26] =	ssyncset.done $0x0  }
.LBB2_2:
0x51: {  	p0 =	sne.s32 s1, $0x3F80  }
0x52: {  	[sflag:s26] =	ssyncadd.s32 $0xFFFFFF80;
	s10 =	smov.u32 s1;
	s1 =	sadd.s32 $0x100, s1  }
0x53: {  	[spmem:s2] =	stream.indirect.scatter.add.f32 [tilespmem:s22], [sflag:$0x7], $0x80, s18, s21, $0xb8;
	[tilespmem:$0x19200] =	vst v63  }
0x54: {  	_ =	swait.ge [sflag:s17], $0x2800  }
0x55: {  	s11 =	sadd.s32 s5, s9;
	[sflag:s17] =	ssyncset.done $0x0  }
0x56: {  	[sflag:s17] =	ssyncadd.s32 $0xFFFFD800  }
0x57: {  	[tilespmem:s3], [sflag:$0x1] =	stream.linear.gather [hbm4b:s11+s3], $0x80, $0x38;
	[tilespmem:$0x19200] =	vst v63  }
0x58: {  	s9 =	sadd.s32 s6, s9  }
0x59: {  	[tilespmem:s18], [sflag:$0x3] =	stream.linear.gather [hbm4b:s9+s3], $0x80, $0x38;
	[tilespmem:$0x19200] =	vst v63  }
0x5a: {  	_ =	swait.ge [sflag:s28], $0x2800  }
0x5b: {  	[sflag:s28] =	ssyncset.done $0x0  }
0x5c: {  	[sflag:s28] =	ssyncadd.s32 $0xFFFFD800  }
0x5d: {  	_ =	swait.ge [sflag:s29], $0x80  }
0x5e: {  	s9 =	sand.u32 $0x7C00, s0;
	[sflag:s29] =	ssyncset.done $0x0  }
0x5f: {  	s0 =	sand.u32 $0x380, s0;
	s9 =	sadd.s32 s7, s9;
	[sflag:s29] =	ssyncadd.s32 $0xFFFFFF80  }
0x60: {  	[spmem:s2] =	stream.indirect.scatter.add.f32 [tilespmem:s24], [sflag:$0x7], $0x80, s30, s21, $0xb8;
	[tilespmem:$0x19200] =	vst v63  }
0x61: {  	s9 =	sor.u32 s0, s9;
	s0 =	smov.u32 s10;
	_ =	swait.ge [sflag:s17], $0x2800  }
0x62: {  	s9 =	sshrl.u32 s9, $0x3;
	[sflag:s17] =	ssyncset.done $0x0  }
0x63: {  	s10 =	sadd.s32 s5, s9;
	s9 =	sadd.s32 s6, s9;
	[sflag:s17] =	ssyncadd.s32 $0xFFFFD800  }
0x64: {  	[tilespmem:s19], [sflag:$0x2] =	stream.linear.gather [hbm4b:s10+s3], $0x80, $0x38;
	[tilespmem:$0x19200] =	vst v63  }
0x65: {  	_ = 	snop  }
0x66: {  	[tilespmem:s30], [sflag:$0x4] =	stream.linear.gather [hbm4b:s9+s3], $0x80, $0x38;
	[tilespmem:$0x19200] =	vst v63  }
0x67: {  	_ =	swait.ge [sflag:s20], $0x80  }
0x68: {  	[sflag:s20] =	ssyncset.done $0x0  }
0x69: {  	[sflag:s20] =	ssyncadd.s32 $0xFFFFFF80  }
0x6a: {  	[tilespmem:s22], [sflag:$0x5] =	stream.indirect.gather [hbm4b:s4+s21], $0x80, s3, s21, $0xb8;
	[tilespmem:$0x19200] =	vst v63  }
0x6b: {  	_ =	swait.ge [sflag:s23], $0x80  }
0x6c: {  	[sflag:s23] =	ssyncset.done $0x0  }
0x6d: {  	[sflag:s23] =	ssyncadd.s32 $0xFFFFFF80  }
0x6e: {  	[tilespmem:s24], [sflag:$0x6] =	stream.indirect.gather [hbm4b:s4+s21], $0x80, s19, s21, $0xb8;
	[tilespmem:$0x19200] =	vst v63  }
.Ltmp0:
0x6f: {  	s9 =	sadd.s32 $0xFFFFFF80, s0;
	_ =	swait.ge [sflag:s25], $0x2800;
	(pc) =	sbr.rel @p0 .LBB2_2-.Ltmp0, $4  }
0x70: {  	s10 =	sand.u32 $0x7C00, s9;
	[sflag:s25] =	ssyncset.done $0x0  }
0x71: {  	s9 =	sand.u32 $0x300, s9;
	s10 =	sadd.s32 s7, s10;
	[sflag:s25] =	ssyncadd.s32 $0xFFFFD800  }
0x72: {  	s9 =	sor.u32 s9, s10;
	_ =	swait.ge [sflag:s26], $0x80  }
0x73: {  	s9 =	sshrl.u32 s9, $0x3;
	[sflag:s26] =	ssyncset.done $0x0  }
0x74: {  	[sflag:s26] =	ssyncadd.s32 $0xFFFFFF80  }
0x75: {  	[spmem:s2] =	stream.indirect.scatter.add.f32 [tilespmem:s22], [sflag:$0x7], $0x80, s18, s21, $0xb8;
	[tilespmem:$0x19200] =	vst v63  }
0x76: {  	_ =	swait.ge [sflag:s17], $0x2800  }
0x77: {  	[sflag:s17] =	ssyncset.done $0x0  }
0x78: {  	s1 =	sadd.s32 s5, s9;
	[sflag:s17] =	ssyncadd.s32 $0xFFFFD800  }
0x79: {  	[tilespmem:s3], [sflag:$0x1] =	stream.linear.gather [hbm4b:s1+s3], $0x80, $0x38;
	[tilespmem:$0x19200] =	vst v63  }
0x7a: {  	s11 =	sadd.s32 s6, s9  }
0x7b: {  	[tilespmem:s18], [sflag:$0x3] =	stream.linear.gather [hbm4b:s11+s3], $0x80, $0x38;
	[tilespmem:$0x19200] =	vst v63  }
0x7c: {  	_ =	swait.ge [sflag:s28], $0x2800  }
0x7d: {  	[sflag:s28] =	ssyncset.done $0x0  }
0x7e: {  	[sflag:s28] =	ssyncadd.s32 $0xFFFFD800  }
0x7f: {  	_ =	swait.ge [sflag:s29], $0x80  }
0x80: {  	s9 =	sand.u32 $0x7C00, s0;
	[sflag:s29] =	ssyncset.done $0x0  }
0x81: {  	s10 =	sand.u32 $0x380, s0;
	s1 =	sadd.s32 s7, s9;
	[sflag:s29] =	ssyncadd.s32 $0xFFFFFF80  }
0x82: {  	[spmem:s2] =	stream.indirect.scatter.add.f32 [tilespmem:s24], [sflag:$0x7], $0x80, s30, s21, $0xb8;
	[tilespmem:$0x19200] =	vst v63  }
0x83: {  	s0 =	sor.u32 s10, s1;
	_ =	swait.ge [sflag:s17], $0x2800  }
0x84: {  	s0 =	sshrl.u32 s0, $0x3;
	[sflag:s17] =	ssyncset.done $0x0  }
0x85: {  	s11 =	sadd.s32 s5, s0;
	[sflag:s17] =	ssyncadd.s32 $0xFFFFD800  }
0x86: {  	[tilespmem:s19], [sflag:$0x2] =	stream.linear.gather [hbm4b:s11+s3], $0x80, $0x38;
	[tilespmem:$0x19200] =	vst v63  }
0x87: {  	s0 =	sadd.s32 s6, s0  }
0x88: {  	[tilespmem:s30], [sflag:$0x4] =	stream.linear.gather [hbm4b:s0+s3], $0x80, $0x38;
	[tilespmem:$0x19200] =	vst v63  }
0x89: {  	_ =	swait.ge [sflag:s20], $0x80  }
0x8a: {  	[sflag:s20] =	ssyncset.done $0x0  }
0x8b: {  	[sflag:s20] =	ssyncadd.s32 $0xFFFFFF80  }
0x8c: {  	[tilespmem:s22], [sflag:$0x5] =	stream.indirect.gather [hbm4b:s4+s21], $0x80, s3, s21, $0xb8;
	[tilespmem:$0x19200] =	vst v63  }
0x8d: {  	_ =	swait.ge [sflag:s23], $0x80  }
0x8e: {  	[sflag:s23] =	ssyncset.done $0x0  }
0x8f: {  	[sflag:s23] =	ssyncadd.s32 $0xFFFFFF80  }
0x90: {  	[tilespmem:s24], [sflag:$0x6] =	stream.indirect.gather [hbm4b:s4+s21], $0x80, s19, s21, $0xb8;
	[tilespmem:$0x19200] =	vst v63  }
0x91: {  	_ =	swait.ge [sflag:s25], $0x2800  }
0x92: {  	[sflag:s25] =	ssyncset.done $0x0  }
0x93: {  	[sflag:s25] =	ssyncadd.s32 $0xFFFFD800  }
0x94: {  	_ =	swait.ge [sflag:s26], $0x80  }
0x95: {  	[sflag:s26] =	ssyncset.done $0x0  }
0x96: {  	[sflag:s26] =	ssyncadd.s32 $0xFFFFFF80  }
0x97: {  	[spmem:s2] =	stream.indirect.scatter.add.f32 [tilespmem:s22], [sflag:$0x7], $0x80, s18, s21, $0xb8;
	[tilespmem:$0x19200] =	vst v63  }
0x98: {  	_ =	swait.ge [sflag:s17], $0x2800  }
0x99: {  	[sflag:s17] =	ssyncset.done $0x0  }
0x9a: {  	[sflag:s17] =	ssyncadd.s32 $0xFFFFD800  }
0x9b: {  	_ =	swait.ge [sflag:s28], $0x2800  }
0x9c: {  	[sflag:s28] =	ssyncset.done $0x0  }
0x9d: {  	[sflag:s28] =	ssyncadd.s32 $0xFFFFD800  }
0x9e: {  	_ =	swait.ge [sflag:s29], $0x80  }
0x9f: {  	[sflag:s29] =	ssyncset.done $0x0  }
0xa0: {  	[sflag:s29] =	ssyncadd.s32 $0xFFFFFF80  }
0xa1: {  	[spmem:s2] =	stream.indirect.scatter.add.f32 [tilespmem:s24], [sflag:$0x7], $0x80, s30, s21, $0xb8;
	[tilespmem:$0x19200] =	vst v63  }
0xa2: {  	_ =	swait.ge [sflag:s17], $0x2800  }
0xa3: {  	s31 =	sadd.s32 $0x1, s31;
	[sflag:s17] =	ssyncset.done $0x0  }
0xa4: {  	p0 =	sne.s32 s31, s14;
	[sflag:s17] =	ssyncadd.s32 $0xFFFFD800  }
.Ltmp1:
0xa5: {  	[bflag:$0x0] =	sbarrier.arrive $0xFFFF;
	(pc) =	sbr.rel @p0 .LBB2_1-.Ltmp1, $4  }
0xa6: {  	[hbm:s13], [sflag:s15] =	dma.local [spmem:s16], $0x2800  }
0xa7: {  	_ =	swait.ge [sflag:s17], $0x2800  }
0xa8: {  	[sflag:s17] =	ssyncset.done $0x0  }
0xa9: {  	[sflag:s17] =	ssyncadd.s32 $0xFFFFD800  }
0xaa: {  	_ =	sfence.sel $0x180000  }
0xab: {  	[bflag:$0x0] =	sbarrier.arrive $0xFFFF  }
0xac: {  	_ =	strace $0x9000004D  }
0xad: {  	s0 =	stileid.u32;
	[bflag:$0x2] =	sbarrier.arrive $0xFFFF  }
0xae: {  	p0 =	sne.s32 s0, $0x0;
	s0 =	rddreg [dreg:$0x3]  }
0xaf: {  	s0 =	sadd.s32 @!p0 $0x100000, s0  }
0xb0: {  	[sflag:s0] =	ssyncadd.tile.s32 @!p0 $0x1;
	_ =	shalt  }
.Lfunc_end2:
_tile_overlayer_lowered:
.L_overlay_start_2:
0xb1: {  	(tag) =	ssettag $0x2  }
0xb2: {  	s0 =	rddreg [dreg:$0x0];
	s2 =	stileid.u32  }
0xb3: {  	s1 =	rddreg [dreg:$0x1];
	p0 =	sne.s32 s2, $0x0  }
0xb4: {  	s3 =	rddreg [dreg:$0x2];
	[bflag:$0x3] =	sbarrier.arrive $0xFFFF;
	s2 =	simm.s32 @!p0 $0x1C07  }
0xb5: {  	[timem:s3], [sflag:s2] =	dma.local @!p0 [hbm:s0], s1  }
0xb6: {  	s0 =	simm.s32 @!p0 $0x7  }
0xb7: {  	_ =	swait.ge @!p0 [sflag:s0], s1  }
0xb8: {  	s1 =	ssub.s32 @!p0 $0x0, s1;
	[sflag:s0] =	ssyncset.done @!p0 $0x0  }
0xb9: {  	[sflag:s0] =	ssyncadd.s32 @!p0 s1  }
0xba: {  	[bflag:$0x3] =	sbarrier.arrive $0xFFFF  }
0xbb: {  	_ =	shalt  }

// kernel: kernel.19.cloned.1.call-start
scs
__scs_entry_jumppad:
0x0: {  	(pc) =	sbr.rel $0x88, $3  }
0x1: {  	(tag) =	ssettag $0x0;
	lr =	simm.s32 $0x1  }
0x2: {  	[smem:$0x3F95] =	sst lr;
	_ =	strace $0xD0000000  }
0x3: {  	_ = 	snop  }
0x4: {  	_ = 	snop  }
0x5: {  	_ = 	snop  }
0x6: {  	_ = 	snop  }
0x7: {  	_ = 	snop  }
__scs_overlays_trampoline_lowered:
0x8: {  	[smem:$0x3FA4] =	sst s0  }
0x9: {  	[smem:$0x3FA5] =	sst s1  }
0xa: {  	[smem:$0x3FA6] =	sst s2  }
0xb: {  	[smem:$0x3FA7] =	sst s3  }
0xc: {  	[smem:$0x3FA8] =	sst s4  }
0xd: {  	[smem:$0x3FA9] =	sst s5  }
0xe: {  	[smem:$0x3FAA] =	sst s6  }
0xf: {  	[smem:$0x3FAB] =	sst s7  }
0x10: {  	[smem:$0x3FAC] =	sst s8  }
0x11: {  	[smem:$0x3FAD] =	sst s9;
	s0 =	simm.s32 @!p0 $0x0  }
0x12: {  	s1 =	sld [smem:$0x3F93];
	s0 =	simm.s32 @p0 $0x1  }
0x13: {  	[smem:$0x3FAE] =	sst s0;
	s0 =	simm.s32 @!p1 $0x0  }
0x14: {  	s2 =	sld [smem:$0x3F92];
	s0 =	simm.s32 @p1 $0x1  }
0x15: {  	[smem:$0x3FAF] =	sst s0;
	s0 =	simm.s32 @!p2 $0x0  }
0x16: {  	s3 =	sld [smem:$0x3FDB];
	s0 =	simm.s32 @p2 $0x1  }
0x17: {  	s4 =	simm.s32 $0x1BF5;
	[smem:$0x3FB1] =	sst s0  }
0x18: {  	s0 =	sld [smem:$0x3F94];
	_ =	swait.ge [sflag:s4], $0x0  }
0x19: {  	s7 =	sld [smem:$0x3F95]  }
0x1a: {  	s8 =	sadd.s32 $0xFFFFE003, lr  }
0x1b: {  	s9 =	sadd.s32 $0xFFFFFEF7, lr;
	s5 =	simm.s32 $0xFFFFFFFF;
	p2 =	slt.u32 s8, $0xFFFFF086  }
0x1c: {  	p1 =	slt.u32 s9, $0xF7A;
	s5 =	simm.s32 @!p2 $0x0  }
0x1d: {  	s5 =	simm.s32 @p1 $0x1;
	p0 =	seq.s32 s7, s2  }
0x1e: {  	s7 =	smul.u32 @!p0 $0xF7A, s2;
	p2 =	seq.s32 @!p0 s5, $0x0  }
0x1f: {  	s9 =	smul.u32 $0xF7A, s1;
	s8 =	simm.s32 @!p0 $0x1BF5;
	p2 =	por !p2, p0  }
0x20: {  	[sflag:s8] =	ssyncset.s32 @!p0 $0xFFFFF086;
	s6 =	sadd.s32 @!p0 s3, s7;
	s7 =	simm.s32 @!p0 $0x108  }
0x21: {  	s3 =	sadd.s32 s3, s9;
	s6 =	sadd.s32 @!p0 $0x88, s6;
	s7 =	simm.s32 @p2 $0x1082  }
0x22: {  	[simem:s7], [sflag:s8] =	dma.local @!p0 [hbm:s6], $0xF7A  }
0x23: {  	s9 =	sor.u32 $0xD0000000, s2;
	s6 =	simm.s32 $0x108;
	_ =	swait.ge @!p0 [sflag:s8], $0x0  }
0x24: {  	s3 =	sadd.s32 $0x88, s3;
	s6 =	simm.s32 @!p1 $0x1082;
	[sflag:s4] =	ssyncset.s32 $0xFFFFF086  }
0x25: {  	[simem:s6], [sflag:s4] =	dma.local [hbm:s3], $0xF7A  }
0x26: {  	[smem:$0x3F95] =	sst s1;
	(tag) =	ssettag s2;
	_ =	strace s9  }
0x27: {  	s1 =	sld [smem:$0x3FA5]  }
0x28: {  	s2 =	sld [smem:$0x3FA6]  }
0x29: {  	s4 =	sld [smem:$0x3FA8]  }
0x2a: {  	p0 =	seq.s32 s5, $0x0;
	s5 =	sld [smem:$0x3FA9]  }
0x2b: {  	s6 =	sld [smem:$0x3FAA]  }
0x2c: {  	s7 =	sld [smem:$0x3FAB]  }
0x2d: {  	s3 =	simm.s32 $0x108;
	s8 =	sld [smem:$0x3FAC]  }
0x2e: {  	s3 =	simm.s32 @!p0 $0x1082;
	s9 =	sld [smem:$0x3FAD]  }
0x2f: {  	lr =	sadd.s32 s0, s3;
	s0 =	sld [smem:$0x3FA4]  }
0x30: {  	s3 =	sld [smem:$0x3FA7]  }
0x31: {  	[smem:$0x3FB0] =	sst s10  }
0x32: {  	s10 =	sld [smem:$0x3FAE];
	_ =	sdelay $0x3  }
0x33: {  	p0 =	seq.s32 s10, $0x1;
	s10 =	sld [smem:$0x3FB0];
	_ =	sdelay $0x3  }
0x34: {  	[smem:$0x3FB0] =	sst s10  }
0x35: {  	s10 =	sld [smem:$0x3FAF];
	_ =	sdelay $0x3  }
0x36: {  	p1 =	seq.s32 s10, $0x1;
	s10 =	sld [smem:$0x3FB0];
	_ =	sdelay $0x3  }
0x37: {  	[smem:$0x3FB0] =	sst s10  }
0x38: {  	s10 =	sld [smem:$0x3FB1]  }
0x39: {  	_ = 	snop;
	(pc) =	sbr.ind lr, $3  }
0x3a: {  	_ = 	snop  }
0x3b: {  	_ = 	snop  }
0x3c: {  	p2 =	seq.s32 s10, $0x1;
	s10 =	sld [smem:$0x3FB0]  }
0x3d: {  	_ =	shalt  }
0x3e: {  	_ =	shalt  }
0x3f: {  	_ =	shalt  }
0x40: {  	_ =	shalt  }
0x41: {  	_ =	shalt  }
0x42: {  	_ =	shalt  }
0x43: {  	_ =	shalt  }
0x44: {  	_ =	shalt  }
0x45: {  	_ =	shalt  }
0x46: {  	_ =	shalt  }
0x47: {  	_ =	shalt  }
0x48: {  	_ =	shalt  }
0x49: {  	_ =	shalt  }
0x4a: {  	_ =	shalt  }
0x4b: {  	_ =	shalt  }
0x4c: {  	_ =	shalt  }
0x4d: {  	_ =	shalt  }
0x4e: {  	_ =	shalt  }
0x4f: {  	_ =	shalt  }
0x50: {  	_ =	shalt  }
0x51: {  	_ =	shalt  }
0x52: {  	_ =	shalt  }
0x53: {  	_ =	shalt  }
0x54: {  	_ =	shalt  }
0x55: {  	_ =	shalt  }
0x56: {  	_ =	shalt  }
0x57: {  	_ =	shalt  }
0x58: {  	_ =	shalt  }
0x59: {  	_ =	shalt  }
0x5a: {  	_ =	shalt  }
0x5b: {  	_ =	shalt  }
0x5c: {  	_ =	shalt  }
0x5d: {  	_ =	shalt  }
0x5e: {  	_ =	shalt  }
0x5f: {  	_ =	shalt  }
0x60: {  	_ =	shalt  }
0x61: {  	_ =	shalt  }
0x62: {  	_ =	shalt  }
0x63: {  	_ =	shalt  }
0x64: {  	_ =	shalt  }
0x65: {  	_ =	shalt  }
0x66: {  	_ =	shalt  }
0x67: {  	_ =	shalt  }
0x68: {  	_ =	shalt  }
0x69: {  	_ =	shalt  }
0x6a: {  	_ =	shalt  }
0x6b: {  	_ =	shalt  }
0x6c: {  	_ =	shalt  }
0x6d: {  	_ =	shalt  }
0x6e: {  	_ =	shalt  }
0x6f: {  	_ =	shalt  }
0x70: {  	_ =	shalt  }
0x71: {  	_ =	shalt  }
0x72: {  	_ =	shalt  }
0x73: {  	_ =	shalt  }
0x74: {  	_ =	shalt  }
0x75: {  	_ =	shalt  }
0x76: {  	_ =	shalt  }
0x77: {  	_ =	shalt  }
0x78: {  	_ =	shalt  }
0x79: {  	_ =	shalt  }
0x7a: {  	_ =	shalt  }
0x7b: {  	_ =	shalt  }
0x7c: {  	_ =	shalt  }
0x7d: {  	_ =	shalt  }
0x7e: {  	_ =	shalt  }
0x7f: {  	_ =	shalt  }
0x80: {  	_ =	shalt  }
0x81: {  	_ =	shalt  }
0x82: {  	_ =	shalt  }
0x83: {  	_ =	shalt  }
0x84: {  	_ =	shalt  }
0x85: {  	_ =	shalt  }
0x86: {  	_ =	shalt  }
0x87: {  	_ =	shalt  }
.Lfunc_end0:
.L_simem_size_0:
called_computation.3_lowered:
.L_overlay_start_0:
0x88: {  	s2 =	sld [smem:$0x3FD9]  }
0x89: {  	s3 =	sld [smem:$0x3FFE];
	_ =	sdelay $0x1  }
0x8a: {  	s1 =	srdreg.scid  }
0x8b: {  	s0 =	sand.u32 $0x1, s1  }
0x8c: {  	s17 =	sshll.u32 s0, $0xA;
	s2 =	sadd.s32 s3, s2  }
0x8d: {  	s2 =	sadd.s32 s2, s17  }
0x8e: {  	[smem:$0x3FBC] =	sst s2  }
0x8f: {  	_ = 	snop  }
0x90: {  	s2 =	sld [smem:$0x3FD0];
	(tm) =	ssettm $0x1  }
0x91: {  	s18 =	sld [smem:$0x3FFB];
	_ =	sdelay $0x3  }
0x92: {  	_ =	strace s18  }
0x93: {  	s3 =	sld [smem:$0x3FFC];
	_ =	sdelay $0x3  }
0x94: {  	_ =	strace s3  }
0x95: {  	s3 =	sld [smem:$0x3FFD];
	_ =	sdelay $0x3  }
0x96: {  	_ =	strace s3  }
0x97: {  	_ =	strace $0x8FFFFFFF  }
0x98: {  	s19 =	sld [smem:$0x3FDB];
	_ =	sdelay $0x1  }
0x99: {  	s4 =	simm.s32 $_scs_section_size  }
0x9a: {  	s5 =	simm.s32 $_size__tile_overlayer_lowered;
	s6 =	simm.s32 $_tile_overlayer_lowered  }
0x9b: {  	s22 =	simm.s32 $0x1BFF;
	s21 =	sshll.u32 s6, $0x1;
	s3 =	sadd.s32 s4, s19  }
0x9c: {  	s7 =	simm.s32 $0x0;
	s20 =	sshll.u32 s5, $0x1;
	s5 =	sadd.s32 s21, s3  }
0x9d: {  	[timem:s7], [sflag:s22] =	dma.local [hbm:s5], s20  }
0x9e: {  	_ =	swait.ge [sflag:s22], s20  }
0x9f: {  	s4 =	ssub.s32 $0x0, s20;
	[sflag:s22] =	ssyncset.done $0x0  }
0xa0: {  	[sflag:s22] =	ssyncadd.s32 s4;
	_ =	sdelay $0x1  }
0xa1: {  	s23 =	simm.s32 $0x1B8B  }
0xa2: {  	_ =	swait.ge [sflag:s23], $0x1  }
0xa3: {  	[sflag:s23] =	ssyncset.done $0x0  }
0xa4: {  	s25 =	simm.s32 $0x1B8E;
	s24 =	sld [smem:$0x3FFE];
	[sflag:s23] =	ssyncadd.s32 $0xFFFFFFFF  }
0xa5: {  	s26 =	simm.s32 $execute0_lowered;
	[smem:$0x3FD2] =	sst s25  }
0xa6: {  	s5 =	sshll.u32 s26, $0x1;
	_ =	strace $0x8000004F;
	[dreg:$0x1] =	wrdreg $0xFFFFFFFF  }
0xa7: {  	s28 =	simm.s32 $_size_execute0_lowered;
	s3 =	sadd.s32 s3, s5;
	[dreg:$0x0] =	wrdreg $0x0  }
0xa8: {  	s5 =	sshll.u32 s28, $0x1;
	[dreg:$0x2] =	wrdreg s3  }
0xa9: {  	[dreg:$0x3] =	wrdreg s5  }
0xaa: {  	[dreg:$0x4] =	wrdreg $0xC0  }
0xab: {  	_ =	task [dreg:s7], $0x5FFFF  }
0xac: {  	[dreg:$0x1] =	wrdreg $0xFFFFFFFF  }
0xad: {  	[dreg:$0x0] =	wrdreg $0x60  }
0xae: {  	[dreg:$0x2] =	wrdreg s24  }
0xaf: {  	[dreg:$0x3] =	wrdreg s2  }
0xb0: {  	[dreg:$0x4] =	wrdreg $0x52000  }
0xb1: {  	[dreg:$0x5] =	wrdreg $0x9  }
0xb2: {  	_ =	task.clear_ibuf [dreg:s7], $0x6FFFF;
	_ =	strace $0x9000004F  }
0xb3: {  	s29 =	simm.s32 $0x9;
	_ =	strace $0x80000051  }
0xb4: {  	_ =	swait.ge [sflag:s29], $0x1  }
0xb5: {  	[sflag:s29] =	ssyncadd.s32 $0xFFFFFFFF  }
0xb6: {  	_ =	strace $0x90000051  }
0xb7: {  	_ =	sfence  }
0xb8: {  	s30 =	sld [smem:$0x0];
	_ =	sdelay $0x2  }
0xb9: {  	s31 =	sshll.u32 s1, $0xD;
	s1 =	sshrl.u32 s1, $0x2  }
0xba: {  	s3 =	sand.u32 $0x4000, s31;
	s1 =	sadd.s32 s1, s30  }
0xbb: {  	s0 =	sor.u32 s3, s0;
	s1 =	sshll.u32 s1, $0x11  }
0xbc: {  	s0 =	sor.u32 s1, s0  }
0xbd: {  	s0 =	sadd.s32 $0x8F2B, s0  }
0xbe: {  	[sflag:s0] =	ssyncadd.remote.s32 $0x1  }
0xbf: {  	_ =	sfence.sel $0xFFFF  }
0xc0: {  	[dreg:$0x0] =	wrdreg $0xFFFFFFFF;
	(pc) =	sbr.abs _section_cstart, $3  }
0xc1: {  	[dreg:$0x1] =	wrdreg $0xFFFFFFFF  }
0xc2: {  	_ =	task.clear_ibuf [dreg:s7], $0x2FFFF;
	_ =	strace $0x9FFFFFFF  }
0xc3: {  	(tm) =	ssettm $0x7FFFFFFF  }
tec
execute0_lowered:
.L_overlay_start_1:
0x0: {  	(tag) =	ssettag $0x1  }
0x1: {  	s0 =	rddreg [dreg:$0x0]  }
0x2: {  	s1 =	rddreg [dreg:$0x1]  }
0x3: {  	s3 =	srdreg.scid;
	s2 =	rddreg [dreg:$0x2]  }
0x4: {  	s17 =	stileid.u32;
	s18 =	simm.s32 $0x100;
	s19 =	simm.s32 $0x80  }
0x5: {  	s20 =	simm.s32 $0x1;
	s28 =	simm.s32 $0x6;
	s29 =	simm.s32 $0x4  }
0x6: {  	s30 =	simm.s32 $0x180;
	s31 =	simm.s32 $0x0;
	s6 =	smul.u32 $0x14000, s17  }
0x7: {  	s9 =	sand.u32 $0x1, s3;
	s3 =	simm.s32 $0x0;
	s21 =	smul.u32 $0x50000, s17  }
0x8: {  	s4 =	sadd.s32 $0x23600, s0;
	s12 =	sshll.u32 s17, $0xE;
	s14 =	smul.u32 $0x2800, s17  }
0x9: {  	s26 =	sshll.u32 s17, $0x6;
	s17 =	simm.s32 $0x7;
	s5 =	smul.u32 $0x140000, s9  }
0xa: {  	[smem:$0x7FF] =	sst s3;
	s8 =	ssub.s32 $0x2, s9;
	s11 =	sshll.u32 s9, $0x12  }
0xb: {  	p0 =	sne.s32 s9, $0x0;
	_ =	strace $0x80000050;
	s10 =	sshrl.u32 s8, $0x1  }
0xc: {  	s13 =	sshrl.u32 s21, $0x2;
	s21 =	simm.s32 $0x50;
	s7 =	sadd.s32 s6, s5  }
0xd: {  	s5 =	sadd.s32 $0x13600, s0;
	s6 =	sadd.s32 $0x3400, s0;
	s15 =	ssub.s32 s8, s10  }
0xe: {  	s16 =	sadd.s32 s13, s2;
	s8 =	sadd.s32 s4, s14;
	s7 =	sshrl.u32 s7, $0x3  }
0xf: {  	s14 =	smax.u32 s15, $0x1;
	s0 =	sadd.s32 s7, s0;
	s7 =	sor.u32 s12, s11  }
0x10: {  	s8 =	smov.u32 @p0 s1;
	s15 =	sor.u32 $0x1C07, s26;
	s22 =	sshrl.u32 s7, $0x3  }
0x11: {  	s16 =	sshrl.u32 s16, $0x3;
	s26 =	simm.s32 $0x3;
	s23 =	sadd.s32 s5, s22  }
0x12: {  	s13 =	sadd.s32 $0x4B600, s0;
	s10 =	sadd.s32 s6, s22;
	[dreg:$0x4] =	wrdreg s23  }
0x13: {  	s24 =	sor.u32 $0x10, s22;
	s22 =	simm.s32 $0x200;
	[dreg:$0x5] =	wrdreg s10  }
0x14: {  	s25 =	sadd.s32 s5, s24;
	s12 =	sadd.s32 s6, s24;
	s23 =	simm.s32 $0x2  }
0x15: {  	s24 =	simm.s32 $0x2A00;
	[dreg:$0x6] =	wrdreg s25;
	s25 =	simm.s32 $0x5  }
.LBB2_1:
0x16: {  	[spmem:s16], [sflag:s15] =	dma.local [hbm:s8], $0x2800  }
0x17: {  	_ =	swait.ge [sflag:s17], $0x2800  }
0x18: {  	[sflag:s17] =	ssyncset.done $0x0  }
0x19: {  	s0 =	rddreg [dreg:$0x4];
	[sflag:s17] =	ssyncadd.s32 $0xFFFFD800  }
0x1a: {  	[tilespmem:s3], [sflag:$0x1] =	stream.linear.gather [hbm4b:s0+s3], $0x80, $0x38;
	[tilespmem:$0x19200] =	vst v63  }
0x1b: {  	s9 =	rddreg [dreg:$0x5]  }
0x1c: {  	[tilespmem:s18], [sflag:$0x3] =	stream.linear.gather [hbm4b:s9+s3], $0x80, $0x38;
	[tilespmem:$0x19200] =	vst v63  }
0x1d: {  	s10 =	rddreg [dreg:$0x6]  }
0x1e: {  	[tilespmem:s19], [sflag:$0x2] =	stream.linear.gather [hbm4b:s10+s3], $0x80, $0x38;
	[tilespmem:$0x19200] =	vst v63  }
0x1f: {  	_ = 	snop  }
0x20: {  	[tilespmem:s30], [sflag:$0x4] =	stream.linear.gather [hbm4b:s12+s3], $0x80, $0x38;
	[tilespmem:$0x19200] =	vst v63  }
0x21: {  	[bflag:$0x0] =	sbarrier.arrive $0xFFFF  }
0x22: {  	_ =	swait.ge [sflag:s20], $0x80  }
0x23: {  	[sflag:s20] =	ssyncset.done $0x0  }
0x24: {  	[sflag:s20] =	ssyncadd.s32 $0xFFFFFF80  }
0x25: {  	[tilespmem:s22], [sflag:$0x5] =	stream.indirect.gather [hbm4b:s4+s21], $0x80, s3, s21, $0xb8;
	[tilespmem:$0x19200] =	vst v63  }
0x26: {  	_ =	swait.ge [sflag:s23], $0x80  }
0x27: {  	[sflag:s23] =	ssyncset.done $0x0  }
0x28: {  	[sflag:s23] =	ssyncadd.s32 $0xFFFFFF80  }
0x29: {  	[tilespmem:s24], [sflag:$0x6] =	stream.indirect.gather [hbm4b:s4+s21], $0x80, s19, s21, $0xb8;
	[tilespmem:$0x19200] =	vst v63  }
0x2a: {  	_ =	swait.ge [sflag:s25], $0x2800  }
0x2b: {  	[sflag:s25] =	ssyncset.done $0x0  }
0x2c: {  	[sflag:s25] =	ssyncadd.s32 $0xFFFFD800  }
0x2d: {  	s11 =	simm.s32 $0x100;
	_ =	swait.ge [sflag:s26], $0x80  }
0x2e: {  	s1 =	sand.u32 $0x7C00, s11;
	[sflag:s26] =	ssyncset.done $0x0  }
0x2f: {  	s1 =	sadd.s32 s7, s1;
	s0 =	sand.u32 $0x300, s11;
	[sflag:s26] =	ssyncadd.s32 $0xFFFFFF80  }
0x30: {  	[spmem:s2] =	stream.indirect.scatter.add.f32 [tilespmem:s22], [sflag:$0x7], $0x80, s18, s21, $0xb8;
	[tilespmem:$0x19200] =	vst v63  }
0x31: {  	s0 =	sor.u32 s0, s1;
	_ =	swait.ge [sflag:s17], $0x2800  }
0x32: {  	s0 =	sshrl.u32 s0, $0x3;
	[sflag:s17] =	ssyncset.done $0x0  }
0x33: {  	s9 =	sadd.s32 s5, s0;
	[sflag:s17] =	ssyncadd.s32 $0xFFFFD800  }
0x34: {  	[tilespmem:s3], [sflag:$0x1] =	stream.linear.gather [hbm4b:s9+s3], $0x80, $0x38;
	[tilespmem:$0x19200] =	vst v63  }
0x35: {  	s0 =	sadd.s32 s6, s0  }
0x36: {  	[tilespmem:s18], [sflag:$0x3] =	stream.linear.gather [hbm4b:s0+s3], $0x80, $0x38;
	[tilespmem:$0x19200] =	vst v63  }
0x37: {  	_ =	swait.ge [sflag:s28], $0x2800  }
0x38: {  	[sflag:s28] =	ssyncset.done $0x0  }
0x39: {  	[sflag:s28] =	ssyncadd.s32 $0xFFFFD800  }
0x3a: {  	_ =	swait.ge [sflag:s29], $0x80  }
0x3b: {  	s10 =	sand.u32 $0x7C00, s30;
	[sflag:s29] =	ssyncset.done $0x0  }
0x3c: {  	s11 =	sand.u32 $0x380, s30;
	s0 =	sadd.s32 s7, s10;
	[sflag:s29] =	ssyncadd.s32 $0xFFFFFF80  }
0x3d: {  	[spmem:s2] =	stream.indirect.scatter.add.f32 [tilespmem:s24], [sflag:$0x7], $0x80, s30, s21, $0xb8;
	[tilespmem:$0x19200] =	vst v63  }
0x3e: {  	s0 =	sor.u32 s11, s0;
	_ =	swait.ge [sflag:s17], $0x2800  }
0x3f: {  	s0 =	sshrl.u32 s0, $0x3;
	[sflag:s17] =	ssyncset.done $0x0  }
0x40: {  	s9 =	sadd.s32 s5, s0;
	[sflag:s17] =	ssyncadd.s32 $0xFFFFD800  }
0x41: {  	[tilespmem:s19], [sflag:$0x2] =	stream.linear.gather [hbm4b:s9+s3], $0x80, $0x38;
	[tilespmem:$0x19200] =	vst v63  }
0x42: {  	s0 =	sadd.s32 s6, s0  }
0x43: {  	[tilespmem:s30], [sflag:$0x4] =	stream.linear.gather [hbm4b:s0+s3], $0x80, $0x38;
	[tilespmem:$0x19200] =	vst v63  }
0x44: {  	_ =	swait.ge [sflag:s20], $0x80  }
0x45: {  	[sflag:s20] =	ssyncset.done $0x0  }
0x46: {  	[sflag:s20] =	ssyncadd.s32 $0xFFFFFF80  }
0x47: {  	[tilespmem:s22], [sflag:$0x5] =	stream.indirect.gather [hbm4b:s4+s21], $0x80, s3, s21, $0xb8;
	[tilespmem:$0x19200] =	vst v63  }
0x48: {  	_ =	swait.ge [sflag:s23], $0x80  }
0x49: {  	[sflag:s23] =	ssyncset.done $0x0  }
0x4a: {  	[sflag:s23] =	ssyncadd.s32 $0xFFFFFF80  }
0x4b: {  	[tilespmem:s24], [sflag:$0x6] =	stream.indirect.gather [hbm4b:s4+s21], $0x80, s19, s21, $0xb8;
	[tilespmem:$0x19200] =	vst v63  }
0x4c: {  	s10 =	simm.s32 $0x200;
	_ =	swait.ge [sflag:s25], $0x2800  }
0x4d: {  	s11 =	sand.u32 $0x7C00, s10;
	[sflag:s25] =	ssyncset.done $0x0  }
0x4e: {  	s1 =	sadd.s32 s7, s11;
	s9 =	sand.u32 $0x300, s10;
	[sflag:s25] =	ssyncadd.s32 $0xFFFFD800  }
0x4f: {  	s9 =	sor.u32 s9, s1;
	s1 =	simm.s32 $0x380;
	_ =	swait.ge [sflag:s26], $0x80  }
0x50: {  	s0 =	simm.s32 $0x280;
	s9 =	sshrl.u32 s9, $0x3;
	[sflag:s26] =	ssyncset.done $0x0  }
.LBB2_2:
0x51: {  	p0 =	sne.s32 s1, $0x3F80  }
0x52: {  	[sflag:s26] =	ssyncadd.s32 $0xFFFFFF80;
	s10 =	smov.u32 s1;
	s1 =	sadd.s32 $0x100, s1  }
0x53: {  	[spmem:s2] =	stream.indirect.scatter.add.f32 [tilespmem:s22], [sflag:$0x7], $0x80, s18, s21, $0xb8;
	[tilespmem:$0x19200] =	vst v63  }
0x54: {  	_ =	swait.ge [sflag:s17], $0x2800  }
0x55: {  	s11 =	sadd.s32 s5, s9;
	[sflag:s17] =	ssyncset.done $0x0  }
0x56: {  	[sflag:s17] =	ssyncadd.s32 $0xFFFFD800  }
0x57: {  	[tilespmem:s3], [sflag:$0x1] =	stream.linear.gather [hbm4b:s11+s3], $0x80, $0x38;
	[tilespmem:$0x19200] =	vst v63  }
0x58: {  	s9 =	sadd.s32 s6, s9  }
0x59: {  	[tilespmem:s18], [sflag:$0x3] =	stream.linear.gather [hbm4b:s9+s3], $0x80, $0x38;
	[tilespmem:$0x19200] =	vst v63  }
0x5a: {  	_ =	swait.ge [sflag:s28], $0x2800  }
0x5b: {  	[sflag:s28] =	ssyncset.done $0x0  }
0x5c: {  	[sflag:s28] =	ssyncadd.s32 $0xFFFFD800  }
0x5d: {  	_ =	swait.ge [sflag:s29], $0x80  }
0x5e: {  	s9 =	sand.u32 $0x7C00, s0;
	[sflag:s29] =	ssyncset.done $0x0  }
0x5f: {  	s0 =	sand.u32 $0x380, s0;
	s9 =	sadd.s32 s7, s9;
	[sflag:s29] =	ssyncadd.s32 $0xFFFFFF80  }
0x60: {  	[spmem:s2] =	stream.indirect.scatter.add.f32 [tilespmem:s24], [sflag:$0x7], $0x80, s30, s21, $0xb8;
	[tilespmem:$0x19200] =	vst v63  }
0x61: {  	s9 =	sor.u32 s0, s9;
	s0 =	smov.u32 s10;
	_ =	swait.ge [sflag:s17], $0x2800  }
0x62: {  	s9 =	sshrl.u32 s9, $0x3;
	[sflag:s17] =	ssyncset.done $0x0  }
0x63: {  	s10 =	sadd.s32 s5, s9;
	s9 =	sadd.s32 s6, s9;
	[sflag:s17] =	ssyncadd.s32 $0xFFFFD800  }
0x64: {  	[tilespmem:s19], [sflag:$0x2] =	stream.linear.gather [hbm4b:s10+s3], $0x80, $0x38;
	[tilespmem:$0x19200] =	vst v63  }
0x65: {  	_ = 	snop  }
0x66: {  	[tilespmem:s30], [sflag:$0x4] =	stream.linear.gather [hbm4b:s9+s3], $0x80, $0x38;
	[tilespmem:$0x19200] =	vst v63  }
0x67: {  	_ =	swait.ge [sflag:s20], $0x80  }
0x68: {  	[sflag:s20] =	ssyncset.done $0x0  }
0x69: {  	[sflag:s20] =	ssyncadd.s32 $0xFFFFFF80  }
0x6a: {  	[tilespmem:s22], [sflag:$0x5] =	stream.indirect.gather [hbm4b:s4+s21], $0x80, s3, s21, $0xb8;
	[tilespmem:$0x19200] =	vst v63  }
0x6b: {  	_ =	swait.ge [sflag:s23], $0x80  }
0x6c: {  	[sflag:s23] =	ssyncset.done $0x0  }
0x6d: {  	[sflag:s23] =	ssyncadd.s32 $0xFFFFFF80  }
0x6e: {  	[tilespmem:s24], [sflag:$0x6] =	stream.indirect.gather [hbm4b:s4+s21], $0x80, s19, s21, $0xb8;
	[tilespmem:$0x19200] =	vst v63  }
.Ltmp0:
0x6f: {  	s9 =	sadd.s32 $0xFFFFFF80, s0;
	_ =	swait.ge [sflag:s25], $0x2800;
	(pc) =	sbr.rel @p0 .LBB2_2-.Ltmp0, $4  }
0x70: {  	s10 =	sand.u32 $0x7C00, s9;
	[sflag:s25] =	ssyncset.done $0x0  }
0x71: {  	s9 =	sand.u32 $0x300, s9;
	s10 =	sadd.s32 s7, s10;
	[sflag:s25] =	ssyncadd.s32 $0xFFFFD800  }
0x72: {  	s9 =	sor.u32 s9, s10;
	_ =	swait.ge [sflag:s26], $0x80  }
0x73: {  	s9 =	sshrl.u32 s9, $0x3;
	[sflag:s26] =	ssyncset.done $0x0  }
0x74: {  	[sflag:s26] =	ssyncadd.s32 $0xFFFFFF80  }
0x75: {  	[spmem:s2] =	stream.indirect.scatter.add.f32 [tilespmem:s22], [sflag:$0x7], $0x80, s18, s21, $0xb8;
	[tilespmem:$0x19200] =	vst v63  }
0x76: {  	_ =	swait.ge [sflag:s17], $0x2800  }
0x77: {  	[sflag:s17] =	ssyncset.done $0x0  }
0x78: {  	s1 =	sadd.s32 s5, s9;
	[sflag:s17] =	ssyncadd.s32 $0xFFFFD800  }
0x79: {  	[tilespmem:s3], [sflag:$0x1] =	stream.linear.gather [hbm4b:s1+s3], $0x80, $0x38;
	[tilespmem:$0x19200] =	vst v63  }
0x7a: {  	s11 =	sadd.s32 s6, s9  }
0x7b: {  	[tilespmem:s18], [sflag:$0x3] =	stream.linear.gather [hbm4b:s11+s3], $0x80, $0x38;
	[tilespmem:$0x19200] =	vst v63  }
0x7c: {  	_ =	swait.ge [sflag:s28], $0x2800  }
0x7d: {  	[sflag:s28] =	ssyncset.done $0x0  }
0x7e: {  	[sflag:s28] =	ssyncadd.s32 $0xFFFFD800  }
0x7f: {  	_ =	swait.ge [sflag:s29], $0x80  }
0x80: {  	s9 =	sand.u32 $0x7C00, s0;
	[sflag:s29] =	ssyncset.done $0x0  }
0x81: {  	s10 =	sand.u32 $0x380, s0;
	s1 =	sadd.s32 s7, s9;
	[sflag:s29] =	ssyncadd.s32 $0xFFFFFF80  }
0x82: {  	[spmem:s2] =	stream.indirect.scatter.add.f32 [tilespmem:s24], [sflag:$0x7], $0x80, s30, s21, $0xb8;
	[tilespmem:$0x19200] =	vst v63  }
0x83: {  	s0 =	sor.u32 s10, s1;
	_ =	swait.ge [sflag:s17], $0x2800  }
0x84: {  	s0 =	sshrl.u32 s0, $0x3;
	[sflag:s17] =	ssyncset.done $0x0  }
0x85: {  	s11 =	sadd.s32 s5, s0;
	[sflag:s17] =	ssyncadd.s32 $0xFFFFD800  }
0x86: {  	[tilespmem:s19], [sflag:$0x2] =	stream.linear.gather [hbm4b:s11+s3], $0x80, $0x38;
	[tilespmem:$0x19200] =	vst v63  }
0x87: {  	s0 =	sadd.s32 s6, s0  }
0x88: {  	[tilespmem:s30], [sflag:$0x4] =	stream.linear.gather [hbm4b:s0+s3], $0x80, $0x38;
	[tilespmem:$0x19200] =	vst v63  }
0x89: {  	_ =	swait.ge [sflag:s20], $0x80  }
0x8a: {  	[sflag:s20] =	ssyncset.done $0x0  }
0x8b: {  	[sflag:s20] =	ssyncadd.s32 $0xFFFFFF80  }
0x8c: {  	[tilespmem:s22], [sflag:$0x5] =	stream.indirect.gather [hbm4b:s4+s21], $0x80, s3, s21, $0xb8;
	[tilespmem:$0x19200] =	vst v63  }
0x8d: {  	_ =	swait.ge [sflag:s23], $0x80  }
0x8e: {  	[sflag:s23] =	ssyncset.done $0x0  }
0x8f: {  	[sflag:s23] =	ssyncadd.s32 $0xFFFFFF80  }
0x90: {  	[tilespmem:s24], [sflag:$0x6] =	stream.indirect.gather [hbm4b:s4+s21], $0x80, s19, s21, $0xb8;
	[tilespmem:$0x19200] =	vst v63  }
0x91: {  	_ =	swait.ge [sflag:s25], $0x2800  }
0x92: {  	[sflag:s25] =	ssyncset.done $0x0  }
0x93: {  	[sflag:s25] =	ssyncadd.s32 $0xFFFFD800  }
0x94: {  	_ =	swait.ge [sflag:s26], $0x80  }
0x95: {  	[sflag:s26] =	ssyncset.done $0x0  }
0x96: {  	[sflag:s26] =	ssyncadd.s32 $0xFFFFFF80  }
0x97: {  	[spmem:s2] =	stream.indirect.scatter.add.f32 [tilespmem:s22], [sflag:$0x7], $0x80, s18, s21, $0xb8;
	[tilespmem:$0x19200] =	vst v63  }
0x98: {  	_ =	swait.ge [sflag:s17], $0x2800  }
0x99: {  	[sflag:s17] =	ssyncset.done $0x0  }
0x9a: {  	[sflag:s17] =	ssyncadd.s32 $0xFFFFD800  }
0x9b: {  	_ =	swait.ge [sflag:s28], $0x2800  }
0x9c: {  	[sflag:s28] =	ssyncset.done $0x0  }
0x9d: {  	[sflag:s28] =	ssyncadd.s32 $0xFFFFD800  }
0x9e: {  	_ =	swait.ge [sflag:s29], $0x80  }
0x9f: {  	[sflag:s29] =	ssyncset.done $0x0  }
0xa0: {  	[sflag:s29] =	ssyncadd.s32 $0xFFFFFF80  }
0xa1: {  	[spmem:s2] =	stream.indirect.scatter.add.f32 [tilespmem:s24], [sflag:$0x7], $0x80, s30, s21, $0xb8;
	[tilespmem:$0x19200] =	vst v63  }
0xa2: {  	_ =	swait.ge [sflag:s17], $0x2800  }
0xa3: {  	s31 =	sadd.s32 $0x1, s31;
	[sflag:s17] =	ssyncset.done $0x0  }
0xa4: {  	p0 =	sne.s32 s31, s14;
	[sflag:s17] =	ssyncadd.s32 $0xFFFFD800  }
.Ltmp1:
0xa5: {  	[bflag:$0x0] =	sbarrier.arrive $0xFFFF;
	(pc) =	sbr.rel @p0 .LBB2_1-.Ltmp1, $4  }
0xa6: {  	[hbm:s13], [sflag:s15] =	dma.local [spmem:s16], $0x2800  }
0xa7: {  	_ =	swait.ge [sflag:s17], $0x2800  }
0xa8: {  	[sflag:s17] =	ssyncset.done $0x0  }
0xa9: {  	[sflag:s17] =	ssyncadd.s32 $0xFFFFD800  }
0xaa: {  	_ =	sfence.sel $0x180000  }
0xab: {  	[bflag:$0x0] =	sbarrier.arrive $0xFFFF  }
0xac: {  	_ =	strace $0x90000050  }
0xad: {  	s0 =	stileid.u32;
	[bflag:$0x2] =	sbarrier.arrive $0xFFFF  }
0xae: {  	p0 =	sne.s32 s0, $0x0;
	s0 =	rddreg [dreg:$0x3]  }
0xaf: {  	s0 =	sadd.s32 @!p0 $0x100000, s0  }
0xb0: {  	[sflag:s0] =	ssyncadd.tile.s32 @!p0 $0x1;
	_ =	shalt  }
.Lfunc_end2:
_tile_overlayer_lowered:
.L_overlay_start_2:
0xb1: {  	(tag) =	ssettag $0x2  }
0xb2: {  	s0 =	rddreg [dreg:$0x0];
	s2 =	stileid.u32  }
0xb3: {  	s1 =	rddreg [dreg:$0x1];
	p0 =	sne.s32 s2, $0x0  }
0xb4: {  	s3 =	rddreg [dreg:$0x2];
	[bflag:$0x3] =	sbarrier.arrive $0xFFFF;
	s2 =	simm.s32 @!p0 $0x1C07  }
0xb5: {  	[timem:s3], [sflag:s2] =	dma.local @!p0 [hbm:s0], s1  }
0xb6: {  	s0 =	simm.s32 @!p0 $0x7  }
0xb7: {  	_ =	swait.ge @!p0 [sflag:s0], s1  }
0xb8: {  	s1 =	ssub.s32 @!p0 $0x0, s1;
	[sflag:s0] =	ssyncset.done @!p0 $0x0  }
0xb9: {  	[sflag:s0] =	ssyncadd.s32 @!p0 s1  }
0xba: {  	[bflag:$0x3] =	sbarrier.arrive $0xFFFF  }
0xbb: {  	_ =	shalt  }

</sc_bundles>
